<compile_context>
chip_gen: v7x
topology: tpu7x:2x2x1
jax: 0.10.2.dev20260603
libtpu: 0.0.44.dev20260713+nightly
codegen_flags: <defaults>
</compile_context>

<pallas_src>
import functools

import jax
import jax.numpy as jnp
from jax import lax
from jax.experimental import pallas as pl
from jax.experimental.pallas import tpu as pltpu
from jax.experimental.pallas import tpu_sc as plsc

N = 10000
E = 320000
D = 128
NP = 10240
NC = 2
NS = 16
NW = NC * NS
EPW = E // NW
CH = 80
NCH = EPW // CH
RPS = NP // NS


NB = 4
GD = 2
NBI = 6


def _edge_body(p_hbm, src_hbm, dst_hbm, out_hbm, ei_v, rows_v, acc_sh, sem_i,
               sem_g, sem_s):
  c = lax.axis_index("c")
  s = lax.axis_index("s")
  wid = c * NS + s
  base = wid * EPW

  zeros16 = jnp.zeros((16,), jnp.float32)

  def zero_row(i, _):
    for j in range(D // 16):
      rows_v[0, i, pl.ds(j * 16, 16)] = zeros16
    return 0

  lax.fori_loop(0, CH, zero_row, 0)
  row0 = s * RPS
  for i in range(RPS // CH):
    pltpu.sync_copy(rows_v.at[0], acc_sh.at[pl.ds(row0 + i * CH, CH)])
  plsc.subcore_barrier()

  def idx_descs(f):
    start = pl.multiple_of(base + f * CH, 8)
    bi = f % NBI
    return (
        pltpu.make_async_copy(src_hbm.at[pl.ds(start, CH)], ei_v.at[bi, 0],
                              sem_i.at[bi]),
        pltpu.make_async_copy(dst_hbm.at[pl.ds(start, CH)], ei_v.at[bi, 1],
                              sem_i.at[bi]),
    )

  def idx_start(f):
    for dsc in idx_descs(f):
      dsc.start()

  def idx_wait(f):
    for dsc in idx_descs(f):
      dsc.wait()

  def gather_start(f):
    b = f % NB
    pltpu.async_copy(p_hbm.at[ei_v.at[f % NBI, 0]], rows_v.at[b],
                     sem_g.at[b])

  def gather_wait(j):
    b = j % NB
    pltpu.make_async_copy(p_hbm.at[ei_v.at[j % NBI, 0]], rows_v.at[b],
                          sem_g.at[b]).wait()

  def scatter_start(j):
    b = j % NB
    pltpu.async_copy(rows_v.at[b], acc_sh.at[ei_v.at[j % NBI, 1]],
                     sem_s.at[b], add=True)

  def scatter_wait(j):
    b = j % NB
    pltpu.make_async_copy(rows_v.at[b], acc_sh.at[ei_v.at[j % NBI, 1]],
                          sem_s.at[b]).wait()

  for f in range(GD + 1):
    idx_start(f)
  for f in range(GD):
    idx_wait(f)
    gather_start(f)

  def chunk(j, _):
    gather_wait(j)
    scatter_start(j)
    f = j + GD

    @pl.when(f < NCH)
    def _():
      idx_wait(f)
      @pl.when(f >= NB)
      def _():
        scatter_wait(f - NB)

      gather_start(f)

    fx = j + GD + 1

    @pl.when(fx < NCH)
    def _():
      idx_start(fx)

    return 0

  lax.fori_loop(0, NCH, chunk, 0)
  for j in range(NCH - NB, NCH):
    scatter_wait(j)
  plsc.subcore_barrier()

  out_row = c * NP + s * RPS
  pltpu.sync_copy(acc_sh.at[pl.ds(s * RPS, RPS)],
                  out_hbm.at[pl.ds(out_row, RPS)])


_edge_pass = pl.kernel(
    _edge_body,
    out_type=jax.ShapeDtypeStruct((NC * NP, D), jnp.float32),
    mesh=plsc.VectorSubcoreMesh(core_axis_name="c", subcore_axis_name="s"),
    scratch_types=[
        pltpu.VMEM((NBI, 2, CH), jnp.int32),
        pltpu.VMEM((NB, CH, D), jnp.float32),
        pltpu.VMEM_SHARED((NP, D), jnp.float32),
        pltpu.SemaphoreType.DMA((NBI,)),
        pltpu.SemaphoreType.DMA((NB,)),
        pltpu.SemaphoreType.DMA((NB,)),
    ],
)



_BM = 2048
_EK = 6400
_NH = NP // 128


def _count_body(dst_ref, cnt_ref):
  d = dst_ref[1:2, :]
  hi = d // 128
  lo = d - hi * 128
  ihi = lax.broadcasted_iota(jnp.int32, (_NH, _EK), 0)
  ilo = lax.broadcasted_iota(jnp.int32, (128, _EK), 0)
  oh_hi = jnp.where(hi == ihi, 1.0, 0.0).astype(jnp.bfloat16)
  oh_lo = jnp.where(lo == ilo, 1.0, 0.0).astype(jnp.bfloat16)
  part = lax.dot_general(oh_hi, oh_lo, (((1,), (1,)), ((), ())),
                         preferred_element_type=jnp.float32)

  @pl.when(pl.program_id(0) == 0)
  def _():
    cnt_ref[...] = jnp.zeros_like(cnt_ref)

  cnt_ref[...] += part


def _count(edge_index):
  return pl.pallas_call(
      _count_body,
      grid=(E // _EK,),
      in_specs=[pl.BlockSpec((2, _EK), lambda i: (0, i))],
      out_specs=pl.BlockSpec((_NH, 128), lambda i: (0, 0)),
      out_shape=jax.ShapeDtypeStruct((_NH, 128), jnp.float32),
  )(edge_index)


def _proj_body(h_ref, wl_ref, wr_ref, b_ref, p_ref, q_ref):
  h = h_ref[...]
  p_ref[...] = jnp.dot(h, wl_ref[...], preferred_element_type=jnp.float32)
  q_ref[...] = (jnp.dot(h, wr_ref[...], preferred_element_type=jnp.float32)
                + b_ref[...])


def _proj(h, wlT, wrT, b):
  return pl.pallas_call(
      _proj_body,
      grid=(NP // _BM,),
      in_specs=[
          pl.BlockSpec((_BM, D), lambda i: (i, 0)),
          pl.BlockSpec((D, D), lambda i: (0, 0)),
          pl.BlockSpec((D, D), lambda i: (0, 0)),
          pl.BlockSpec((1, D), lambda i: (0, 0)),
      ],
      out_specs=[
          pl.BlockSpec((_BM, D), lambda i: (i, 0)),
          pl.BlockSpec((_BM, D), lambda i: (i, 0)),
      ],
      out_shape=[
          jax.ShapeDtypeStruct((NP, D), jnp.float32),
          jax.ShapeDtypeStruct((NP, D), jnp.float32),
      ],
  )(h, wlT, wrT, b)


def _combine_proj_body(part_ref, cnt_ref, q_ref, wl_ref, wr_ref, b_ref,
                       p_ref, q2_ref):
  ssum = part_ref[0] + part_ref[1]
  c = cnt_ref[...]
  h = jnp.maximum(ssum / jnp.maximum(c, 1.0) + q_ref[...], 0.0)
  p_ref[...] = jnp.dot(h, wl_ref[...], preferred_element_type=jnp.float32)
  q2_ref[...] = (jnp.dot(h, wr_ref[...], preferred_element_type=jnp.float32)
                 + b_ref[...])


def _combine_proj(part, cnt, q, wlT, wrT, b):
  return pl.pallas_call(
      _combine_proj_body,
      grid=(NP // _BM,),
      in_specs=[
          pl.BlockSpec((2, _BM, D), lambda i: (0, i, 0)),
          pl.BlockSpec((_BM, 1), lambda i: (i, 0)),
          pl.BlockSpec((_BM, D), lambda i: (i, 0)),
          pl.BlockSpec((D, D), lambda i: (0, 0)),
          pl.BlockSpec((D, D), lambda i: (0, 0)),
          pl.BlockSpec((1, D), lambda i: (0, 0)),
      ],
      out_specs=[
          pl.BlockSpec((_BM, D), lambda i: (i, 0)),
          pl.BlockSpec((_BM, D), lambda i: (i, 0)),
      ],
      out_shape=[
          jax.ShapeDtypeStruct((NP, D), jnp.float32),
          jax.ShapeDtypeStruct((NP, D), jnp.float32),
      ],
  )(part, cnt, q, wlT, wrT, b)


def _combine_body(part_ref, cnt_ref, q_ref, o_ref, *, softmax):
  ssum = part_ref[0] + part_ref[1]
  c = cnt_ref[...]
  h = jnp.maximum(ssum / jnp.maximum(c, 1.0) + q_ref[...], 0.0)
  if softmax:
    m = jnp.max(h, axis=1, keepdims=True)
    lse = jnp.log(jnp.sum(jnp.exp(h - m), axis=1, keepdims=True)) + m
    h = h - lse
  o_ref[...] = h


def _combine(part, cnt, q, softmax):
  nrows = N if softmax else NP
  return pl.pallas_call(
      functools.partial(_combine_body, softmax=softmax),
      grid=(NP // _BM,),
      in_specs=[
          pl.BlockSpec((2, _BM, D), lambda i: (0, i, 0)),
          pl.BlockSpec((_BM, 1), lambda i: (i, 0)),
          pl.BlockSpec((_BM, D), lambda i: (i, 0)),
      ],
      out_specs=pl.BlockSpec((_BM, D), lambda i: (i, 0)),
      out_shape=jax.ShapeDtypeStruct((nrows, D), jnp.float32),
  )(part, cnt, q)


def kernel(x, edge_index, W1l, b1, W1r, W2l, b2, W2r):
  src = edge_index[0]
  dst = edge_index[1]

  p1, q1 = _proj(x, W1l.T, W1r.T, b1[None])
  acc1 = _edge_pass(p1, src, dst).reshape(NC, NP, D)
  cnt = _count(edge_index).reshape(NP, 1)
  p2, q2 = _combine_proj(acc1, cnt, q1, W2l.T, W2r.T, b2[None])
  acc2 = _edge_pass(p2, src, dst).reshape(NC, NP, D)
  h2 = _combine(acc2, cnt, q2, softmax=True)
  return h2

# --- scband reference (transcript-rebuilt; emitter-appended) ---
"""Pipeline reference for scband-net-41360535060938 (READ-ONLY COPY).

The authoritative reference and input builder live on the scoring server;
editing this copy changes nothing except your own understanding.
"""

import jax, jax.numpy as jnp
import numpy as np

N = 10000
E = 320000
D = 128
H = 128
O = 128


def setup_inputs(seed: int = 0) -> dict:
    key = jax.random.key(seed)
    ks = jax.random.split(key, 9)
    x = jax.random.normal(ks[0], (N, D), dtype=jnp.float32)
    edge_index = jax.random.randint(ks[1], (2, E), 0, N, dtype=jnp.int32)
    s = 1.0 / np.sqrt(D)
    # SAGEConv params per layer: lin_l (neighbors, with bias), lin_r (root, no bias)
    W1l = jax.random.uniform(ks[2], (H, D), jnp.float32, -s, s)
    b1 = jax.random.uniform(ks[3], (H,), jnp.float32, -s, s)
    W1r = jax.random.uniform(ks[4], (H, D), jnp.float32, -s, s)
    s2 = 1.0 / np.sqrt(H)
    W2l = jax.random.uniform(ks[5], (O, H), jnp.float32, -s2, s2)
    b2 = jax.random.uniform(ks[6], (O,), jnp.float32, -s2, s2)
    W2r = jax.random.uniform(ks[7], (O, H), jnp.float32, -s2, s2)
    return {"x": x, "edge_index": edge_index, "W1l": W1l, "b1": b1, "W1r": W1r, "W2l": W2l, "b2": b2, "W2r": W2r}


def _sage_layer(h, edge_index, Wl, bl, Wr):
    src = edge_index[0]
    dst = edge_index[1]
    msgs = jnp.take(h, src, axis=0)                       # gather
    agg = jax.ops.segment_sum(msgs, dst, num_segments=N)  # scatter-add
    cnt = jax.ops.segment_sum(jnp.ones((msgs.shape[0],), h.dtype), dst, num_segments=N)
    mean = agg / jnp.clip(cnt, 1.0)[:, None]
    return mean @ Wl.T + bl + h @ Wr.T


def reference(x, edge_index, W1l, b1, W1r, W2l, b2, W2r):
    # layer 1 + relu (dropout p=0 -> identity)
    h = jax.nn.relu(_sage_layer(x, edge_index, W1l, b1, W1r))
    # layer 2 + relu
    h = jax.nn.relu(_sage_layer(h, edge_index, W2l, b2, W2r))
    return jax.nn.log_softmax(h, axis=1)

if __name__ == "__main__":
    import jax
    _d = setup_inputs()
    print(jax.jit(kernel)(*tuple(_d.values())))

</pallas_src>

<mosaic_0001>
#map = affine_map<(d0, d1) -> (0, 0)>
#map1 = affine_map<(d0, d1) -> (0)>
module attributes {stable_mosaic.version = 14 : i64} {
  func.func @_edge_body(%arg0: i32, %arg1: i32, %arg2: memref<10240x128xf32, #tpu.memory_space<hbm>>, %arg3: memref<320000xi32, #tpu.memory_space<hbm>>, %arg4: memref<320000xi32, #tpu.memory_space<hbm>>, %arg5: memref<20480x128xf32, #tpu.memory_space<hbm>>, %arg6: memref<6x2x80xi32, #tpu.memory_space<vmem>>, %arg7: memref<4x80x128xf32, #tpu.memory_space<vmem>>, %arg8: memref<10240x128xf32, #tpu.memory_space<vmem_shared>>, %arg9: memref<6x!tpu.dma_semaphore, #tpu.memory_space<semaphore_mem>>, %arg10: memref<4x!tpu.dma_semaphore, #tpu.memory_space<semaphore_mem>>, %arg11: memref<4x!tpu.dma_semaphore, #tpu.memory_space<semaphore_mem>>) attributes {dimension_semantics = [#tpu.dimension_semantics<core_parallel>, #tpu.dimension_semantics<subcore_parallel>], iteration_bounds = array<i64: 2, 16>, scalar_prefetch = 0 : i64, scratch_operands = 6 : i64, tpu.core_type = #tpu.core_type<sc_vector_subcore>, window_params = [{transform_indices = #map}, {transform_indices = #map1}, {transform_indices = #map1}, {transform_indices = #map}]} {
    %mul3A = arith.constant 16 : i32
    %mul3A_0 = arith.muli %arg0, %mul3A : i32
    %add3A = arith.addi %mul3A_0, %arg1 : i32
    %mul3A_1 = arith.constant 10000 : i32
    %mul3A_2 = arith.muli %add3A, %mul3A_1 : i32
    %broadcast_in_dim3A = arith.constant 0.000000e+00 : f32
    %broadcast_in_dim3A_3 = vector.broadcast %broadcast_in_dim3A : f32 to vector<16xf32>
    %scan3A = arith.constant 0 : i32
    %scan3A_4 = arith.constant 0 : i32
    %scan3A_5 = arith.constant 80 : i32
    %scan3A_6 = arith.addi %scan3A_4, %scan3A_5 : i32
    %scan3A_7 = arith.constant 1 : i32
    %scan3A_8 = scf.for %scan3A_288 = %scan3A_4 to %scan3A_6 step %scan3A_7 iter_args(%scan3A_289 = %scan3A) -> (i32)  : i32 {
      %swap3A = arith.constant 0 : i32
      %swap3A_290 = arith.index_cast %swap3A : i32 to index
      %swap3A_291 = arith.index_cast %scan3A_288 : i32 to index
      %swap3A_292 = arith.constant 0 : index
      %swap3A_293 = tpu.vector_load %arg7[%swap3A_290, %swap3A_291, %swap3A_292] {strides = array<i32>} : memref<4x80x128xf32, #tpu.memory_space<vmem>>, vector<1x1x16xf32>,
      %swap3A_294 = vector.shape_cast %swap3A_293 : vector<1x1x16xf32> to vector<16xf32>
      %swap3A_295 = vector.shape_cast %broadcast_in_dim3A_3 : vector<16xf32> to vector<1x1x16xf32>
      tpu.vector_store %arg7[%swap3A_290, %swap3A_291, %swap3A_292], %swap3A_295 {strides = array<i32>} : memref<4x80x128xf32, #tpu.memory_space<vmem>>, vector<1x1x16xf32>,
      %swap3A_296 = arith.constant 0 : i32
      %swap3A_297 = arith.index_cast %swap3A_296 : i32 to index
      %swap3A_298 = arith.index_cast %scan3A_288 : i32 to index
      %swap3A_299 = arith.constant 16 : index
      %swap3A_300 = tpu.vector_load %arg7[%swap3A_297, %swap3A_298, %swap3A_299] {strides = array<i32>} : memref<4x80x128xf32, #tpu.memory_space<vmem>>, vector<1x1x16xf32>,
      %swap3A_301 = vector.shape_cast %swap3A_300 : vector<1x1x16xf32> to vector<16xf32>
      %swap3A_302 = vector.shape_cast %broadcast_in_dim3A_3 : vector<16xf32> to vector<1x1x16xf32>
      tpu.vector_store %arg7[%swap3A_297, %swap3A_298, %swap3A_299], %swap3A_302 {strides = array<i32>} : memref<4x80x128xf32, #tpu.memory_space<vmem>>, vector<1x1x16xf32>,
      %swap3A_303 = arith.constant 0 : i32
      %swap3A_304 = arith.index_cast %swap3A_303 : i32 to index
      %swap3A_305 = arith.index_cast %scan3A_288 : i32 to index
      %swap3A_306 = arith.constant 32 : index
      %swap3A_307 = tpu.vector_load %arg7[%swap3A_304, %swap3A_305, %swap3A_306] {strides = array<i32>} : memref<4x80x128xf32, #tpu.memory_space<vmem>>, vector<1x1x16xf32>,
      %swap3A_308 = vector.shape_cast %swap3A_307 : vector<1x1x16xf32> to vector<16xf32>
      %swap3A_309 = vector.shape_cast %broadcast_in_dim3A_3 : vector<16xf32> to vector<1x1x16xf32>
      tpu.vector_store %arg7[%swap3A_304, %swap3A_305, %swap3A_306], %swap3A_309 {strides = array<i32>} : memref<4x80x128xf32, #tpu.memory_space<vmem>>, vector<1x1x16xf32>,
      %swap3A_310 = arith.constant 0 : i32
      %swap3A_311 = arith.index_cast %swap3A_310 : i32 to index
      %swap3A_312 = arith.index_cast %scan3A_288 : i32 to index
      %swap3A_313 = arith.constant 48 : index
      %swap3A_314 = tpu.vector_load %arg7[%swap3A_311, %swap3A_312, %swap3A_313] {strides = array<i32>} : memref<4x80x128xf32, #tpu.memory_space<vmem>>, vector<1x1x16xf32>,
      %swap3A_315 = vector.shape_cast %swap3A_314 : vector<1x1x16xf32> to vector<16xf32>
      %swap3A_316 = vector.shape_cast %broadcast_in_dim3A_3 : vector<16xf32> to vector<1x1x16xf32>
      tpu.vector_store %arg7[%swap3A_311, %swap3A_312, %swap3A_313], %swap3A_316 {strides = array<i32>} : memref<4x80x128xf32, #tpu.memory_space<vmem>>, vector<1x1x16xf32>,
      %swap3A_317 = arith.constant 0 : i32
      %swap3A_318 = arith.index_cast %swap3A_317 : i32 to index
      %swap3A_319 = arith.index_cast %scan3A_288 : i32 to index
      %swap3A_320 = arith.constant 64 : index
      %swap3A_321 = tpu.vector_load %arg7[%swap3A_318, %swap3A_319, %swap3A_320] {strides = array<i32>} : memref<4x80x128xf32, #tpu.memory_space<vmem>>, vector<1x1x16xf32>,
      %swap3A_322 = vector.shape_cast %swap3A_321 : vector<1x1x16xf32> to vector<16xf32>
      %swap3A_323 = vector.shape_cast %broadcast_in_dim3A_3 : vector<16xf32> to vector<1x1x16xf32>
      tpu.vector_store %arg7[%swap3A_318, %swap3A_319, %swap3A_320], %swap3A_323 {strides = array<i32>} : memref<4x80x128xf32, #tpu.memory_space<vmem>>, vector<1x1x16xf32>,
      %swap3A_324 = arith.constant 0 : i32
      %swap3A_325 = arith.index_cast %swap3A_324 : i32 to index
      %swap3A_326 = arith.index_cast %scan3A_288 : i32 to index
      %swap3A_327 = arith.constant 80 : index
      %swap3A_328 = tpu.vector_load %arg7[%swap3A_325, %swap3A_326, %swap3A_327] {strides = array<i32>} : memref<4x80x128xf32, #tpu.memory_space<vmem>>, vector<1x1x16xf32>,
      %swap3A_329 = vector.shape_cast %swap3A_328 : vector<1x1x16xf32> to vector<16xf32>
      %swap3A_330 = vector.shape_cast %broadcast_in_dim3A_3 : vector<16xf32> to vector<1x1x16xf32>
      tpu.vector_store %arg7[%swap3A_325, %swap3A_326, %swap3A_327], %swap3A_330 {strides = array<i32>} : memref<4x80x128xf32, #tpu.memory_space<vmem>>, vector<1x1x16xf32>,
      %swap3A_331 = arith.constant 0 : i32
      %swap3A_332 = arith.index_cast %swap3A_331 : i32 to index
      %swap3A_333 = arith.index_cast %scan3A_288 : i32 to index
      %swap3A_334 = arith.constant 96 : index
      %swap3A_335 = tpu.vector_load %arg7[%swap3A_332, %swap3A_333, %swap3A_334] {strides = array<i32>} : memref<4x80x128xf32, #tpu.memory_space<vmem>>, vector<1x1x16xf32>,
      %swap3A_336 = vector.shape_cast %swap3A_335 : vector<1x1x16xf32> to vector<16xf32>
      %swap3A_337 = vector.shape_cast %broadcast_in_dim3A_3 : vector<16xf32> to vector<1x1x16xf32>
      tpu.vector_store %arg7[%swap3A_332, %swap3A_333, %swap3A_334], %swap3A_337 {strides = array<i32>} : memref<4x80x128xf32, #tpu.memory_space<vmem>>, vector<1x1x16xf32>,
      %swap3A_338 = arith.constant 0 : i32
      %swap3A_339 = arith.index_cast %swap3A_338 : i32 to index
      %swap3A_340 = arith.index_cast %scan3A_288 : i32 to index
      %swap3A_341 = arith.constant 112 : index
      %swap3A_342 = tpu.vector_load %arg7[%swap3A_339, %swap3A_340, %swap3A_341] {strides = array<i32>} : memref<4x80x128xf32, #tpu.memory_space<vmem>>, vector<1x1x16xf32>,
      %swap3A_343 = vector.shape_cast %swap3A_342 : vector<1x1x16xf32> to vector<16xf32>
      %swap3A_344 = vector.shape_cast %broadcast_in_dim3A_3 : vector<16xf32> to vector<1x1x16xf32>
      tpu.vector_store %arg7[%swap3A_339, %swap3A_340, %swap3A_341], %swap3A_344 {strides = array<i32>} : memref<4x80x128xf32, #tpu.memory_space<vmem>>, vector<1x1x16xf32>,
      %scan3A_345 = arith.constant 0 : i32
      scf.yield %scan3A_345 : i32
    }
    %scan3A_9 = arith.constant 80 : i32
    %mul3A_10 = arith.constant 640 : i32
    %mul3A_11 = arith.muli %arg1, %mul3A_10 : i32
    %add3A_12 = arith.constant 0 : i32
    %add3A_13 = arith.addi %mul3A_11, %add3A_12 : i32
    %run_scoped3A = arith.constant 0 : i32
    "tpu.region"() ({
      %run_scoped3A_288 = tpu.sem_alloc : memref<!tpu.dma_semaphore, #tpu.memory_space<semaphore_mem>>
      %dma_start3A_289 = arith.constant 0 : i32
      %dma_start3A_290 = arith.constant 0 : i32
      %dma_start3A_291 = tpu.memref_slice %arg7[%run_scoped3A, %dma_start3A_289, %dma_start3A_290] : memref<4x80x128xf32, #tpu.memory_space<vmem>> -> memref<1x80x128xf32, #tpu.memory_space<vmem>>
      %dma_start3A_292 = tpu.memref_squeeze %dma_start3A_291 : memref<1x80x128xf32, #tpu.memory_space<vmem>> -> memref<80x128xf32, #tpu.memory_space<vmem>>
      %dma_start3A_293 = arith.constant 0 : i32
      %dma_start3A_294 = tpu.memref_slice %arg8[%add3A_13, %dma_start3A_293] : memref<10240x128xf32, #tpu.memory_space<vmem_shared>> -> memref<80x128xf32, #tpu.memory_space<vmem_shared>>
      %dma_start3A_295 = arith.constant 0 : i32
      %dma_start3A_296 = tpu.memref_slice %arg8[%add3A_13, %dma_start3A_295] : memref<10240x128xf32, #tpu.memory_space<vmem_shared>> -> memref<80x128xf32, #tpu.memory_space<vmem_shared>>
      %dma_start3A_297 = arith.constant 0 : i32
      %dma_start3A_298 = arith.constant 0 : i32
      %dma_start3A_299 = tpu.memref_slice %arg7[%run_scoped3A, %dma_start3A_297, %dma_start3A_298] : memref<4x80x128xf32, #tpu.memory_space<vmem>> -> memref<1x80x128xf32, #tpu.memory_space<vmem>>
      %dma_start3A_300 = tpu.memref_squeeze %dma_start3A_299 : memref<1x80x128xf32, #tpu.memory_space<vmem>> -> memref<80x128xf32, #tpu.memory_space<vmem>>
      tpu.enqueue_dma source(%dma_start3A_300 : memref<80x128xf32, #tpu.memory_space<vmem>>) target(%dma_start3A_296 : memref<80x128xf32, #tpu.memory_space<vmem_shared>>) target_semaphore(%run_scoped3A_288 : memref<!tpu.dma_semaphore, #tpu.memory_space<semaphore_mem>>)
      %dma_wait3A_301 = arith.constant 0 : i32
      %dma_wait3A_302 = arith.constant 0 : i32
      %dma_wait3A_303 = tpu.memref_slice %arg7[%run_scoped3A, %dma_wait3A_301, %dma_wait3A_302] : memref<4x80x128xf32, #tpu.memory_space<vmem>> -> memref<1x80x128xf32, #tpu.memory_space<vmem>>
      %dma_wait3A_304 = tpu.memref_squeeze %dma_wait3A_303 : memref<1x80x128xf32, #tpu.memory_space<vmem>> -> memref<80x128xf32, #tpu.memory_space<vmem>>
      %dma_wait3A_305 = arith.constant 0 : i32
      %dma_wait3A_306 = tpu.memref_slice %arg8[%add3A_13, %dma_wait3A_305] : memref<10240x128xf32, #tpu.memory_space<vmem_shared>> -> memref<80x128xf32, #tpu.memory_space<vmem_shared>>
      %dma_wait3A_307 = arith.constant 0 : i32
      %dma_wait3A_308 = tpu.memref_slice %arg8[%add3A_13, %dma_wait3A_307] : memref<10240x128xf32, #tpu.memory_space<vmem_shared>> -> memref<80x128xf32, #tpu.memory_space<vmem_shared>>
      %dma_wait3A_309 = arith.constant 0 : i32
      %dma_wait3A_310 = arith.constant 0 : i32
      %dma_wait3A_311 = tpu.memref_slice %arg7[%run_scoped3A, %dma_wait3A_309, %dma_wait3A_310] : memref<4x80x128xf32, #tpu.memory_space<vmem>> -> memref<1x80x128xf32, #tpu.memory_space<vmem>>
      %dma_wait3A_312 = tpu.memref_squeeze %dma_wait3A_311 : memref<1x80x128xf32, #tpu.memory_space<vmem>> -> memref<80x128xf32, #tpu.memory_space<vmem>>
      tpu.wait_dma2 semaphore(%run_scoped3A_288 : memref<!tpu.dma_semaphore, #tpu.memory_space<semaphore_mem>>) src(%dma_wait3A_312 : memref<80x128xf32, #tpu.memory_space<vmem>>) dst(%dma_wait3A_308 : memref<80x128xf32, #tpu.memory_space<vmem_shared>>)
      tpu.yield
    }) : () -> ()
    %add3A_14 = arith.constant 80 : i32
    %add3A_15 = arith.addi %mul3A_11, %add3A_14 : i32
    %run_scoped3A_16 = arith.constant 0 : i32
    "tpu.region"() ({
      %run_scoped3A_288 = tpu.sem_alloc : memref<!tpu.dma_semaphore, #tpu.memory_space<semaphore_mem>>
      %dma_start3A_289 = arith.constant 0 : i32
      %dma_start3A_290 = arith.constant 0 : i32
      %dma_start3A_291 = tpu.memref_slice %arg7[%run_scoped3A_16, %dma_start3A_289, %dma_start3A_290] : memref<4x80x128xf32, #tpu.memory_space<vmem>> -> memref<1x80x128xf32, #tpu.memory_space<vmem>>
      %dma_start3A_292 = tpu.memref_squeeze %dma_start3A_291 : memref<1x80x128xf32, #tpu.memory_space<vmem>> -> memref<80x128xf32, #tpu.memory_space<vmem>>
      %dma_start3A_293 = arith.constant 0 : i32
      %dma_start3A_294 = tpu.memref_slice %arg8[%add3A_15, %dma_start3A_293] : memref<10240x128xf32, #tpu.memory_space<vmem_shared>> -> memref<80x128xf32, #tpu.memory_space<vmem_shared>>
      %dma_start3A_295 = arith.constant 0 : i32
      %dma_start3A_296 = tpu.memref_slice %arg8[%add3A_15, %dma_start3A_295] : memref<10240x128xf32, #tpu.memory_space<vmem_shared>> -> memref<80x128xf32, #tpu.memory_space<vmem_shared>>
      %dma_start3A_297 = arith.constant 0 : i32
      %dma_start3A_298 = arith.constant 0 : i32
      %dma_start3A_299 = tpu.memref_slice %arg7[%run_scoped3A_16, %dma_start3A_297, %dma_start3A_298] : memref<4x80x128xf32, #tpu.memory_space<vmem>> -> memref<1x80x128xf32, #tpu.memory_space<vmem>>
      %dma_start3A_300 = tpu.memref_squeeze %dma_start3A_299 : memref<1x80x128xf32, #tpu.memory_space<vmem>> -> memref<80x128xf32, #tpu.memory_space<vmem>>
      tpu.enqueue_dma source(%dma_start3A_300 : memref<80x128xf32, #tpu.memory_space<vmem>>) target(%dma_start3A_296 : memref<80x128xf32, #tpu.memory_space<vmem_shared>>) target_semaphore(%run_scoped3A_288 : memref<!tpu.dma_semaphore, #tpu.memory_space<semaphore_mem>>)
      %dma_wait3A_301 = arith.constant 0 : i32
      %dma_wait3A_302 = arith.constant 0 : i32
      %dma_wait3A_303 = tpu.memref_slice %arg7[%run_scoped3A_16, %dma_wait3A_301, %dma_wait3A_302] : memref<4x80x128xf32, #tpu.memory_space<vmem>> -> memref<1x80x128xf32, #tpu.memory_space<vmem>>
      %dma_wait3A_304 = tpu.memref_squeeze %dma_wait3A_303 : memref<1x80x128xf32, #tpu.memory_space<vmem>> -> memref<80x128xf32, #tpu.memory_space<vmem>>
      %dma_wait3A_305 = arith.constant 0 : i32
      %dma_wait3A_306 = tpu.memref_slice %arg8[%add3A_15, %dma_wait3A_305] : memref<10240x128xf32, #tpu.memory_space<vmem_shared>> -> memref<80x128xf32, #tpu.memory_space<vmem_shared>>
      %dma_wait3A_307 = arith.constant 0 : i32
      %dma_wait3A_308 = tpu.memref_slice %arg8[%add3A_15, %dma_wait3A_307] : memref<10240x128xf32, #tpu.memory_space<vmem_shared>> -> memref<80x128xf32, #tpu.memory_space<vmem_shared>>
      %dma_wait3A_309 = arith.constant 0 : i32
      %dma_wait3A_310 = arith.constant 0 : i32
      %dma_wait3A_311 = tpu.memref_slice %arg7[%run_scoped3A_16, %dma_wait3A_309, %dma_wait3A_310] : memref<4x80x128xf32, #tpu.memory_space<vmem>> -> memref<1x80x128xf32, #tpu.memory_space<vmem>>
      %dma_wait3A_312 = tpu.memref_squeeze %dma_wait3A_311 : memref<1x80x128xf32, #tpu.memory_space<vmem>> -> memref<80x128xf32, #tpu.memory_space<vmem>>
      tpu.wait_dma2 semaphore(%run_scoped3A_288 : memref<!tpu.dma_semaphore, #tpu.memory_space<semaphore_mem>>) src(%dma_wait3A_312 : memref<80x128xf32, #tpu.memory_space<vmem>>) dst(%dma_wait3A_308 : memref<80x128xf32, #tpu.memory_space<vmem_shared>>)
      tpu.yield
    }) : () -> ()
    %add3A_17 = arith.constant 160 : i32
    %add3A_18 = arith.addi %mul3A_11, %add3A_17 : i32
    %run_scoped3A_19 = arith.constant 0 : i32
    "tpu.region"() ({
      %run_scoped3A_288 = tpu.sem_alloc : memref<!tpu.dma_semaphore, #tpu.memory_space<semaphore_mem>>
      %dma_start3A_289 = arith.constant 0 : i32
      %dma_start3A_290 = arith.constant 0 : i32
      %dma_start3A_291 = tpu.memref_slice %arg7[%run_scoped3A_19, %dma_start3A_289, %dma_start3A_290] : memref<4x80x128xf32, #tpu.memory_space<vmem>> -> memref<1x80x128xf32, #tpu.memory_space<vmem>>
      %dma_start3A_292 = tpu.memref_squeeze %dma_start3A_291 : memref<1x80x128xf32, #tpu.memory_space<vmem>> -> memref<80x128xf32, #tpu.memory_space<vmem>>
      %dma_start3A_293 = arith.constant 0 : i32
      %dma_start3A_294 = tpu.memref_slice %arg8[%add3A_18, %dma_start3A_293] : memref<10240x128xf32, #tpu.memory_space<vmem_shared>> -> memref<80x128xf32, #tpu.memory_space<vmem_shared>>
      %dma_start3A_295 = arith.constant 0 : i32
      %dma_start3A_296 = tpu.memref_slice %arg8[%add3A_18, %dma_start3A_295] : memref<10240x128xf32, #tpu.memory_space<vmem_shared>> -> memref<80x128xf32, #tpu.memory_space<vmem_shared>>
      %dma_start3A_297 = arith.constant 0 : i32
      %dma_start3A_298 = arith.constant 0 : i32
      %dma_start3A_299 = tpu.memref_slice %arg7[%run_scoped3A_19, %dma_start3A_297, %dma_start3A_298] : memref<4x80x128xf32, #tpu.memory_space<vmem>> -> memref<1x80x128xf32, #tpu.memory_space<vmem>>
      %dma_start3A_300 = tpu.memref_squeeze %dma_start3A_299 : memref<1x80x128xf32, #tpu.memory_space<vmem>> -> memref<80x128xf32, #tpu.memory_space<vmem>>
      tpu.enqueue_dma source(%dma_start3A_300 : memref<80x128xf32, #tpu.memory_space<vmem>>) target(%dma_start3A_296 : memref<80x128xf32, #tpu.memory_space<vmem_shared>>) target_semaphore(%run_scoped3A_288 : memref<!tpu.dma_semaphore, #tpu.memory_space<semaphore_mem>>)
      %dma_wait3A_301 = arith.constant 0 : i32
      %dma_wait3A_302 = arith.constant 0 : i32
      %dma_wait3A_303 = tpu.memref_slice %arg7[%run_scoped3A_19, %dma_wait3A_301, %dma_wait3A_302] : memref<4x80x128xf32, #tpu.memory_space<vmem>> -> memref<1x80x128xf32, #tpu.memory_space<vmem>>
      %dma_wait3A_304 = tpu.memref_squeeze %dma_wait3A_303 : memref<1x80x128xf32, #tpu.memory_space<vmem>> -> memref<80x128xf32, #tpu.memory_space<vmem>>
      %dma_wait3A_305 = arith.constant 0 : i32
      %dma_wait3A_306 = tpu.memref_slice %arg8[%add3A_18, %dma_wait3A_305] : memref<10240x128xf32, #tpu.memory_space<vmem_shared>> -> memref<80x128xf32, #tpu.memory_space<vmem_shared>>
      %dma_wait3A_307 = arith.constant 0 : i32
      %dma_wait3A_308 = tpu.memref_slice %arg8[%add3A_18, %dma_wait3A_307] : memref<10240x128xf32, #tpu.memory_space<vmem_shared>> -> memref<80x128xf32, #tpu.memory_space<vmem_shared>>
      %dma_wait3A_309 = arith.constant 0 : i32
      %dma_wait3A_310 = arith.constant 0 : i32
      %dma_wait3A_311 = tpu.memref_slice %arg7[%run_scoped3A_19, %dma_wait3A_309, %dma_wait3A_310] : memref<4x80x128xf32, #tpu.memory_space<vmem>> -> memref<1x80x128xf32, #tpu.memory_space<vmem>>
      %dma_wait3A_312 = tpu.memref_squeeze %dma_wait3A_311 : memref<1x80x128xf32, #tpu.memory_space<vmem>> -> memref<80x128xf32, #tpu.memory_space<vmem>>
      tpu.wait_dma2 semaphore(%run_scoped3A_288 : memref<!tpu.dma_semaphore, #tpu.memory_space<semaphore_mem>>) src(%dma_wait3A_312 : memref<80x128xf32, #tpu.memory_space<vmem>>) dst(%dma_wait3A_308 : memref<80x128xf32, #tpu.memory_space<vmem_shared>>)
      tpu.yield
    }) : () -> ()
    %add3A_20 = arith.constant 240 : i32
    %add3A_21 = arith.addi %mul3A_11, %add3A_20 : i32
    %run_scoped3A_22 = arith.constant 0 : i32
    "tpu.region"() ({
      %run_scoped3A_288 = tpu.sem_alloc : memref<!tpu.dma_semaphore, #tpu.memory_space<semaphore_mem>>
      %dma_start3A_289 = arith.constant 0 : i32
      %dma_start3A_290 = arith.constant 0 : i32
      %dma_start3A_291 = tpu.memref_slice %arg7[%run_scoped3A_22, %dma_start3A_289, %dma_start3A_290] : memref<4x80x128xf32, #tpu.memory_space<vmem>> -> memref<1x80x128xf32, #tpu.memory_space<vmem>>
      %dma_start3A_292 = tpu.memref_squeeze %dma_start3A_291 : memref<1x80x128xf32, #tpu.memory_space<vmem>> -> memref<80x128xf32, #tpu.memory_space<vmem>>
      %dma_start3A_293 = arith.constant 0 : i32
      %dma_start3A_294 = tpu.memref_slice %arg8[%add3A_21, %dma_start3A_293] : memref<10240x128xf32, #tpu.memory_space<vmem_shared>> -> memref<80x128xf32, #tpu.memory_space<vmem_shared>>
      %dma_start3A_295 = arith.constant 0 : i32
      %dma_start3A_296 = tpu.memref_slice %arg8[%add3A_21, %dma_start3A_295] : memref<10240x128xf32, #tpu.memory_space<vmem_shared>> -> memref<80x128xf32, #tpu.memory_space<vmem_shared>>
      %dma_start3A_297 = arith.constant 0 : i32
      %dma_start3A_298 = arith.constant 0 : i32
      %dma_start3A_299 = tpu.memref_slice %arg7[%run_scoped3A_22, %dma_start3A_297, %dma_start3A_298] : memref<4x80x128xf32, #tpu.memory_space<vmem>> -> memref<1x80x128xf32, #tpu.memory_space<vmem>>
      %dma_start3A_300 = tpu.memref_squeeze %dma_start3A_299 : memref<1x80x128xf32, #tpu.memory_space<vmem>> -> memref<80x128xf32, #tpu.memory_space<vmem>>
      tpu.enqueue_dma source(%dma_start3A_300 : memref<80x128xf32, #tpu.memory_space<vmem>>) target(%dma_start3A_296 : memref<80x128xf32, #tpu.memory_space<vmem_shared>>) target_semaphore(%run_scoped3A_288 : memref<!tpu.dma_semaphore, #tpu.memory_space<semaphore_mem>>)
      %dma_wait3A_301 = arith.constant 0 : i32
      %dma_wait3A_302 = arith.constant 0 : i32
      %dma_wait3A_303 = tpu.memref_slice %arg7[%run_scoped3A_22, %dma_wait3A_301, %dma_wait3A_302] : memref<4x80x128xf32, #tpu.memory_space<vmem>> -> memref<1x80x128xf32, #tpu.memory_space<vmem>>
      %dma_wait3A_304 = tpu.memref_squeeze %dma_wait3A_303 : memref<1x80x128xf32, #tpu.memory_space<vmem>> -> memref<80x128xf32, #tpu.memory_space<vmem>>
      %dma_wait3A_305 = arith.constant 0 : i32
      %dma_wait3A_306 = tpu.memref_slice %arg8[%add3A_21, %dma_wait3A_305] : memref<10240x128xf32, #tpu.memory_space<vmem_shared>> -> memref<80x128xf32, #tpu.memory_space<vmem_shared>>
      %dma_wait3A_307 = arith.constant 0 : i32
      %dma_wait3A_308 = tpu.memref_slice %arg8[%add3A_21, %dma_wait3A_307] : memref<10240x128xf32, #tpu.memory_space<vmem_shared>> -> memref<80x128xf32, #tpu.memory_space<vmem_shared>>
      %dma_wait3A_309 = arith.constant 0 : i32
      %dma_wait3A_310 = arith.constant 0 : i32
      %dma_wait3A_311 = tpu.memref_slice %arg7[%run_scoped3A_22, %dma_wait3A_309, %dma_wait3A_310] : memref<4x80x128xf32, #tpu.memory_space<vmem>> -> memref<1x80x128xf32, #tpu.memory_space<vmem>>
      %dma_wait3A_312 = tpu.memref_squeeze %dma_wait3A_311 : memref<1x80x128xf32, #tpu.memory_space<vmem>> -> memref<80x128xf32, #tpu.memory_space<vmem>>
      tpu.wait_dma2 semaphore(%run_scoped3A_288 : memref<!tpu.dma_semaphore, #tpu.memory_space<semaphore_mem>>) src(%dma_wait3A_312 : memref<80x128xf32, #tpu.memory_space<vmem>>) dst(%dma_wait3A_308 : memref<80x128xf32, #tpu.memory_space<vmem_shared>>)
      tpu.yield
    }) : () -> ()
    %add3A_23 = arith.constant 320 : i32
    %add3A_24 = arith.addi %mul3A_11, %add3A_23 : i32
    %run_scoped3A_25 = arith.constant 0 : i32
    "tpu.region"() ({
      %run_scoped3A_288 = tpu.sem_alloc : memref<!tpu.dma_semaphore, #tpu.memory_space<semaphore_mem>>
      %dma_start3A_289 = arith.constant 0 : i32
      %dma_start3A_290 = arith.constant 0 : i32
      %dma_start3A_291 = tpu.memref_slice %arg7[%run_scoped3A_25, %dma_start3A_289, %dma_start3A_290] : memref<4x80x128xf32, #tpu.memory_space<vmem>> -> memref<1x80x128xf32, #tpu.memory_space<vmem>>
      %dma_start3A_292 = tpu.memref_squeeze %dma_start3A_291 : memref<1x80x128xf32, #tpu.memory_space<vmem>> -> memref<80x128xf32, #tpu.memory_space<vmem>>
      %dma_start3A_293 = arith.constant 0 : i32
      %dma_start3A_294 = tpu.memref_slice %arg8[%add3A_24, %dma_start3A_293] : memref<10240x128xf32, #tpu.memory_space<vmem_shared>> -> memref<80x128xf32, #tpu.memory_space<vmem_shared>>
      %dma_start3A_295 = arith.constant 0 : i32
      %dma_start3A_296 = tpu.memref_slice %arg8[%add3A_24, %dma_start3A_295] : memref<10240x128xf32, #tpu.memory_space<vmem_shared>> -> memref<80x128xf32, #tpu.memory_space<vmem_shared>>
      %dma_start3A_297 = arith.constant 0 : i32
      %dma_start3A_298 = arith.constant 0 : i32
      %dma_start3A_299 = tpu.memref_slice %arg7[%run_scoped3A_25, %dma_start3A_297, %dma_start3A_298] : memref<4x80x128xf32, #tpu.memory_space<vmem>> -> memref<1x80x128xf32, #tpu.memory_space<vmem>>
      %dma_start3A_300 = tpu.memref_squeeze %dma_start3A_299 : memref<1x80x128xf32, #tpu.memory_space<vmem>> -> memref<80x128xf32, #tpu.memory_space<vmem>>
      tpu.enqueue_dma source(%dma_start3A_300 : memref<80x128xf32, #tpu.memory_space<vmem>>) target(%dma_start3A_296 : memref<80x128xf32, #tpu.memory_space<vmem_shared>>) target_semaphore(%run_scoped3A_288 : memref<!tpu.dma_semaphore, #tpu.memory_space<semaphore_mem>>)
      %dma_wait3A_301 = arith.constant 0 : i32
      %dma_wait3A_302 = arith.constant 0 : i32
      %dma_wait3A_303 = tpu.memref_slice %arg7[%run_scoped3A_25, %dma_wait3A_301, %dma_wait3A_302] : memref<4x80x128xf32, #tpu.memory_space<vmem>> -> memref<1x80x128xf32, #tpu.memory_space<vmem>>
      %dma_wait3A_304 = tpu.memref_squeeze %dma_wait3A_303 : memref<1x80x128xf32, #tpu.memory_space<vmem>> -> memref<80x128xf32, #tpu.memory_space<vmem>>
      %dma_wait3A_305 = arith.constant 0 : i32
      %dma_wait3A_306 = tpu.memref_slice %arg8[%add3A_24, %dma_wait3A_305] : memref<10240x128xf32, #tpu.memory_space<vmem_shared>> -> memref<80x128xf32, #tpu.memory_space<vmem_shared>>
      %dma_wait3A_307 = arith.constant 0 : i32
      %dma_wait3A_308 = tpu.memref_slice %arg8[%add3A_24, %dma_wait3A_307] : memref<10240x128xf32, #tpu.memory_space<vmem_shared>> -> memref<80x128xf32, #tpu.memory_space<vmem_shared>>
      %dma_wait3A_309 = arith.constant 0 : i32
      %dma_wait3A_310 = arith.constant 0 : i32
      %dma_wait3A_311 = tpu.memref_slice %arg7[%run_scoped3A_25, %dma_wait3A_309, %dma_wait3A_310] : memref<4x80x128xf32, #tpu.memory_space<vmem>> -> memref<1x80x128xf32, #tpu.memory_space<vmem>>
      %dma_wait3A_312 = tpu.memref_squeeze %dma_wait3A_311 : memref<1x80x128xf32, #tpu.memory_space<vmem>> -> memref<80x128xf32, #tpu.memory_space<vmem>>
      tpu.wait_dma2 semaphore(%run_scoped3A_288 : memref<!tpu.dma_semaphore, #tpu.memory_space<semaphore_mem>>) src(%dma_wait3A_312 : memref<80x128xf32, #tpu.memory_space<vmem>>) dst(%dma_wait3A_308 : memref<80x128xf32, #tpu.memory_space<vmem_shared>>)
      tpu.yield
    }) : () -> ()
    %add3A_26 = arith.constant 400 : i32
    %add3A_27 = arith.addi %mul3A_11, %add3A_26 : i32
    %run_scoped3A_28 = arith.constant 0 : i32
    "tpu.region"() ({
      %run_scoped3A_288 = tpu.sem_alloc : memref<!tpu.dma_semaphore, #tpu.memory_space<semaphore_mem>>
      %dma_start3A_289 = arith.constant 0 : i32
      %dma_start3A_290 = arith.constant 0 : i32
      %dma_start3A_291 = tpu.memref_slice %arg7[%run_scoped3A_28, %dma_start3A_289, %dma_start3A_290] : memref<4x80x128xf32, #tpu.memory_space<vmem>> -> memref<1x80x128xf32, #tpu.memory_space<vmem>>
      %dma_start3A_292 = tpu.memref_squeeze %dma_start3A_291 : memref<1x80x128xf32, #tpu.memory_space<vmem>> -> memref<80x128xf32, #tpu.memory_space<vmem>>
      %dma_start3A_293 = arith.constant 0 : i32
      %dma_start3A_294 = tpu.memref_slice %arg8[%add3A_27, %dma_start3A_293] : memref<10240x128xf32, #tpu.memory_space<vmem_shared>> -> memref<80x128xf32, #tpu.memory_space<vmem_shared>>
      %dma_start3A_295 = arith.constant 0 : i32
      %dma_start3A_296 = tpu.memref_slice %arg8[%add3A_27, %dma_start3A_295] : memref<10240x128xf32, #tpu.memory_space<vmem_shared>> -> memref<80x128xf32, #tpu.memory_space<vmem_shared>>
      %dma_start3A_297 = arith.constant 0 : i32
      %dma_start3A_298 = arith.constant 0 : i32
      %dma_start3A_299 = tpu.memref_slice %arg7[%run_scoped3A_28, %dma_start3A_297, %dma_start3A_298] : memref<4x80x128xf32, #tpu.memory_space<vmem>> -> memref<1x80x128xf32, #tpu.memory_space<vmem>>
      %dma_start3A_300 = tpu.memref_squeeze %dma_start3A_299 : memref<1x80x128xf32, #tpu.memory_space<vmem>> -> memref<80x128xf32, #tpu.memory_space<vmem>>
      tpu.enqueue_dma source(%dma_start3A_300 : memref<80x128xf32, #tpu.memory_space<vmem>>) target(%dma_start3A_296 : memref<80x128xf32, #tpu.memory_space<vmem_shared>>) target_semaphore(%run_scoped3A_288 : memref<!tpu.dma_semaphore, #tpu.memory_space<semaphore_mem>>)
      %dma_wait3A_301 = arith.constant 0 : i32
      %dma_wait3A_302 = arith.constant 0 : i32
      %dma_wait3A_303 = tpu.memref_slice %arg7[%run_scoped3A_28, %dma_wait3A_301, %dma_wait3A_302] : memref<4x80x128xf32, #tpu.memory_space<vmem>> -> memref<1x80x128xf32, #tpu.memory_space<vmem>>
      %dma_wait3A_304 = tpu.memref_squeeze %dma_wait3A_303 : memref<1x80x128xf32, #tpu.memory_space<vmem>> -> memref<80x128xf32, #tpu.memory_space<vmem>>
      %dma_wait3A_305 = arith.constant 0 : i32
      %dma_wait3A_306 = tpu.memref_slice %arg8[%add3A_27, %dma_wait3A_305] : memref<10240x128xf32, #tpu.memory_space<vmem_shared>> -> memref<80x128xf32, #tpu.memory_space<vmem_shared>>
      %dma_wait3A_307 = arith.constant 0 : i32
      %dma_wait3A_308 = tpu.memref_slice %arg8[%add3A_27, %dma_wait3A_307] : memref<10240x128xf32, #tpu.memory_space<vmem_shared>> -> memref<80x128xf32, #tpu.memory_space<vmem_shared>>
      %dma_wait3A_309 = arith.constant 0 : i32
      %dma_wait3A_310 = arith.constant 0 : i32
      %dma_wait3A_311 = tpu.memref_slice %arg7[%run_scoped3A_28, %dma_wait3A_309, %dma_wait3A_310] : memref<4x80x128xf32, #tpu.memory_space<vmem>> -> memref<1x80x128xf32, #tpu.memory_space<vmem>>
      %dma_wait3A_312 = tpu.memref_squeeze %dma_wait3A_311 : memref<1x80x128xf32, #tpu.memory_space<vmem>> -> memref<80x128xf32, #tpu.memory_space<vmem>>
      tpu.wait_dma2 semaphore(%run_scoped3A_288 : memref<!tpu.dma_semaphore, #tpu.memory_space<semaphore_mem>>) src(%dma_wait3A_312 : memref<80x128xf32, #tpu.memory_space<vmem>>) dst(%dma_wait3A_308 : memref<80x128xf32, #tpu.memory_space<vmem_shared>>)
      tpu.yield
    }) : () -> ()
    %add3A_29 = arith.constant 480 : i32
    %add3A_30 = arith.addi %mul3A_11, %add3A_29 : i32
    %run_scoped3A_31 = arith.constant 0 : i32
    "tpu.region"() ({
      %run_scoped3A_288 = tpu.sem_alloc : memref<!tpu.dma_semaphore, #tpu.memory_space<semaphore_mem>>
      %dma_start3A_289 = arith.constant 0 : i32
      %dma_start3A_290 = arith.constant 0 : i32
      %dma_start3A_291 = tpu.memref_slice %arg7[%run_scoped3A_31, %dma_start3A_289, %dma_start3A_290] : memref<4x80x128xf32, #tpu.memory_space<vmem>> -> memref<1x80x128xf32, #tpu.memory_space<vmem>>
      %dma_start3A_292 = tpu.memref_squeeze %dma_start3A_291 : memref<1x80x128xf32, #tpu.memory_space<vmem>> -> memref<80x128xf32, #tpu.memory_space<vmem>>
      %dma_start3A_293 = arith.constant 0 : i32
      %dma_start3A_294 = tpu.memref_slice %arg8[%add3A_30, %dma_start3A_293] : memref<10240x128xf32, #tpu.memory_space<vmem_shared>> -> memref<80x128xf32, #tpu.memory_space<vmem_shared>>
      %dma_start3A_295 = arith.constant 0 : i32
      %dma_start3A_296 = tpu.memref_slice %arg8[%add3A_30, %dma_start3A_295] : memref<10240x128xf32, #tpu.memory_space<vmem_shared>> -> memref<80x128xf32, #tpu.memory_space<vmem_shared>>
      %dma_start3A_297 = arith.constant 0 : i32
      %dma_start3A_298 = arith.constant 0 : i32
      %dma_start3A_299 = tpu.memref_slice %arg7[%run_scoped3A_31, %dma_start3A_297, %dma_start3A_298] : memref<4x80x128xf32, #tpu.memory_space<vmem>> -> memref<1x80x128xf32, #tpu.memory_space<vmem>>
      %dma_start3A_300 = tpu.memref_squeeze %dma_start3A_299 : memref<1x80x128xf32, #tpu.memory_space<vmem>> -> memref<80x128xf32, #tpu.memory_space<vmem>>
      tpu.enqueue_dma source(%dma_start3A_300 : memref<80x128xf32, #tpu.memory_space<vmem>>) target(%dma_start3A_296 : memref<80x128xf32, #tpu.memory_space<vmem_shared>>) target_semaphore(%run_scoped3A_288 : memref<!tpu.dma_semaphore, #tpu.memory_space<semaphore_mem>>)
      %dma_wait3A_301 = arith.constant 0 : i32
      %dma_wait3A_302 = arith.constant 0 : i32
      %dma_wait3A_303 = tpu.memref_slice %arg7[%run_scoped3A_31, %dma_wait3A_301, %dma_wait3A_302] : memref<4x80x128xf32, #tpu.memory_space<vmem>> -> memref<1x80x128xf32, #tpu.memory_space<vmem>>
      %dma_wait3A_304 = tpu.memref_squeeze %dma_wait3A_303 : memref<1x80x128xf32, #tpu.memory_space<vmem>> -> memref<80x128xf32, #tpu.memory_space<vmem>>
      %dma_wait3A_305 = arith.constant 0 : i32
      %dma_wait3A_306 = tpu.memref_slice %arg8[%add3A_30, %dma_wait3A_305] : memref<10240x128xf32, #tpu.memory_space<vmem_shared>> -> memref<80x128xf32, #tpu.memory_space<vmem_shared>>
      %dma_wait3A_307 = arith.constant 0 : i32
      %dma_wait3A_308 = tpu.memref_slice %arg8[%add3A_30, %dma_wait3A_307] : memref<10240x128xf32, #tpu.memory_space<vmem_shared>> -> memref<80x128xf32, #tpu.memory_space<vmem_shared>>
      %dma_wait3A_309 = arith.constant 0 : i32
      %dma_wait3A_310 = arith.constant 0 : i32
      %dma_wait3A_311 = tpu.memref_slice %arg7[%run_scoped3A_31, %dma_wait3A_309, %dma_wait3A_310] : memref<4x80x128xf32, #tpu.memory_space<vmem>> -> memref<1x80x128xf32, #tpu.memory_space<vmem>>
      %dma_wait3A_312 = tpu.memref_squeeze %dma_wait3A_311 : memref<1x80x128xf32, #tpu.memory_space<vmem>> -> memref<80x128xf32, #tpu.memory_space<vmem>>
      tpu.wait_dma2 semaphore(%run_scoped3A_288 : memref<!tpu.dma_semaphore, #tpu.memory_space<semaphore_mem>>) src(%dma_wait3A_312 : memref<80x128xf32, #tpu.memory_space<vmem>>) dst(%dma_wait3A_308 : memref<80x128xf32, #tpu.memory_space<vmem_shared>>)
      tpu.yield
    }) : () -> ()
    %add3A_32 = arith.constant 560 : i32
    %add3A_33 = arith.addi %mul3A_11, %add3A_32 : i32
    %run_scoped3A_34 = arith.constant 0 : i32
    "tpu.region"() ({
      %run_scoped3A_288 = tpu.sem_alloc : memref<!tpu.dma_semaphore, #tpu.memory_space<semaphore_mem>>
      %dma_start3A_289 = arith.constant 0 : i32
      %dma_start3A_290 = arith.constant 0 : i32
      %dma_start3A_291 = tpu.memref_slice %arg7[%run_scoped3A_34, %dma_start3A_289, %dma_start3A_290] : memref<4x80x128xf32, #tpu.memory_space<vmem>> -> memref<1x80x128xf32, #tpu.memory_space<vmem>>
      %dma_start3A_292 = tpu.memref_squeeze %dma_start3A_291 : memref<1x80x128xf32, #tpu.memory_space<vmem>> -> memref<80x128xf32, #tpu.memory_space<vmem>>
      %dma_start3A_293 = arith.constant 0 : i32
      %dma_start3A_294 = tpu.memref_slice %arg8[%add3A_33, %dma_start3A_293] : memref<10240x128xf32, #tpu.memory_space<vmem_shared>> -> memref<80x128xf32, #tpu.memory_space<vmem_shared>>
      %dma_start3A_295 = arith.constant 0 : i32
      %dma_start3A_296 = tpu.memref_slice %arg8[%add3A_33, %dma_start3A_295] : memref<10240x128xf32, #tpu.memory_space<vmem_shared>> -> memref<80x128xf32, #tpu.memory_space<vmem_shared>>
      %dma_start3A_297 = arith.constant 0 : i32
      %dma_start3A_298 = arith.constant 0 : i32
      %dma_start3A_299 = tpu.memref_slice %arg7[%run_scoped3A_34, %dma_start3A_297, %dma_start3A_298] : memref<4x80x128xf32, #tpu.memory_space<vmem>> -> memref<1x80x128xf32, #tpu.memory_space<vmem>>
      %dma_start3A_300 = tpu.memref_squeeze %dma_start3A_299 : memref<1x80x128xf32, #tpu.memory_space<vmem>> -> memref<80x128xf32, #tpu.memory_space<vmem>>
      tpu.enqueue_dma source(%dma_start3A_300 : memref<80x128xf32, #tpu.memory_space<vmem>>) target(%dma_start3A_296 : memref<80x128xf32, #tpu.memory_space<vmem_shared>>) target_semaphore(%run_scoped3A_288 : memref<!tpu.dma_semaphore, #tpu.memory_space<semaphore_mem>>)
      %dma_wait3A_301 = arith.constant 0 : i32
      %dma_wait3A_302 = arith.constant 0 : i32
      %dma_wait3A_303 = tpu.memref_slice %arg7[%run_scoped3A_34, %dma_wait3A_301, %dma_wait3A_302] : memref<4x80x128xf32, #tpu.memory_space<vmem>> -> memref<1x80x128xf32, #tpu.memory_space<vmem>>
      %dma_wait3A_304 = tpu.memref_squeeze %dma_wait3A_303 : memref<1x80x128xf32, #tpu.memory_space<vmem>> -> memref<80x128xf32, #tpu.memory_space<vmem>>
      %dma_wait3A_305 = arith.constant 0 : i32
      %dma_wait3A_306 = tpu.memref_slice %arg8[%add3A_33, %dma_wait3A_305] : memref<10240x128xf32, #tpu.memory_space<vmem_shared>> -> memref<80x128xf32, #tpu.memory_space<vmem_shared>>
      %dma_wait3A_307 = arith.constant 0 : i32
      %dma_wait3A_308 = tpu.memref_slice %arg8[%add3A_33, %dma_wait3A_307] : memref<10240x128xf32, #tpu.memory_space<vmem_shared>> -> memref<80x128xf32, #tpu.memory_space<vmem_shared>>
      %dma_wait3A_309 = arith.constant 0 : i32
      %dma_wait3A_310 = arith.constant 0 : i32
      %dma_wait3A_311 = tpu.memref_slice %arg7[%run_scoped3A_34, %dma_wait3A_309, %dma_wait3A_310] : memref<4x80x128xf32, #tpu.memory_space<vmem>> -> memref<1x80x128xf32, #tpu.memory_space<vmem>>
      %dma_wait3A_312 = tpu.memref_squeeze %dma_wait3A_311 : memref<1x80x128xf32, #tpu.memory_space<vmem>> -> memref<80x128xf32, #tpu.memory_space<vmem>>
      tpu.wait_dma2 semaphore(%run_scoped3A_288 : memref<!tpu.dma_semaphore, #tpu.memory_space<semaphore_mem>>) src(%dma_wait3A_312 : memref<80x128xf32, #tpu.memory_space<vmem>>) dst(%dma_wait3A_308 : memref<80x128xf32, #tpu.memory_space<vmem_shared>>)
      tpu.yield
    }) : () -> ()
    %barrier3A = arith.constant 0 : index
    tpu.barrier barrier_id(%barrier3A)
    %add3A_35 = arith.constant 0 : i32
    %add3A_36 = arith.addi %mul3A_2, %add3A_35 : i32
    %multiple_of3A = tpu.assume_multiple %add3A_36, 8 : i32
    %dma_start3A = arith.constant 0 : i32
    %dma_start3A_37 = arith.constant 0 : i32
    %dma_start3A_38 = arith.constant 0 : i32
    %dma_start3A_39 = arith.constant 0 : i32
    %dma_start3A_40 = tpu.memref_slice %arg6[%dma_start3A, %dma_start3A_37, %dma_start3A_39] : memref<6x2x80xi32, #tpu.memory_space<vmem>> -> memref<1x1x80xi32, #tpu.memory_space<vmem>>
    %dma_start3A_41 = tpu.memref_squeeze %dma_start3A_40 : memref<1x1x80xi32, #tpu.memory_space<vmem>> -> memref<80xi32, #tpu.memory_space<vmem>>
    %dma_start3A_42 = tpu.memref_slice %arg3[%multiple_of3A] : memref<320000xi32, #tpu.memory_space<hbm>> -> memref<80xi32, #tpu.memory_space<hbm>>
    %dma_start3A_43 = tpu.memref_slice %arg9[%dma_start3A_38] : memref<6x!tpu.dma_semaphore, #tpu.memory_space<semaphore_mem>> -> memref<1x!tpu.dma_semaphore, #tpu.memory_space<semaphore_mem>>
    %dma_start3A_44 = tpu.memref_squeeze %dma_start3A_43 : memref<1x!tpu.dma_semaphore, #tpu.memory_space<semaphore_mem>> -> memref<!tpu.dma_semaphore, #tpu.memory_space<semaphore_mem>>
    %dma_start3A_45 = arith.constant 0 : i32
    %dma_start3A_46 = tpu.memref_slice %arg6[%dma_start3A, %dma_start3A_37, %dma_start3A_45] : memref<6x2x80xi32, #tpu.memory_space<vmem>> -> memref<1x1x80xi32, #tpu.memory_space<vmem>>
    %dma_start3A_47 = tpu.memref_squeeze %dma_start3A_46 : memref<1x1x80xi32, #tpu.memory_space<vmem>> -> memref<80xi32, #tpu.memory_space<vmem>>
    %dma_start3A_48 = tpu.memref_slice %arg3[%multiple_of3A] : memref<320000xi32, #tpu.memory_space<hbm>> -> memref<80xi32, #tpu.memory_space<hbm>>
    tpu.enqueue_dma source(%dma_start3A_48 : memref<80xi32, #tpu.memory_space<hbm>>) target(%dma_start3A_47 : memref<80xi32, #tpu.memory_space<vmem>>) target_semaphore(%dma_start3A_44 : memref<!tpu.dma_semaphore, #tpu.memory_space<semaphore_mem>>)
    %dma_start3A_49 = arith.constant 0 : i32
    %dma_start3A_50 = arith.constant 1 : i32
    %dma_start3A_51 = arith.constant 0 : i32
    %dma_start3A_52 = arith.constant 0 : i32
    %dma_start3A_53 = tpu.memref_slice %arg6[%dma_start3A_49, %dma_start3A_50, %dma_start3A_52] : memref<6x2x80xi32, #tpu.memory_space<vmem>> -> memref<1x1x80xi32, #tpu.memory_space<vmem>>
    %dma_start3A_54 = tpu.memref_squeeze %dma_start3A_53 : memref<1x1x80xi32, #tpu.memory_space<vmem>> -> memref<80xi32, #tpu.memory_space<vmem>>
    %dma_start3A_55 = tpu.memref_slice %arg4[%multiple_of3A] : memref<320000xi32, #tpu.memory_space<hbm>> -> memref<80xi32, #tpu.memory_space<hbm>>
    %dma_start3A_56 = tpu.memref_slice %arg9[%dma_start3A_51] : memref<6x!tpu.dma_semaphore, #tpu.memory_space<semaphore_mem>> -> memref<1x!tpu.dma_semaphore, #tpu.memory_space<semaphore_mem>>
    %dma_start3A_57 = tpu.memref_squeeze %dma_start3A_56 : memref<1x!tpu.dma_semaphore, #tpu.memory_space<semaphore_mem>> -> memref<!tpu.dma_semaphore, #tpu.memory_space<semaphore_mem>>
    %dma_start3A_58 = arith.constant 0 : i32
    %dma_start3A_59 = tpu.memref_slice %arg6[%dma_start3A_49, %dma_start3A_50, %dma_start3A_58] : memref<6x2x80xi32, #tpu.memory_space<vmem>> -> memref<1x1x80xi32, #tpu.memory_space<vmem>>
    %dma_start3A_60 = tpu.memref_squeeze %dma_start3A_59 : memref<1x1x80xi32, #tpu.memory_space<vmem>> -> memref<80xi32, #tpu.memory_space<vmem>>
    %dma_start3A_61 = tpu.memref_slice %arg4[%multiple_of3A] : memref<320000xi32, #tpu.memory_space<hbm>> -> memref<80xi32, #tpu.memory_space<hbm>>
    tpu.enqueue_dma source(%dma_start3A_61 : memref<80xi32, #tpu.memory_space<hbm>>) target(%dma_start3A_60 : memref<80xi32, #tpu.memory_space<vmem>>) target_semaphore(%dma_start3A_57 : memref<!tpu.dma_semaphore, #tpu.memory_space<semaphore_mem>>)
    %add3A_62 = arith.constant 80 : i32
    %add3A_63 = arith.addi %mul3A_2, %add3A_62 : i32
    %multiple_of3A_64 = tpu.assume_multiple %add3A_63, 8 : i32
    %dma_start3A_65 = arith.constant 1 : i32
    %dma_start3A_66 = arith.constant 0 : i32
    %dma_start3A_67 = arith.constant 1 : i32
    %dma_start3A_68 = arith.constant 0 : i32
    %dma_start3A_69 = tpu.memref_slice %arg6[%dma_start3A_65, %dma_start3A_66, %dma_start3A_68] : memref<6x2x80xi32, #tpu.memory_space<vmem>> -> memref<1x1x80xi32, #tpu.memory_space<vmem>>
    %dma_start3A_70 = tpu.memref_squeeze %dma_start3A_69 : memref<1x1x80xi32, #tpu.memory_space<vmem>> -> memref<80xi32, #tpu.memory_space<vmem>>
    %dma_start3A_71 = tpu.memref_slice %arg3[%multiple_of3A_64] : memref<320000xi32, #tpu.memory_space<hbm>> -> memref<80xi32, #tpu.memory_space<hbm>>
    %dma_start3A_72 = tpu.memref_slice %arg9[%dma_start3A_67] : memref<6x!tpu.dma_semaphore, #tpu.memory_space<semaphore_mem>> -> memref<1x!tpu.dma_semaphore, #tpu.memory_space<semaphore_mem>>
    %dma_start3A_73 = tpu.memref_squeeze %dma_start3A_72 : memref<1x!tpu.dma_semaphore, #tpu.memory_space<semaphore_mem>> -> memref<!tpu.dma_semaphore, #tpu.memory_space<semaphore_mem>>
    %dma_start3A_74 = arith.constant 0 : i32
    %dma_start3A_75 = tpu.memref_slice %arg6[%dma_start3A_65, %dma_start3A_66, %dma_start3A_74] : memref<6x2x80xi32, #tpu.memory_space<vmem>> -> memref<1x1x80xi32, #tpu.memory_space<vmem>>
    %dma_start3A_76 = tpu.memref_squeeze %dma_start3A_75 : memref<1x1x80xi32, #tpu.memory_space<vmem>> -> memref<80xi32, #tpu.memory_space<vmem>>
    %dma_start3A_77 = tpu.memref_slice %arg3[%multiple_of3A_64] : memref<320000xi32, #tpu.memory_space<hbm>> -> memref<80xi32, #tpu.memory_space<hbm>>
    tpu.enqueue_dma source(%dma_start3A_77 : memref<80xi32, #tpu.memory_space<hbm>>) target(%dma_start3A_76 : memref<80xi32, #tpu.memory_space<vmem>>) target_semaphore(%dma_start3A_73 : memref<!tpu.dma_semaphore, #tpu.memory_space<semaphore_mem>>)
    %dma_start3A_78 = arith.constant 1 : i32
    %dma_start3A_79 = arith.constant 1 : i32
    %dma_start3A_80 = arith.constant 1 : i32
    %dma_start3A_81 = arith.constant 0 : i32
    %dma_start3A_82 = tpu.memref_slice %arg6[%dma_start3A_78, %dma_start3A_79, %dma_start3A_81] : memref<6x2x80xi32, #tpu.memory_space<vmem>> -> memref<1x1x80xi32, #tpu.memory_space<vmem>>
    %dma_start3A_83 = tpu.memref_squeeze %dma_start3A_82 : memref<1x1x80xi32, #tpu.memory_space<vmem>> -> memref<80xi32, #tpu.memory_space<vmem>>
    %dma_start3A_84 = tpu.memref_slice %arg4[%multiple_of3A_64] : memref<320000xi32, #tpu.memory_space<hbm>> -> memref<80xi32, #tpu.memory_space<hbm>>
    %dma_start3A_85 = tpu.memref_slice %arg9[%dma_start3A_80] : memref<6x!tpu.dma_semaphore, #tpu.memory_space<semaphore_mem>> -> memref<1x!tpu.dma_semaphore, #tpu.memory_space<semaphore_mem>>
    %dma_start3A_86 = tpu.memref_squeeze %dma_start3A_85 : memref<1x!tpu.dma_semaphore, #tpu.memory_space<semaphore_mem>> -> memref<!tpu.dma_semaphore, #tpu.memory_space<semaphore_mem>>
    %dma_start3A_87 = arith.constant 0 : i32
    %dma_start3A_88 = tpu.memref_slice %arg6[%dma_start3A_78, %dma_start3A_79, %dma_start3A_87] : memref<6x2x80xi32, #tpu.memory_space<vmem>> -> memref<1x1x80xi32, #tpu.memory_space<vmem>>
    %dma_start3A_89 = tpu.memref_squeeze %dma_start3A_88 : memref<1x1x80xi32, #tpu.memory_space<vmem>> -> memref<80xi32, #tpu.memory_space<vmem>>
    %dma_start3A_90 = tpu.memref_slice %arg4[%multiple_of3A_64] : memref<320000xi32, #tpu.memory_space<hbm>> -> memref<80xi32, #tpu.memory_space<hbm>>
    tpu.enqueue_dma source(%dma_start3A_90 : memref<80xi32, #tpu.memory_space<hbm>>) target(%dma_start3A_89 : memref<80xi32, #tpu.memory_space<vmem>>) target_semaphore(%dma_start3A_86 : memref<!tpu.dma_semaphore, #tpu.memory_space<semaphore_mem>>)
    %add3A_91 = arith.constant 160 : i32
    %add3A_92 = arith.addi %mul3A_2, %add3A_91 : i32
    %multiple_of3A_93 = tpu.assume_multiple %add3A_92, 8 : i32
    %dma_start3A_94 = arith.constant 2 : i32
    %dma_start3A_95 = arith.constant 0 : i32
    %dma_start3A_96 = arith.constant 2 : i32
    %dma_start3A_97 = arith.constant 0 : i32
    %dma_start3A_98 = tpu.memref_slice %arg6[%dma_start3A_94, %dma_start3A_95, %dma_start3A_97] : memref<6x2x80xi32, #tpu.memory_space<vmem>> -> memref<1x1x80xi32, #tpu.memory_space<vmem>>
    %dma_start3A_99 = tpu.memref_squeeze %dma_start3A_98 : memref<1x1x80xi32, #tpu.memory_space<vmem>> -> memref<80xi32, #tpu.memory_space<vmem>>
    %dma_start3A_100 = tpu.memref_slice %arg3[%multiple_of3A_93] : memref<320000xi32, #tpu.memory_space<hbm>> -> memref<80xi32, #tpu.memory_space<hbm>>
    %dma_start3A_101 = tpu.memref_slice %arg9[%dma_start3A_96] : memref<6x!tpu.dma_semaphore, #tpu.memory_space<semaphore_mem>> -> memref<1x!tpu.dma_semaphore, #tpu.memory_space<semaphore_mem>>
    %dma_start3A_102 = tpu.memref_squeeze %dma_start3A_101 : memref<1x!tpu.dma_semaphore, #tpu.memory_space<semaphore_mem>> -> memref<!tpu.dma_semaphore, #tpu.memory_space<semaphore_mem>>
    %dma_start3A_103 = arith.constant 0 : i32
    %dma_start3A_104 = tpu.memref_slice %arg6[%dma_start3A_94, %dma_start3A_95, %dma_start3A_103] : memref<6x2x80xi32, #tpu.memory_space<vmem>> -> memref<1x1x80xi32, #tpu.memory_space<vmem>>
    %dma_start3A_105 = tpu.memref_squeeze %dma_start3A_104 : memref<1x1x80xi32, #tpu.memory_space<vmem>> -> memref<80xi32, #tpu.memory_space<vmem>>
    %dma_start3A_106 = tpu.memref_slice %arg3[%multiple_of3A_93] : memref<320000xi32, #tpu.memory_space<hbm>> -> memref<80xi32, #tpu.memory_space<hbm>>
    tpu.enqueue_dma source(%dma_start3A_106 : memref<80xi32, #tpu.memory_space<hbm>>) target(%dma_start3A_105 : memref<80xi32, #tpu.memory_space<vmem>>) target_semaphore(%dma_start3A_102 : memref<!tpu.dma_semaphore, #tpu.memory_space<semaphore_mem>>)
    %dma_start3A_107 = arith.constant 2 : i32
    %dma_start3A_108 = arith.constant 1 : i32
    %dma_start3A_109 = arith.constant 2 : i32
    %dma_start3A_110 = arith.constant 0 : i32
    %dma_start3A_111 = tpu.memref_slice %arg6[%dma_start3A_107, %dma_start3A_108, %dma_start3A_110] : memref<6x2x80xi32, #tpu.memory_space<vmem>> -> memref<1x1x80xi32, #tpu.memory_space<vmem>>
    %dma_start3A_112 = tpu.memref_squeeze %dma_start3A_111 : memref<1x1x80xi32, #tpu.memory_space<vmem>> -> memref<80xi32, #tpu.memory_space<vmem>>
    %dma_start3A_113 = tpu.memref_slice %arg4[%multiple_of3A_93] : memref<320000xi32, #tpu.memory_space<hbm>> -> memref<80xi32, #tpu.memory_space<hbm>>
    %dma_start3A_114 = tpu.memref_slice %arg9[%dma_start3A_109] : memref<6x!tpu.dma_semaphore, #tpu.memory_space<semaphore_mem>> -> memref<1x!tpu.dma_semaphore, #tpu.memory_space<semaphore_mem>>
    %dma_start3A_115 = tpu.memref_squeeze %dma_start3A_114 : memref<1x!tpu.dma_semaphore, #tpu.memory_space<semaphore_mem>> -> memref<!tpu.dma_semaphore, #tpu.memory_space<semaphore_mem>>
    %dma_start3A_116 = arith.constant 0 : i32
    %dma_start3A_117 = tpu.memref_slice %arg6[%dma_start3A_107, %dma_start3A_108, %dma_start3A_116] : memref<6x2x80xi32, #tpu.memory_space<vmem>> -> memref<1x1x80xi32, #tpu.memory_space<vmem>>
    %dma_start3A_118 = tpu.memref_squeeze %dma_start3A_117 : memref<1x1x80xi32, #tpu.memory_space<vmem>> -> memref<80xi32, #tpu.memory_space<vmem>>
    %dma_start3A_119 = tpu.memref_slice %arg4[%multiple_of3A_93] : memref<320000xi32, #tpu.memory_space<hbm>> -> memref<80xi32, #tpu.memory_space<hbm>>
    tpu.enqueue_dma source(%dma_start3A_119 : memref<80xi32, #tpu.memory_space<hbm>>) target(%dma_start3A_118 : memref<80xi32, #tpu.memory_space<vmem>>) target_semaphore(%dma_start3A_115 : memref<!tpu.dma_semaphore, #tpu.memory_space<semaphore_mem>>)
    %add3A_120 = arith.constant 0 : i32
    %add3A_121 = arith.addi %mul3A_2, %add3A_120 : i32
    %multiple_of3A_122 = tpu.assume_multiple %add3A_121, 8 : i32
    %dma_wait3A = arith.constant 0 : i32
    %dma_wait3A_123 = arith.constant 0 : i32
    %dma_wait3A_124 = arith.constant 0 : i32
    %dma_wait3A_125 = arith.constant 0 : i32
    %dma_wait3A_126 = tpu.memref_slice %arg6[%dma_wait3A, %dma_wait3A_123, %dma_wait3A_125] : memref<6x2x80xi32, #tpu.memory_space<vmem>> -> memref<1x1x80xi32, #tpu.memory_space<vmem>>
    %dma_wait3A_127 = tpu.memref_squeeze %dma_wait3A_126 : memref<1x1x80xi32, #tpu.memory_space<vmem>> -> memref<80xi32, #tpu.memory_space<vmem>>
    %dma_wait3A_128 = tpu.memref_slice %arg3[%multiple_of3A_122] : memref<320000xi32, #tpu.memory_space<hbm>> -> memref<80xi32, #tpu.memory_space<hbm>>
    %dma_wait3A_129 = tpu.memref_slice %arg9[%dma_wait3A_124] : memref<6x!tpu.dma_semaphore, #tpu.memory_space<semaphore_mem>> -> memref<1x!tpu.dma_semaphore, #tpu.memory_space<semaphore_mem>>
    %dma_wait3A_130 = tpu.memref_squeeze %dma_wait3A_129 : memref<1x!tpu.dma_semaphore, #tpu.memory_space<semaphore_mem>> -> memref<!tpu.dma_semaphore, #tpu.memory_space<semaphore_mem>>
    %dma_wait3A_131 = arith.constant 0 : i32
    %dma_wait3A_132 = tpu.memref_slice %arg6[%dma_wait3A, %dma_wait3A_123, %dma_wait3A_131] : memref<6x2x80xi32, #tpu.memory_space<vmem>> -> memref<1x1x80xi32, #tpu.memory_space<vmem>>
    %dma_wait3A_133 = tpu.memref_squeeze %dma_wait3A_132 : memref<1x1x80xi32, #tpu.memory_space<vmem>> -> memref<80xi32, #tpu.memory_space<vmem>>
    %dma_wait3A_134 = tpu.memref_slice %arg3[%multiple_of3A_122] : memref<320000xi32, #tpu.memory_space<hbm>> -> memref<80xi32, #tpu.memory_space<hbm>>
    tpu.wait_dma2 semaphore(%dma_wait3A_130 : memref<!tpu.dma_semaphore, #tpu.memory_space<semaphore_mem>>) src(%dma_wait3A_134 : memref<80xi32, #tpu.memory_space<hbm>>) dst(%dma_wait3A_133 : memref<80xi32, #tpu.memory_space<vmem>>)
    %dma_wait3A_135 = arith.constant 0 : i32
    %dma_wait3A_136 = arith.constant 1 : i32
    %dma_wait3A_137 = arith.constant 0 : i32
    %dma_wait3A_138 = arith.constant 0 : i32
    %dma_wait3A_139 = tpu.memref_slice %arg6[%dma_wait3A_135, %dma_wait3A_136, %dma_wait3A_138] : memref<6x2x80xi32, #tpu.memory_space<vmem>> -> memref<1x1x80xi32, #tpu.memory_space<vmem>>
    %dma_wait3A_140 = tpu.memref_squeeze %dma_wait3A_139 : memref<1x1x80xi32, #tpu.memory_space<vmem>> -> memref<80xi32, #tpu.memory_space<vmem>>
    %dma_wait3A_141 = tpu.memref_slice %arg4[%multiple_of3A_122] : memref<320000xi32, #tpu.memory_space<hbm>> -> memref<80xi32, #tpu.memory_space<hbm>>
    %dma_wait3A_142 = tpu.memref_slice %arg9[%dma_wait3A_137] : memref<6x!tpu.dma_semaphore, #tpu.memory_space<semaphore_mem>> -> memref<1x!tpu.dma_semaphore, #tpu.memory_space<semaphore_mem>>
    %dma_wait3A_143 = tpu.memref_squeeze %dma_wait3A_142 : memref<1x!tpu.dma_semaphore, #tpu.memory_space<semaphore_mem>> -> memref<!tpu.dma_semaphore, #tpu.memory_space<semaphore_mem>>
    %dma_wait3A_144 = arith.constant 0 : i32
    %dma_wait3A_145 = tpu.memref_slice %arg6[%dma_wait3A_135, %dma_wait3A_136, %dma_wait3A_144] : memref<6x2x80xi32, #tpu.memory_space<vmem>> -> memref<1x1x80xi32, #tpu.memory_space<vmem>>
    %dma_wait3A_146 = tpu.memref_squeeze %dma_wait3A_145 : memref<1x1x80xi32, #tpu.memory_space<vmem>> -> memref<80xi32, #tpu.memory_space<vmem>>
    %dma_wait3A_147 = tpu.memref_slice %arg4[%multiple_of3A_122] : memref<320000xi32, #tpu.memory_space<hbm>> -> memref<80xi32, #tpu.memory_space<hbm>>
    tpu.wait_dma2 semaphore(%dma_wait3A_143 : memref<!tpu.dma_semaphore, #tpu.memory_space<semaphore_mem>>) src(%dma_wait3A_147 : memref<80xi32, #tpu.memory_space<hbm>>) dst(%dma_wait3A_146 : memref<80xi32, #tpu.memory_space<vmem>>)
    %dma_start3A_148 = arith.constant 0 : i32
    %dma_start3A_149 = arith.constant 0 : i32
    %dma_start3A_150 = arith.constant 0 : i32
    %dma_start3A_151 = arith.constant 0 : i32
    %dma_start3A_152 = arith.constant 0 : i32
    %dma_start3A_153 = arith.constant 0 : i32
    %dma_start3A_154 = tpu.memref_slice %arg7[%dma_start3A_150, %dma_start3A_152, %dma_start3A_153] : memref<4x80x128xf32, #tpu.memory_space<vmem>> -> memref<1x80x128xf32, #tpu.memory_space<vmem>>
    %dma_start3A_155 = tpu.memref_squeeze %dma_start3A_154 : memref<1x80x128xf32, #tpu.memory_space<vmem>> -> memref<80x128xf32, #tpu.memory_space<vmem>>
    %dma_start3A_156 = arith.constant 0 : i32
    %dma_start3A_157 = tpu.memref_slice %arg6[%dma_start3A_148, %dma_start3A_149, %dma_start3A_156] : memref<6x2x80xi32, #tpu.memory_space<vmem>> -> memref<1x1x80xi32, #tpu.memory_space<vmem>>
    %dma_start3A_158 = tpu.memref_squeeze %dma_start3A_157 : memref<1x1x80xi32, #tpu.memory_space<vmem>> -> memref<80xi32, #tpu.memory_space<vmem>>
    %dma_start3A_159 = arith.constant 0 : i32
    %dma_start3A_160 = arith.constant 0 : i32
    %dma_start3A_161 = tpu.memref_slice %arg2[%dma_start3A_159, %dma_start3A_160] : memref<10240x128xf32, #tpu.memory_space<hbm>> -> memref<10240x128xf32, #tpu.memory_space<hbm>>
    %dma_start3A_162 = tpu.memref_slice %arg10[%dma_start3A_151] : memref<4x!tpu.dma_semaphore, #tpu.memory_space<semaphore_mem>> -> memref<1x!tpu.dma_semaphore, #tpu.memory_space<semaphore_mem>>
    %dma_start3A_163 = tpu.memref_squeeze %dma_start3A_162 : memref<1x!tpu.dma_semaphore, #tpu.memory_space<semaphore_mem>> -> memref<!tpu.dma_semaphore, #tpu.memory_space<semaphore_mem>>
    tpu.enqueue_indirect_dma source(%dma_start3A_161 : memref<10240x128xf32, #tpu.memory_space<hbm>>) target(%dma_start3A_155 : memref<80x128xf32, #tpu.memory_space<vmem>>) offsets(%dma_start3A_158 : memref<80xi32, #tpu.memory_space<vmem>>) semaphore(%dma_start3A_163 : memref<!tpu.dma_semaphore, #tpu.memory_space<semaphore_mem>>)
    %add3A_164 = arith.constant 80 : i32
    %add3A_165 = arith.addi %mul3A_2, %add3A_164 : i32
    %multiple_of3A_166 = tpu.assume_multiple %add3A_165, 8 : i32
    %dma_wait3A_167 = arith.constant 1 : i32
    %dma_wait3A_168 = arith.constant 0 : i32
    %dma_wait3A_169 = arith.constant 1 : i32
    %dma_wait3A_170 = arith.constant 0 : i32
    %dma_wait3A_171 = tpu.memref_slice %arg6[%dma_wait3A_167, %dma_wait3A_168, %dma_wait3A_170] : memref<6x2x80xi32, #tpu.memory_space<vmem>> -> memref<1x1x80xi32, #tpu.memory_space<vmem>>
    %dma_wait3A_172 = tpu.memref_squeeze %dma_wait3A_171 : memref<1x1x80xi32, #tpu.memory_space<vmem>> -> memref<80xi32, #tpu.memory_space<vmem>>
    %dma_wait3A_173 = tpu.memref_slice %arg3[%multiple_of3A_166] : memref<320000xi32, #tpu.memory_space<hbm>> -> memref<80xi32, #tpu.memory_space<hbm>>
    %dma_wait3A_174 = tpu.memref_slice %arg9[%dma_wait3A_169] : memref<6x!tpu.dma_semaphore, #tpu.memory_space<semaphore_mem>> -> memref<1x!tpu.dma_semaphore, #tpu.memory_space<semaphore_mem>>
    %dma_wait3A_175 = tpu.memref_squeeze %dma_wait3A_174 : memref<1x!tpu.dma_semaphore, #tpu.memory_space<semaphore_mem>> -> memref<!tpu.dma_semaphore, #tpu.memory_space<semaphore_mem>>
    %dma_wait3A_176 = arith.constant 0 : i32
    %dma_wait3A_177 = tpu.memref_slice %arg6[%dma_wait3A_167, %dma_wait3A_168, %dma_wait3A_176] : memref<6x2x80xi32, #tpu.memory_space<vmem>> -> memref<1x1x80xi32, #tpu.memory_space<vmem>>
    %dma_wait3A_178 = tpu.memref_squeeze %dma_wait3A_177 : memref<1x1x80xi32, #tpu.memory_space<vmem>> -> memref<80xi32, #tpu.memory_space<vmem>>
    %dma_wait3A_179 = tpu.memref_slice %arg3[%multiple_of3A_166] : memref<320000xi32, #tpu.memory_space<hbm>> -> memref<80xi32, #tpu.memory_space<hbm>>
    tpu.wait_dma2 semaphore(%dma_wait3A_175 : memref<!tpu.dma_semaphore, #tpu.memory_space<semaphore_mem>>) src(%dma_wait3A_179 : memref<80xi32, #tpu.memory_space<hbm>>) dst(%dma_wait3A_178 : memref<80xi32, #tpu.memory_space<vmem>>)
    %dma_wait3A_180 = arith.constant 1 : i32
    %dma_wait3A_181 = arith.constant 1 : i32
    %dma_wait3A_182 = arith.constant 1 : i32
    %dma_wait3A_183 = arith.constant 0 : i32
    %dma_wait3A_184 = tpu.memref_slice %arg6[%dma_wait3A_180, %dma_wait3A_181, %dma_wait3A_183] : memref<6x2x80xi32, #tpu.memory_space<vmem>> -> memref<1x1x80xi32, #tpu.memory_space<vmem>>
    %dma_wait3A_185 = tpu.memref_squeeze %dma_wait3A_184 : memref<1x1x80xi32, #tpu.memory_space<vmem>> -> memref<80xi32, #tpu.memory_space<vmem>>
    %dma_wait3A_186 = tpu.memref_slice %arg4[%multiple_of3A_166] : memref<320000xi32, #tpu.memory_space<hbm>> -> memref<80xi32, #tpu.memory_space<hbm>>
    %dma_wait3A_187 = tpu.memref_slice %arg9[%dma_wait3A_182] : memref<6x!tpu.dma_semaphore, #tpu.memory_space<semaphore_mem>> -> memref<1x!tpu.dma_semaphore, #tpu.memory_space<semaphore_mem>>
    %dma_wait3A_188 = tpu.memref_squeeze %dma_wait3A_187 : memref<1x!tpu.dma_semaphore, #tpu.memory_space<semaphore_mem>> -> memref<!tpu.dma_semaphore, #tpu.memory_space<semaphore_mem>>
    %dma_wait3A_189 = arith.constant 0 : i32
    %dma_wait3A_190 = tpu.memref_slice %arg6[%dma_wait3A_180, %dma_wait3A_181, %dma_wait3A_189] : memref<6x2x80xi32, #tpu.memory_space<vmem>> -> memref<1x1x80xi32, #tpu.memory_space<vmem>>
    %dma_wait3A_191 = tpu.memref_squeeze %dma_wait3A_190 : memref<1x1x80xi32, #tpu.memory_space<vmem>> -> memref<80xi32, #tpu.memory_space<vmem>>
    %dma_wait3A_192 = tpu.memref_slice %arg4[%multiple_of3A_166] : memref<320000xi32, #tpu.memory_space<hbm>> -> memref<80xi32, #tpu.memory_space<hbm>>
    tpu.wait_dma2 semaphore(%dma_wait3A_188 : memref<!tpu.dma_semaphore, #tpu.memory_space<semaphore_mem>>) src(%dma_wait3A_192 : memref<80xi32, #tpu.memory_space<hbm>>) dst(%dma_wait3A_191 : memref<80xi32, #tpu.memory_space<vmem>>)
    %dma_start3A_193 = arith.constant 1 : i32
    %dma_start3A_194 = arith.constant 0 : i32
    %dma_start3A_195 = arith.constant 1 : i32
    %dma_start3A_196 = arith.constant 1 : i32
    %dma_start3A_197 = arith.constant 0 : i32
    %dma_start3A_198 = arith.constant 0 : i32
    %dma_start3A_199 = tpu.memref_slice %arg7[%dma_start3A_195, %dma_start3A_197, %dma_start3A_198] : memref<4x80x128xf32, #tpu.memory_space<vmem>> -> memref<1x80x128xf32, #tpu.memory_space<vmem>>
    %dma_start3A_200 = tpu.memref_squeeze %dma_start3A_199 : memref<1x80x128xf32, #tpu.memory_space<vmem>> -> memref<80x128xf32, #tpu.memory_space<vmem>>
    %dma_start3A_201 = arith.constant 0 : i32
    %dma_start3A_202 = tpu.memref_slice %arg6[%dma_start3A_193, %dma_start3A_194, %dma_start3A_201] : memref<6x2x80xi32, #tpu.memory_space<vmem>> -> memref<1x1x80xi32, #tpu.memory_space<vmem>>
    %dma_start3A_203 = tpu.memref_squeeze %dma_start3A_202 : memref<1x1x80xi32, #tpu.memory_space<vmem>> -> memref<80xi32, #tpu.memory_space<vmem>>
    %dma_start3A_204 = arith.constant 0 : i32
    %dma_start3A_205 = arith.constant 0 : i32
    %dma_start3A_206 = tpu.memref_slice %arg2[%dma_start3A_204, %dma_start3A_205] : memref<10240x128xf32, #tpu.memory_space<hbm>> -> memref<10240x128xf32, #tpu.memory_space<hbm>>
    %dma_start3A_207 = tpu.memref_slice %arg10[%dma_start3A_196] : memref<4x!tpu.dma_semaphore, #tpu.memory_space<semaphore_mem>> -> memref<1x!tpu.dma_semaphore, #tpu.memory_space<semaphore_mem>>
    %dma_start3A_208 = tpu.memref_squeeze %dma_start3A_207 : memref<1x!tpu.dma_semaphore, #tpu.memory_space<semaphore_mem>> -> memref<!tpu.dma_semaphore, #tpu.memory_space<semaphore_mem>>
    tpu.enqueue_indirect_dma source(%dma_start3A_206 : memref<10240x128xf32, #tpu.memory_space<hbm>>) target(%dma_start3A_200 : memref<80x128xf32, #tpu.memory_space<vmem>>) offsets(%dma_start3A_203 : memref<80xi32, #tpu.memory_space<vmem>>) semaphore(%dma_start3A_208 : memref<!tpu.dma_semaphore, #tpu.memory_space<semaphore_mem>>)
    %scan3A_209 = arith.constant 0 : i32
    %scan3A_210 = arith.constant 0 : i32
    %scan3A_211 = arith.constant 125 : i32
    %scan3A_212 = arith.addi %scan3A_210, %scan3A_211 : i32
    %scan3A_213 = arith.constant 1 : i32
    %scan3A_214 = scf.for %scan3A_288 = %scan3A_210 to %scan3A_212 step %scan3A_213 iter_args(%scan3A_289 = %scan3A_209) -> (i32)  : i32 {
      %jit3A = arith.constant 4 : i32
      %eq3A = arith.constant 0 : i32
      %eq3A_290 = arith.cmpi eq, %jit3A, %eq3A : i32
      %jit3A_291 = arith.constant 1 : i32
      %select_n3A = arith.select %eq3A_290, %jit3A_291, %jit3A : i32
      %rem3A = arith.remsi %scan3A_288, %select_n3A : i32
      %ne3A = arith.constant 0 : i32
      %ne3A_292 = arith.cmpi ne, %rem3A, %ne3A : i32
      %lt3A = arith.constant 0 : i32
      %lt3A_293 = arith.cmpi slt, %rem3A, %lt3A : i32
      %lt3A_294 = arith.constant 0 : i32
      %lt3A_295 = arith.cmpi slt, %select_n3A, %lt3A_294 : i32
      %ne3A_296 = arith.xori %lt3A_293, %lt3A_295 : i1
      %and3A = arith.andi %ne3A_296, %ne3A_292 : i1
      %add3A_297 = arith.addi %rem3A, %select_n3A : i32
      %select_n3A_298 = arith.select %and3A, %add3A_297, %rem3A : i32
      %jit3A_299 = arith.constant 6 : i32
      %eq3A_300 = arith.constant 0 : i32
      %eq3A_301 = arith.cmpi eq, %jit3A_299, %eq3A_300 : i32
      %jit3A_302 = arith.constant 1 : i32
      %select_n3A_303 = arith.select %eq3A_301, %jit3A_302, %jit3A_299 : i32
      %rem3A_304 = arith.remsi %scan3A_288, %select_n3A_303 : i32
      %ne3A_305 = arith.constant 0 : i32
      %ne3A_306 = arith.cmpi ne, %rem3A_304, %ne3A_305 : i32
      %lt3A_307 = arith.constant 0 : i32
      %lt3A_308 = arith.cmpi slt, %rem3A_304, %lt3A_307 : i32
      %lt3A_309 = arith.constant 0 : i32
      %lt3A_310 = arith.cmpi slt, %select_n3A_303, %lt3A_309 : i32
      %ne3A_311 = arith.xori %lt3A_308, %lt3A_310 : i1
      %and3A_312 = arith.andi %ne3A_311, %ne3A_306 : i1
      %add3A_313 = arith.addi %rem3A_304, %select_n3A_303 : i32
      %select_n3A_314 = arith.select %and3A_312, %add3A_313, %rem3A_304 : i32
      %dma_wait3A_315 = arith.constant 0 : i32
      %dma_wait3A_316 = arith.constant 0 : i32
      %dma_wait3A_317 = arith.constant 0 : i32
      %dma_wait3A_318 = tpu.memref_slice %arg7[%select_n3A_298, %dma_wait3A_316, %dma_wait3A_317] : memref<4x80x128xf32, #tpu.memory_space<vmem>> -> memref<1x80x128xf32, #tpu.memory_space<vmem>>
      %dma_wait3A_319 = tpu.memref_squeeze %dma_wait3A_318 : memref<1x80x128xf32, #tpu.memory_space<vmem>> -> memref<80x128xf32, #tpu.memory_space<vmem>>
      %dma_wait3A_320 = arith.constant 0 : i32
      %dma_wait3A_321 = tpu.memref_slice %arg6[%select_n3A_314, %dma_wait3A_315, %dma_wait3A_320] : memref<6x2x80xi32, #tpu.memory_space<vmem>> -> memref<1x1x80xi32, #tpu.memory_space<vmem>>
      %dma_wait3A_322 = tpu.memref_squeeze %dma_wait3A_321 : memref<1x1x80xi32, #tpu.memory_space<vmem>> -> memref<80xi32, #tpu.memory_space<vmem>>
      %dma_wait3A_323 = arith.constant 0 : i32
      %dma_wait3A_324 = arith.constant 0 : i32
      %dma_wait3A_325 = tpu.memref_slice %arg2[%dma_wait3A_323, %dma_wait3A_324] : memref<10240x128xf32, #tpu.memory_space<hbm>> -> memref<10240x128xf32, #tpu.memory_space<hbm>>
      %dma_wait3A_326 = tpu.memref_slice %arg10[%select_n3A_298] : memref<4x!tpu.dma_semaphore, #tpu.memory_space<semaphore_mem>> -> memref<1x!tpu.dma_semaphore, #tpu.memory_space<semaphore_mem>>
      %dma_wait3A_327 = tpu.memref_squeeze %dma_wait3A_326 : memref<1x!tpu.dma_semaphore, #tpu.memory_space<semaphore_mem>> -> memref<!tpu.dma_semaphore, #tpu.memory_space<semaphore_mem>>
      tpu.wait_indirect_dma semaphore(%dma_wait3A_327 : memref<!tpu.dma_semaphore, #tpu.memory_space<semaphore_mem>>) src(%dma_wait3A_325 : memref<10240x128xf32, #tpu.memory_space<hbm>>) dst(%dma_wait3A_319 : memref<80x128xf32, #tpu.memory_space<vmem>>)
      %jit3A_328 = arith.constant 4 : i32
      %eq3A_329 = arith.constant 0 : i32
      %eq3A_330 = arith.cmpi eq, %jit3A_328, %eq3A_329 : i32
      %jit3A_331 = arith.constant 1 : i32
      %select_n3A_332 = arith.select %eq3A_330, %jit3A_331, %jit3A_328 : i32
      %rem3A_333 = arith.remsi %scan3A_288, %select_n3A_332 : i32
      %ne3A_334 = arith.constant 0 : i32
      %ne3A_335 = arith.cmpi ne, %rem3A_333, %ne3A_334 : i32
      %lt3A_336 = arith.constant 0 : i32
      %lt3A_337 = arith.cmpi slt, %rem3A_333, %lt3A_336 : i32
      %lt3A_338 = arith.constant 0 : i32
      %lt3A_339 = arith.cmpi slt, %select_n3A_332, %lt3A_338 : i32
      %ne3A_340 = arith.xori %lt3A_337, %lt3A_339 : i1
      %and3A_341 = arith.andi %ne3A_340, %ne3A_335 : i1
      %add3A_342 = arith.addi %rem3A_333, %select_n3A_332 : i32
      %select_n3A_343 = arith.select %and3A_341, %add3A_342, %rem3A_333 : i32
      %jit3A_344 = arith.constant 6 : i32
      %eq3A_345 = arith.constant 0 : i32
      %eq3A_346 = arith.cmpi eq, %jit3A_344, %eq3A_345 : i32
      %jit3A_347 = arith.constant 1 : i32
      %select_n3A_348 = arith.select %eq3A_346, %jit3A_347, %jit3A_344 : i32
      %rem3A_349 = arith.remsi %scan3A_288, %select_n3A_348 : i32
      %ne3A_350 = arith.constant 0 : i32
      %ne3A_351 = arith.cmpi ne, %rem3A_349, %ne3A_350 : i32
      %lt3A_352 = arith.constant 0 : i32
      %lt3A_353 = arith.cmpi slt, %rem3A_349, %lt3A_352 : i32
      %lt3A_354 = arith.constant 0 : i32
      %lt3A_355 = arith.cmpi slt, %select_n3A_348, %lt3A_354 : i32
      %ne3A_356 = arith.xori %lt3A_353, %lt3A_355 : i1
      %and3A_357 = arith.andi %ne3A_356, %ne3A_351 : i1
      %add3A_358 = arith.addi %rem3A_349, %select_n3A_348 : i32
      %select_n3A_359 = arith.select %and3A_357, %add3A_358, %rem3A_349 : i32
      %dma_start3A_360 = arith.constant 1 : i32
      %dma_start3A_361 = arith.constant 0 : i32
      %dma_start3A_362 = arith.constant 0 : i32
      %dma_start3A_363 = tpu.memref_slice %arg7[%select_n3A_343, %dma_start3A_361, %dma_start3A_362] : memref<4x80x128xf32, #tpu.memory_space<vmem>> -> memref<1x80x128xf32, #tpu.memory_space<vmem>>
      %dma_start3A_364 = tpu.memref_squeeze %dma_start3A_363 : memref<1x80x128xf32, #tpu.memory_space<vmem>> -> memref<80x128xf32, #tpu.memory_space<vmem>>
      %dma_start3A_365 = arith.constant 0 : i32
      %dma_start3A_366 = tpu.memref_slice %arg6[%select_n3A_359, %dma_start3A_360, %dma_start3A_365] : memref<6x2x80xi32, #tpu.memory_space<vmem>> -> memref<1x1x80xi32, #tpu.memory_space<vmem>>
      %dma_start3A_367 = tpu.memref_squeeze %dma_start3A_366 : memref<1x1x80xi32, #tpu.memory_space<vmem>> -> memref<80xi32, #tpu.memory_space<vmem>>
      %dma_start3A_368 = arith.constant 0 : i32
      %dma_start3A_369 = arith.constant 0 : i32
      %dma_start3A_370 = tpu.memref_slice %arg8[%dma_start3A_368, %dma_start3A_369] : memref<10240x128xf32, #tpu.memory_space<vmem_shared>> -> memref<10240x128xf32, #tpu.memory_space<vmem_shared>>
      %dma_start3A_371 = tpu.memref_slice %arg11[%select_n3A_343] : memref<4x!tpu.dma_semaphore, #tpu.memory_space<semaphore_mem>> -> memref<1x!tpu.dma_semaphore, #tpu.memory_space<semaphore_mem>>
      %dma_start3A_372 = tpu.memref_squeeze %dma_start3A_371 : memref<1x!tpu.dma_semaphore, #tpu.memory_space<semaphore_mem>> -> memref<!tpu.dma_semaphore, #tpu.memory_space<semaphore_mem>>
      tpu.enqueue_indirect_dma source(%dma_start3A_364 : memref<80x128xf32, #tpu.memory_space<vmem>>) target(%dma_start3A_370 : memref<10240x128xf32, #tpu.memory_space<vmem_shared>>) offsets(%dma_start3A_367 : memref<80xi32, #tpu.memory_space<vmem>>) semaphore(%dma_start3A_372 : memref<!tpu.dma_semaphore, #tpu.memory_space<semaphore_mem>>) {add = true}
      %add3A_373 = arith.constant 2 : i32
      %add3A_374 = arith.addi %scan3A_288, %add3A_373 : i32
      %lt3A_375 = arith.constant 125 : i32
      %lt3A_376 = arith.cmpi slt, %add3A_374, %lt3A_375 : i32
      %convert_element_type3A = arith.extui %lt3A_376 : i1 to i32
      %cond3A = arith.constant 0 : i32
      %cond3A_377 = arith.cmpi ne, %convert_element_type3A, %cond3A : i32
      scf.if %cond3A_377 {
        %mul3A_388 = arith.constant 80 : i32
        %mul3A_389 = arith.muli %add3A_374, %mul3A_388 : i32
        %add3A_390 = arith.addi %mul3A_2, %mul3A_389 : i32
        %multiple_of3A_391 = tpu.assume_multiple %add3A_390, 8 : i32
        %jit3A_392 = arith.constant 6 : i32
        %eq3A_393 = arith.constant 0 : i32
        %eq3A_394 = arith.cmpi eq, %jit3A_392, %eq3A_393 : i32
        %jit3A_395 = arith.constant 1 : i32
        %select_n3A_396 = arith.select %eq3A_394, %jit3A_395, %jit3A_392 : i32
        %rem3A_397 = arith.remsi %add3A_374, %select_n3A_396 : i32
        %ne3A_398 = arith.constant 0 : i32
        %ne3A_399 = arith.cmpi ne, %rem3A_397, %ne3A_398 : i32
        %lt3A_400 = arith.constant 0 : i32
        %lt3A_401 = arith.cmpi slt, %rem3A_397, %lt3A_400 : i32
        %lt3A_402 = arith.constant 0 : i32
        %lt3A_403 = arith.cmpi slt, %select_n3A_396, %lt3A_402 : i32
        %ne3A_404 = arith.xori %lt3A_401, %lt3A_403 : i1
        %and3A_405 = arith.andi %ne3A_404, %ne3A_399 : i1
        %add3A_406 = arith.addi %rem3A_397, %select_n3A_396 : i32
        %select_n3A_407 = arith.select %and3A_405, %add3A_406, %rem3A_397 : i32
        %dma_wait3A_408 = arith.constant 0 : i32
        %dma_wait3A_409 = arith.constant 0 : i32
        %dma_wait3A_410 = tpu.memref_slice %arg6[%select_n3A_407, %dma_wait3A_408, %dma_wait3A_409] : memref<6x2x80xi32, #tpu.memory_space<vmem>> -> memref<1x1x80xi32, #tpu.memory_space<vmem>>
        %dma_wait3A_411 = tpu.memref_squeeze %dma_wait3A_410 : memref<1x1x80xi32, #tpu.memory_space<vmem>> -> memref<80xi32, #tpu.memory_space<vmem>>
        %dma_wait3A_412 = tpu.memref_slice %arg3[%multiple_of3A_391] : memref<320000xi32, #tpu.memory_space<hbm>> -> memref<80xi32, #tpu.memory_space<hbm>>
        %dma_wait3A_413 = tpu.memref_slice %arg9[%select_n3A_407] : memref<6x!tpu.dma_semaphore, #tpu.memory_space<semaphore_mem>> -> memref<1x!tpu.dma_semaphore, #tpu.memory_space<semaphore_mem>>
        %dma_wait3A_414 = tpu.memref_squeeze %dma_wait3A_413 : memref<1x!tpu.dma_semaphore, #tpu.memory_space<semaphore_mem>> -> memref<!tpu.dma_semaphore, #tpu.memory_space<semaphore_mem>>
        %dma_wait3A_415 = arith.constant 0 : i32
        %dma_wait3A_416 = tpu.memref_slice %arg6[%select_n3A_407, %dma_wait3A_408, %dma_wait3A_415] : memref<6x2x80xi32, #tpu.memory_space<vmem>> -> memref<1x1x80xi32, #tpu.memory_space<vmem>>
        %dma_wait3A_417 = tpu.memref_squeeze %dma_wait3A_416 : memref<1x1x80xi32, #tpu.memory_space<vmem>> -> memref<80xi32, #tpu.memory_space<vmem>>
        %dma_wait3A_418 = tpu.memref_slice %arg3[%multiple_of3A_391] : memref<320000xi32, #tpu.memory_space<hbm>> -> memref<80xi32, #tpu.memory_space<hbm>>
        tpu.wait_dma2 semaphore(%dma_wait3A_414 : memref<!tpu.dma_semaphore, #tpu.memory_space<semaphore_mem>>) src(%dma_wait3A_418 : memref<80xi32, #tpu.memory_space<hbm>>) dst(%dma_wait3A_417 : memref<80xi32, #tpu.memory_space<vmem>>)
        %dma_wait3A_419 = arith.constant 1 : i32
        %dma_wait3A_420 = arith.constant 0 : i32
        %dma_wait3A_421 = tpu.memref_slice %arg6[%select_n3A_407, %dma_wait3A_419, %dma_wait3A_420] : memref<6x2x80xi32, #tpu.memory_space<vmem>> -> memref<1x1x80xi32, #tpu.memory_space<vmem>>
        %dma_wait3A_422 = tpu.memref_squeeze %dma_wait3A_421 : memref<1x1x80xi32, #tpu.memory_space<vmem>> -> memref<80xi32, #tpu.memory_space<vmem>>
        %dma_wait3A_423 = tpu.memref_slice %arg4[%multiple_of3A_391] : memref<320000xi32, #tpu.memory_space<hbm>> -> memref<80xi32, #tpu.memory_space<hbm>>
        %dma_wait3A_424 = tpu.memref_slice %arg9[%select_n3A_407] : memref<6x!tpu.dma_semaphore, #tpu.memory_space<semaphore_mem>> -> memref<1x!tpu.dma_semaphore, #tpu.memory_space<semaphore_mem>>
        %dma_wait3A_425 = tpu.memref_squeeze %dma_wait3A_424 : memref<1x!tpu.dma_semaphore, #tpu.memory_space<semaphore_mem>> -> memref<!tpu.dma_semaphore, #tpu.memory_space<semaphore_mem>>
        %dma_wait3A_426 = arith.constant 0 : i32
        %dma_wait3A_427 = tpu.memref_slice %arg6[%select_n3A_407, %dma_wait3A_419, %dma_wait3A_426] : memref<6x2x80xi32, #tpu.memory_space<vmem>> -> memref<1x1x80xi32, #tpu.memory_space<vmem>>
        %dma_wait3A_428 = tpu.memref_squeeze %dma_wait3A_427 : memref<1x1x80xi32, #tpu.memory_space<vmem>> -> memref<80xi32, #tpu.memory_space<vmem>>
        %dma_wait3A_429 = tpu.memref_slice %arg4[%multiple_of3A_391] : memref<320000xi32, #tpu.memory_space<hbm>> -> memref<80xi32, #tpu.memory_space<hbm>>
        tpu.wait_dma2 semaphore(%dma_wait3A_425 : memref<!tpu.dma_semaphore, #tpu.memory_space<semaphore_mem>>) src(%dma_wait3A_429 : memref<80xi32, #tpu.memory_space<hbm>>) dst(%dma_wait3A_428 : memref<80xi32, #tpu.memory_space<vmem>>)
        %ge3A = arith.constant 4 : i32
        %ge3A_430 = arith.cmpi sge, %add3A_374, %ge3A : i32
        %convert_element_type3A_431 = arith.extui %ge3A_430 : i1 to i32
        %cond3A_432 = arith.constant 0 : i32
        %cond3A_433 = arith.cmpi ne, %convert_element_type3A_431, %cond3A_432 : i32
        scf.if %cond3A_433 {
          %sub3A = arith.constant 4 : i32
          %sub3A_479 = arith.subi %add3A_374, %sub3A : i32
          %jit3A_480 = arith.constant 4 : i32
          %eq3A_481 = arith.constant 0 : i32
          %eq3A_482 = arith.cmpi eq, %jit3A_480, %eq3A_481 : i32
          %jit3A_483 = arith.constant 1 : i32
          %select_n3A_484 = arith.select %eq3A_482, %jit3A_483, %jit3A_480 : i32
          %rem3A_485 = arith.remsi %sub3A_479, %select_n3A_484 : i32
          %ne3A_486 = arith.constant 0 : i32
          %ne3A_487 = arith.cmpi ne, %rem3A_485, %ne3A_486 : i32
          %lt3A_488 = arith.constant 0 : i32
          %lt3A_489 = arith.cmpi slt, %rem3A_485, %lt3A_488 : i32
          %lt3A_490 = arith.constant 0 : i32
          %lt3A_491 = arith.cmpi slt, %select_n3A_484, %lt3A_490 : i32
          %ne3A_492 = arith.xori %lt3A_489, %lt3A_491 : i1
          %and3A_493 = arith.andi %ne3A_492, %ne3A_487 : i1
          %add3A_494 = arith.addi %rem3A_485, %select_n3A_484 : i32
          %select_n3A_495 = arith.select %and3A_493, %add3A_494, %rem3A_485 : i32
          %jit3A_496 = arith.constant 6 : i32
          %eq3A_497 = arith.constant 0 : i32
          %eq3A_498 = arith.cmpi eq, %jit3A_496, %eq3A_497 : i32
          %jit3A_499 = arith.constant 1 : i32
          %select_n3A_500 = arith.select %eq3A_498, %jit3A_499, %jit3A_496 : i32
          %rem3A_501 = arith.remsi %sub3A_479, %select_n3A_500 : i32
          %ne3A_502 = arith.constant 0 : i32
          %ne3A_503 = arith.cmpi ne, %rem3A_501, %ne3A_502 : i32
          %lt3A_504 = arith.constant 0 : i32
          %lt3A_505 = arith.cmpi slt, %rem3A_501, %lt3A_504 : i32
          %lt3A_506 = arith.constant 0 : i32
          %lt3A_507 = arith.cmpi slt, %select_n3A_500, %lt3A_506 : i32
          %ne3A_508 = arith.xori %lt3A_505, %lt3A_507 : i1
          %and3A_509 = arith.andi %ne3A_508, %ne3A_503 : i1
          %add3A_510 = arith.addi %rem3A_501, %select_n3A_500 : i32
          %select_n3A_511 = arith.select %and3A_509, %add3A_510, %rem3A_501 : i32
          %dma_wait3A_512 = arith.constant 1 : i32
          %dma_wait3A_513 = arith.constant 0 : i32
          %dma_wait3A_514 = arith.constant 0 : i32
          %dma_wait3A_515 = tpu.memref_slice %arg7[%select_n3A_495, %dma_wait3A_513, %dma_wait3A_514] : memref<4x80x128xf32, #tpu.memory_space<vmem>> -> memref<1x80x128xf32, #tpu.memory_space<vmem>>
          %dma_wait3A_516 = tpu.memref_squeeze %dma_wait3A_515 : memref<1x80x128xf32, #tpu.memory_space<vmem>> -> memref<80x128xf32, #tpu.memory_space<vmem>>
          %dma_wait3A_517 = arith.constant 0 : i32
          %dma_wait3A_518 = tpu.memref_slice %arg6[%select_n3A_511, %dma_wait3A_512, %dma_wait3A_517] : memref<6x2x80xi32, #tpu.memory_space<vmem>> -> memref<1x1x80xi32, #tpu.memory_space<vmem>>
          %dma_wait3A_519 = tpu.memref_squeeze %dma_wait3A_518 : memref<1x1x80xi32, #tpu.memory_space<vmem>> -> memref<80xi32, #tpu.memory_space<vmem>>
          %dma_wait3A_520 = arith.constant 0 : i32
          %dma_wait3A_521 = arith.constant 0 : i32
          %dma_wait3A_522 = tpu.memref_slice %arg8[%dma_wait3A_520, %dma_wait3A_521] : memref<10240x128xf32, #tpu.memory_space<vmem_shared>> -> memref<10240x128xf32, #tpu.memory_space<vmem_shared>>
          %dma_wait3A_523 = tpu.memref_slice %arg11[%select_n3A_495] : memref<4x!tpu.dma_semaphore, #tpu.memory_space<semaphore_mem>> -> memref<1x!tpu.dma_semaphore, #tpu.memory_space<semaphore_mem>>
          %dma_wait3A_524 = tpu.memref_squeeze %dma_wait3A_523 : memref<1x!tpu.dma_semaphore, #tpu.memory_space<semaphore_mem>> -> memref<!tpu.dma_semaphore, #tpu.memory_space<semaphore_mem>>
          tpu.wait_indirect_dma semaphore(%dma_wait3A_524 : memref<!tpu.dma_semaphore, #tpu.memory_space<semaphore_mem>>) src(%dma_wait3A_516 : memref<80x128xf32, #tpu.memory_space<vmem>>) dst(%dma_wait3A_522 : memref<10240x128xf32, #tpu.memory_space<vmem_shared>>)
        } else {
        }
        %jit3A_434 = arith.constant 4 : i32
        %eq3A_435 = arith.constant 0 : i32
        %eq3A_436 = arith.cmpi eq, %jit3A_434, %eq3A_435 : i32
        %jit3A_437 = arith.constant 1 : i32
        %select_n3A_438 = arith.select %eq3A_436, %jit3A_437, %jit3A_434 : i32
        %rem3A_439 = arith.remsi %add3A_374, %select_n3A_438 : i32
        %ne3A_440 = arith.constant 0 : i32
        %ne3A_441 = arith.cmpi ne, %rem3A_439, %ne3A_440 : i32
        %lt3A_442 = arith.constant 0 : i32
        %lt3A_443 = arith.cmpi slt, %rem3A_439, %lt3A_442 : i32
        %lt3A_444 = arith.constant 0 : i32
        %lt3A_445 = arith.cmpi slt, %select_n3A_438, %lt3A_444 : i32
        %ne3A_446 = arith.xori %lt3A_443, %lt3A_445 : i1
        %and3A_447 = arith.andi %ne3A_446, %ne3A_441 : i1
        %add3A_448 = arith.addi %rem3A_439, %select_n3A_438 : i32
        %select_n3A_449 = arith.select %and3A_447, %add3A_448, %rem3A_439 : i32
        %jit3A_450 = arith.constant 6 : i32
        %eq3A_451 = arith.constant 0 : i32
        %eq3A_452 = arith.cmpi eq, %jit3A_450, %eq3A_451 : i32
        %jit3A_453 = arith.constant 1 : i32
        %select_n3A_454 = arith.select %eq3A_452, %jit3A_453, %jit3A_450 : i32
        %rem3A_455 = arith.remsi %add3A_374, %select_n3A_454 : i32
        %ne3A_456 = arith.constant 0 : i32
        %ne3A_457 = arith.cmpi ne, %rem3A_455, %ne3A_456 : i32
        %lt3A_458 = arith.constant 0 : i32
        %lt3A_459 = arith.cmpi slt, %rem3A_455, %lt3A_458 : i32
        %lt3A_460 = arith.constant 0 : i32
        %lt3A_461 = arith.cmpi slt, %select_n3A_454, %lt3A_460 : i32
        %ne3A_462 = arith.xori %lt3A_459, %lt3A_461 : i1
        %and3A_463 = arith.andi %ne3A_462, %ne3A_457 : i1
        %add3A_464 = arith.addi %rem3A_455, %select_n3A_454 : i32
        %select_n3A_465 = arith.select %and3A_463, %add3A_464, %rem3A_455 : i32
        %dma_start3A_466 = arith.constant 0 : i32
        %dma_start3A_467 = arith.constant 0 : i32
        %dma_start3A_468 = arith.constant 0 : i32
        %dma_start3A_469 = tpu.memref_slice %arg7[%select_n3A_449, %dma_start3A_467, %dma_start3A_468] : memref<4x80x128xf32, #tpu.memory_space<vmem>> -> memref<1x80x128xf32, #tpu.memory_space<vmem>>
        %dma_start3A_470 = tpu.memref_squeeze %dma_start3A_469 : memref<1x80x128xf32, #tpu.memory_space<vmem>> -> memref<80x128xf32, #tpu.memory_space<vmem>>
        %dma_start3A_471 = arith.constant 0 : i32
        %dma_start3A_472 = tpu.memref_slice %arg6[%select_n3A_465, %dma_start3A_466, %dma_start3A_471] : memref<6x2x80xi32, #tpu.memory_space<vmem>> -> memref<1x1x80xi32, #tpu.memory_space<vmem>>
        %dma_start3A_473 = tpu.memref_squeeze %dma_start3A_472 : memref<1x1x80xi32, #tpu.memory_space<vmem>> -> memref<80xi32, #tpu.memory_space<vmem>>
        %dma_start3A_474 = arith.constant 0 : i32
        %dma_start3A_475 = arith.constant 0 : i32
        %dma_start3A_476 = tpu.memref_slice %arg2[%dma_start3A_474, %dma_start3A_475] : memref<10240x128xf32, #tpu.memory_space<hbm>> -> memref<10240x128xf32, #tpu.memory_space<hbm>>
        %dma_start3A_477 = tpu.memref_slice %arg10[%select_n3A_449] : memref<4x!tpu.dma_semaphore, #tpu.memory_space<semaphore_mem>> -> memref<1x!tpu.dma_semaphore, #tpu.memory_space<semaphore_mem>>
        %dma_start3A_478 = tpu.memref_squeeze %dma_start3A_477 : memref<1x!tpu.dma_semaphore, #tpu.memory_space<semaphore_mem>> -> memref<!tpu.dma_semaphore, #tpu.memory_space<semaphore_mem>>
        tpu.enqueue_indirect_dma source(%dma_start3A_476 : memref<10240x128xf32, #tpu.memory_space<hbm>>) target(%dma_start3A_470 : memref<80x128xf32, #tpu.memory_space<vmem>>) offsets(%dma_start3A_473 : memref<80xi32, #tpu.memory_space<vmem>>) semaphore(%dma_start3A_478 : memref<!tpu.dma_semaphore, #tpu.memory_space<semaphore_mem>>)
      } else {
      }
      %add3A_378 = arith.constant 2 : i32
      %add3A_379 = arith.addi %scan3A_288, %add3A_378 : i32
      %add3A_380 = arith.constant 1 : i32
      %add3A_381 = arith.addi %add3A_379, %add3A_380 : i32
      %lt3A_382 = arith.constant 125 : i32
      %lt3A_383 = arith.cmpi slt, %add3A_381, %lt3A_382 : i32
      %convert_element_type3A_384 = arith.extui %lt3A_383 : i1 to i32
      %cond3A_385 = arith.constant 0 : i32
      %cond3A_386 = arith.cmpi ne, %convert_element_type3A_384, %cond3A_385 : i32
      scf.if %cond3A_386 {
        %mul3A_388 = arith.constant 80 : i32
        %mul3A_389 = arith.muli %add3A_381, %mul3A_388 : i32
        %add3A_390 = arith.addi %mul3A_2, %mul3A_389 : i32
        %multiple_of3A_391 = tpu.assume_multiple %add3A_390, 8 : i32
        %jit3A_392 = arith.constant 6 : i32
        %eq3A_393 = arith.constant 0 : i32
        %eq3A_394 = arith.cmpi eq, %jit3A_392, %eq3A_393 : i32
        %jit3A_395 = arith.constant 1 : i32
        %select_n3A_396 = arith.select %eq3A_394, %jit3A_395, %jit3A_392 : i32
        %rem3A_397 = arith.remsi %add3A_381, %select_n3A_396 : i32
        %ne3A_398 = arith.constant 0 : i32
        %ne3A_399 = arith.cmpi ne, %rem3A_397, %ne3A_398 : i32
        %lt3A_400 = arith.constant 0 : i32
        %lt3A_401 = arith.cmpi slt, %rem3A_397, %lt3A_400 : i32
        %lt3A_402 = arith.constant 0 : i32
        %lt3A_403 = arith.cmpi slt, %select_n3A_396, %lt3A_402 : i32
        %ne3A_404 = arith.xori %lt3A_401, %lt3A_403 : i1
        %and3A_405 = arith.andi %ne3A_404, %ne3A_399 : i1
        %add3A_406 = arith.addi %rem3A_397, %select_n3A_396 : i32
        %select_n3A_407 = arith.select %and3A_405, %add3A_406, %rem3A_397 : i32
        %dma_start3A_408 = arith.constant 0 : i32
        %dma_start3A_409 = arith.constant 0 : i32
        %dma_start3A_410 = tpu.memref_slice %arg6[%select_n3A_407, %dma_start3A_408, %dma_start3A_409] : memref<6x2x80xi32, #tpu.memory_space<vmem>> -> memref<1x1x80xi32, #tpu.memory_space<vmem>>
        %dma_start3A_411 = tpu.memref_squeeze %dma_start3A_410 : memref<1x1x80xi32, #tpu.memory_space<vmem>> -> memref<80xi32, #tpu.memory_space<vmem>>
        %dma_start3A_412 = tpu.memref_slice %arg3[%multiple_of3A_391] : memref<320000xi32, #tpu.memory_space<hbm>> -> memref<80xi32, #tpu.memory_space<hbm>>
        %dma_start3A_413 = tpu.memref_slice %arg9[%select_n3A_407] : memref<6x!tpu.dma_semaphore, #tpu.memory_space<semaphore_mem>> -> memref<1x!tpu.dma_semaphore, #tpu.memory_space<semaphore_mem>>
        %dma_start3A_414 = tpu.memref_squeeze %dma_start3A_413 : memref<1x!tpu.dma_semaphore, #tpu.memory_space<semaphore_mem>> -> memref<!tpu.dma_semaphore, #tpu.memory_space<semaphore_mem>>
        %dma_start3A_415 = arith.constant 0 : i32
        %dma_start3A_416 = tpu.memref_slice %arg6[%select_n3A_407, %dma_start3A_408, %dma_start3A_415] : memref<6x2x80xi32, #tpu.memory_space<vmem>> -> memref<1x1x80xi32, #tpu.memory_space<vmem>>
        %dma_start3A_417 = tpu.memref_squeeze %dma_start3A_416 : memref<1x1x80xi32, #tpu.memory_space<vmem>> -> memref<80xi32, #tpu.memory_space<vmem>>
        %dma_start3A_418 = tpu.memref_slice %arg3[%multiple_of3A_391] : memref<320000xi32, #tpu.memory_space<hbm>> -> memref<80xi32, #tpu.memory_space<hbm>>
        tpu.enqueue_dma source(%dma_start3A_418 : memref<80xi32, #tpu.memory_space<hbm>>) target(%dma_start3A_417 : memref<80xi32, #tpu.memory_space<vmem>>) target_semaphore(%dma_start3A_414 : memref<!tpu.dma_semaphore, #tpu.memory_space<semaphore_mem>>)
        %dma_start3A_419 = arith.constant 1 : i32
        %dma_start3A_420 = arith.constant 0 : i32
        %dma_start3A_421 = tpu.memref_slice %arg6[%select_n3A_407, %dma_start3A_419, %dma_start3A_420] : memref<6x2x80xi32, #tpu.memory_space<vmem>> -> memref<1x1x80xi32, #tpu.memory_space<vmem>>
        %dma_start3A_422 = tpu.memref_squeeze %dma_start3A_421 : memref<1x1x80xi32, #tpu.memory_space<vmem>> -> memref<80xi32, #tpu.memory_space<vmem>>
        %dma_start3A_423 = tpu.memref_slice %arg4[%multiple_of3A_391] : memref<320000xi32, #tpu.memory_space<hbm>> -> memref<80xi32, #tpu.memory_space<hbm>>
        %dma_start3A_424 = tpu.memref_slice %arg9[%select_n3A_407] : memref<6x!tpu.dma_semaphore, #tpu.memory_space<semaphore_mem>> -> memref<1x!tpu.dma_semaphore, #tpu.memory_space<semaphore_mem>>
        %dma_start3A_425 = tpu.memref_squeeze %dma_start3A_424 : memref<1x!tpu.dma_semaphore, #tpu.memory_space<semaphore_mem>> -> memref<!tpu.dma_semaphore, #tpu.memory_space<semaphore_mem>>
        %dma_start3A_426 = arith.constant 0 : i32
        %dma_start3A_427 = tpu.memref_slice %arg6[%select_n3A_407, %dma_start3A_419, %dma_start3A_426] : memref<6x2x80xi32, #tpu.memory_space<vmem>> -> memref<1x1x80xi32, #tpu.memory_space<vmem>>
        %dma_start3A_428 = tpu.memref_squeeze %dma_start3A_427 : memref<1x1x80xi32, #tpu.memory_space<vmem>> -> memref<80xi32, #tpu.memory_space<vmem>>
        %dma_start3A_429 = tpu.memref_slice %arg4[%multiple_of3A_391] : memref<320000xi32, #tpu.memory_space<hbm>> -> memref<80xi32, #tpu.memory_space<hbm>>
        tpu.enqueue_dma source(%dma_start3A_429 : memref<80xi32, #tpu.memory_space<hbm>>) target(%dma_start3A_428 : memref<80xi32, #tpu.memory_space<vmem>>) target_semaphore(%dma_start3A_425 : memref<!tpu.dma_semaphore, #tpu.memory_space<semaphore_mem>>)
      } else {
      }
      %scan3A_387 = arith.constant 0 : i32
      scf.yield %scan3A_387 : i32
    }
    %scan3A_215 = arith.constant 125 : i32
    %dma_wait3A_216 = arith.constant 1 : i32
    %dma_wait3A_217 = arith.constant 1 : i32
    %dma_wait3A_218 = arith.constant 1 : i32
    %dma_wait3A_219 = arith.constant 1 : i32
    %dma_wait3A_220 = arith.constant 0 : i32
    %dma_wait3A_221 = arith.constant 0 : i32
    %dma_wait3A_222 = tpu.memref_slice %arg7[%dma_wait3A_216, %dma_wait3A_220, %dma_wait3A_221] : memref<4x80x128xf32, #tpu.memory_space<vmem>> -> memref<1x80x128xf32, #tpu.memory_space<vmem>>
    %dma_wait3A_223 = tpu.memref_squeeze %dma_wait3A_222 : memref<1x80x128xf32, #tpu.memory_space<vmem>> -> memref<80x128xf32, #tpu.memory_space<vmem>>
    %dma_wait3A_224 = arith.constant 0 : i32
    %dma_wait3A_225 = tpu.memref_slice %arg6[%dma_wait3A_217, %dma_wait3A_218, %dma_wait3A_224] : memref<6x2x80xi32, #tpu.memory_space<vmem>> -> memref<1x1x80xi32, #tpu.memory_space<vmem>>
    %dma_wait3A_226 = tpu.memref_squeeze %dma_wait3A_225 : memref<1x1x80xi32, #tpu.memory_space<vmem>> -> memref<80xi32, #tpu.memory_space<vmem>>
    %dma_wait3A_227 = arith.constant 0 : i32
    %dma_wait3A_228 = arith.constant 0 : i32
    %dma_wait3A_229 = tpu.memref_slice %arg8[%dma_wait3A_227, %dma_wait3A_228] : memref<10240x128xf32, #tpu.memory_space<vmem_shared>> -> memref<10240x128xf32, #tpu.memory_space<vmem_shared>>
    %dma_wait3A_230 = tpu.memref_slice %arg11[%dma_wait3A_219] : memref<4x!tpu.dma_semaphore, #tpu.memory_space<semaphore_mem>> -> memref<1x!tpu.dma_semaphore, #tpu.memory_space<semaphore_mem>>
    %dma_wait3A_231 = tpu.memref_squeeze %dma_wait3A_230 : memref<1x!tpu.dma_semaphore, #tpu.memory_space<semaphore_mem>> -> memref<!tpu.dma_semaphore, #tpu.memory_space<semaphore_mem>>
    tpu.wait_indirect_dma semaphore(%dma_wait3A_231 : memref<!tpu.dma_semaphore, #tpu.memory_space<semaphore_mem>>) src(%dma_wait3A_223 : memref<80x128xf32, #tpu.memory_space<vmem>>) dst(%dma_wait3A_229 : memref<10240x128xf32, #tpu.memory_space<vmem_shared>>)
    %dma_wait3A_232 = arith.constant 2 : i32
    %dma_wait3A_233 = arith.constant 2 : i32
    %dma_wait3A_234 = arith.constant 1 : i32
    %dma_wait3A_235 = arith.constant 2 : i32
    %dma_wait3A_236 = arith.constant 0 : i32
    %dma_wait3A_237 = arith.constant 0 : i32
    %dma_wait3A_238 = tpu.memref_slice %arg7[%dma_wait3A_232, %dma_wait3A_236, %dma_wait3A_237] : memref<4x80x128xf32, #tpu.memory_space<vmem>> -> memref<1x80x128xf32, #tpu.memory_space<vmem>>
    %dma_wait3A_239 = tpu.memref_squeeze %dma_wait3A_238 : memref<1x80x128xf32, #tpu.memory_space<vmem>> -> memref<80x128xf32, #tpu.memory_space<vmem>>
    %dma_wait3A_240 = arith.constant 0 : i32
    %dma_wait3A_241 = tpu.memref_slice %arg6[%dma_wait3A_233, %dma_wait3A_234, %dma_wait3A_240] : memref<6x2x80xi32, #tpu.memory_space<vmem>> -> memref<1x1x80xi32, #tpu.memory_space<vmem>>
    %dma_wait3A_242 = tpu.memref_squeeze %dma_wait3A_241 : memref<1x1x80xi32, #tpu.memory_space<vmem>> -> memref<80xi32, #tpu.memory_space<vmem>>
    %dma_wait3A_243 = arith.constant 0 : i32
    %dma_wait3A_244 = arith.constant 0 : i32
    %dma_wait3A_245 = tpu.memref_slice %arg8[%dma_wait3A_243, %dma_wait3A_244] : memref<10240x128xf32, #tpu.memory_space<vmem_shared>> -> memref<10240x128xf32, #tpu.memory_space<vmem_shared>>
    %dma_wait3A_246 = tpu.memref_slice %arg11[%dma_wait3A_235] : memref<4x!tpu.dma_semaphore, #tpu.memory_space<semaphore_mem>> -> memref<1x!tpu.dma_semaphore, #tpu.memory_space<semaphore_mem>>
    %dma_wait3A_247 = tpu.memref_squeeze %dma_wait3A_246 : memref<1x!tpu.dma_semaphore, #tpu.memory_space<semaphore_mem>> -> memref<!tpu.dma_semaphore, #tpu.memory_space<semaphore_mem>>
    tpu.wait_indirect_dma semaphore(%dma_wait3A_247 : memref<!tpu.dma_semaphore, #tpu.memory_space<semaphore_mem>>) src(%dma_wait3A_239 : memref<80x128xf32, #tpu.memory_space<vmem>>) dst(%dma_wait3A_245 : memref<10240x128xf32, #tpu.memory_space<vmem_shared>>)
    %dma_wait3A_248 = arith.constant 3 : i32
    %dma_wait3A_249 = arith.constant 3 : i32
    %dma_wait3A_250 = arith.constant 1 : i32
    %dma_wait3A_251 = arith.constant 3 : i32
    %dma_wait3A_252 = arith.constant 0 : i32
    %dma_wait3A_253 = arith.constant 0 : i32
    %dma_wait3A_254 = tpu.memref_slice %arg7[%dma_wait3A_248, %dma_wait3A_252, %dma_wait3A_253] : memref<4x80x128xf32, #tpu.memory_space<vmem>> -> memref<1x80x128xf32, #tpu.memory_space<vmem>>
    %dma_wait3A_255 = tpu.memref_squeeze %dma_wait3A_254 : memref<1x80x128xf32, #tpu.memory_space<vmem>> -> memref<80x128xf32, #tpu.memory_space<vmem>>
    %dma_wait3A_256 = arith.constant 0 : i32
    %dma_wait3A_257 = tpu.memref_slice %arg6[%dma_wait3A_249, %dma_wait3A_250, %dma_wait3A_256] : memref<6x2x80xi32, #tpu.memory_space<vmem>> -> memref<1x1x80xi32, #tpu.memory_space<vmem>>
    %dma_wait3A_258 = tpu.memref_squeeze %dma_wait3A_257 : memref<1x1x80xi32, #tpu.memory_space<vmem>> -> memref<80xi32, #tpu.memory_space<vmem>>
    %dma_wait3A_259 = arith.constant 0 : i32
    %dma_wait3A_260 = arith.constant 0 : i32
    %dma_wait3A_261 = tpu.memref_slice %arg8[%dma_wait3A_259, %dma_wait3A_260] : memref<10240x128xf32, #tpu.memory_space<vmem_shared>> -> memref<10240x128xf32, #tpu.memory_space<vmem_shared>>
    %dma_wait3A_262 = tpu.memref_slice %arg11[%dma_wait3A_251] : memref<4x!tpu.dma_semaphore, #tpu.memory_space<semaphore_mem>> -> memref<1x!tpu.dma_semaphore, #tpu.memory_space<semaphore_mem>>
    %dma_wait3A_263 = tpu.memref_squeeze %dma_wait3A_262 : memref<1x!tpu.dma_semaphore, #tpu.memory_space<semaphore_mem>> -> memref<!tpu.dma_semaphore, #tpu.memory_space<semaphore_mem>>
    tpu.wait_indirect_dma semaphore(%dma_wait3A_263 : memref<!tpu.dma_semaphore, #tpu.memory_space<semaphore_mem>>) src(%dma_wait3A_255 : memref<80x128xf32, #tpu.memory_space<vmem>>) dst(%dma_wait3A_261 : memref<10240x128xf32, #tpu.memory_space<vmem_shared>>)
    %dma_wait3A_264 = arith.constant 0 : i32
    %dma_wait3A_265 = arith.constant 4 : i32
    %dma_wait3A_266 = arith.constant 1 : i32
    %dma_wait3A_267 = arith.constant 0 : i32
    %dma_wait3A_268 = arith.constant 0 : i32
    %dma_wait3A_269 = arith.constant 0 : i32
    %dma_wait3A_270 = tpu.memref_slice %arg7[%dma_wait3A_264, %dma_wait3A_268, %dma_wait3A_269] : memref<4x80x128xf32, #tpu.memory_space<vmem>> -> memref<1x80x128xf32, #tpu.memory_space<vmem>>
    %dma_wait3A_271 = tpu.memref_squeeze %dma_wait3A_270 : memref<1x80x128xf32, #tpu.memory_space<vmem>> -> memref<80x128xf32, #tpu.memory_space<vmem>>
    %dma_wait3A_272 = arith.constant 0 : i32
    %dma_wait3A_273 = tpu.memref_slice %arg6[%dma_wait3A_265, %dma_wait3A_266, %dma_wait3A_272] : memref<6x2x80xi32, #tpu.memory_space<vmem>> -> memref<1x1x80xi32, #tpu.memory_space<vmem>>
    %dma_wait3A_274 = tpu.memref_squeeze %dma_wait3A_273 : memref<1x1x80xi32, #tpu.memory_space<vmem>> -> memref<80xi32, #tpu.memory_space<vmem>>
    %dma_wait3A_275 = arith.constant 0 : i32
    %dma_wait3A_276 = arith.constant 0 : i32
    %dma_wait3A_277 = tpu.memref_slice %arg8[%dma_wait3A_275, %dma_wait3A_276] : memref<10240x128xf32, #tpu.memory_space<vmem_shared>> -> memref<10240x128xf32, #tpu.memory_space<vmem_shared>>
    %dma_wait3A_278 = tpu.memref_slice %arg11[%dma_wait3A_267] : memref<4x!tpu.dma_semaphore, #tpu.memory_space<semaphore_mem>> -> memref<1x!tpu.dma_semaphore, #tpu.memory_space<semaphore_mem>>
    %dma_wait3A_279 = tpu.memref_squeeze %dma_wait3A_278 : memref<1x!tpu.dma_semaphore, #tpu.memory_space<semaphore_mem>> -> memref<!tpu.dma_semaphore, #tpu.memory_space<semaphore_mem>>
    tpu.wait_indirect_dma semaphore(%dma_wait3A_279 : memref<!tpu.dma_semaphore, #tpu.memory_space<semaphore_mem>>) src(%dma_wait3A_271 : memref<80x128xf32, #tpu.memory_space<vmem>>) dst(%dma_wait3A_277 : memref<10240x128xf32, #tpu.memory_space<vmem_shared>>)
    %barrier3A_280 = arith.constant 0 : index
    tpu.barrier barrier_id(%barrier3A_280)
    %mul3A_281 = arith.constant 10240 : i32
    %mul3A_282 = arith.muli %arg0, %mul3A_281 : i32
    %mul3A_283 = arith.constant 640 : i32
    %mul3A_284 = arith.muli %arg1, %mul3A_283 : i32
    %add3A_285 = arith.addi %mul3A_282, %mul3A_284 : i32
    %mul3A_286 = arith.constant 640 : i32
    %mul3A_287 = arith.muli %arg1, %mul3A_286 : i32
    "tpu.region"() ({
      %run_scoped3A_288 = tpu.sem_alloc : memref<!tpu.dma_semaphore, #tpu.memory_space<semaphore_mem>>
      %dma_start3A_289 = arith.constant 0 : i32
      %dma_start3A_290 = tpu.memref_slice %arg5[%add3A_285, %dma_start3A_289] : memref<20480x128xf32, #tpu.memory_space<hbm>> -> memref<640x128xf32, #tpu.memory_space<hbm>>
      %dma_start3A_291 = arith.constant 0 : i32
      %dma_start3A_292 = tpu.memref_slice %arg8[%mul3A_287, %dma_start3A_291] : memref<10240x128xf32, #tpu.memory_space<vmem_shared>> -> memref<640x128xf32, #tpu.memory_space<vmem_shared>>
      tpu.enqueue_dma source(%dma_start3A_292 : memref<640x128xf32, #tpu.memory_space<vmem_shared>>) target(%dma_start3A_290 : memref<640x128xf32, #tpu.memory_space<hbm>>) target_semaphore(%run_scoped3A_288 : memref<!tpu.dma_semaphore, #tpu.memory_space<semaphore_mem>>)
      %dma_wait3A_293 = arith.constant 0 : i32
      %dma_wait3A_294 = tpu.memref_slice %arg5[%add3A_285, %dma_wait3A_293] : memref<20480x128xf32, #tpu.memory_space<hbm>> -> memref<640x128xf32, #tpu.memory_space<hbm>>
      %dma_wait3A_295 = arith.constant 0 : i32
      %dma_wait3A_296 = tpu.memref_slice %arg8[%mul3A_287, %dma_wait3A_295] : memref<10240x128xf32, #tpu.memory_space<vmem_shared>> -> memref<640x128xf32, #tpu.memory_space<vmem_shared>>
      tpu.wait_dma2 semaphore(%run_scoped3A_288 : memref<!tpu.dma_semaphore, #tpu.memory_space<semaphore_mem>>) src(%dma_wait3A_296 : memref<640x128xf32, #tpu.memory_space<vmem_shared>>) dst(%dma_wait3A_294 : memref<640x128xf32, #tpu.memory_space<hbm>>)
      tpu.yield
    }) : () -> ()
    return
  }
}

#map = affine_map<(d0, d1) -> (0, 0)>
#map1 = affine_map<(d0, d1) -> (0)>
module attributes {stable_mosaic.version = 14 : i64} {
  func.func @_edge_body(%arg0: i32, %arg1: i32, %arg2: memref<10240x128xf32, #tpu.memory_space<hbm>>, %arg3: memref<320000xi32, #tpu.memory_space<hbm>>, %arg4: memref<320000xi32, #tpu.memory_space<hbm>>, %arg5: memref<20480x128xf32, #tpu.memory_space<hbm>>, %arg6: memref<6x2x80xi32, #tpu.memory_space<vmem>>, %arg7: memref<4x80x128xf32, #tpu.memory_space<vmem>>, %arg8: memref<10240x128xf32, #tpu.memory_space<vmem_shared>>, %arg9: memref<6x!tpu.dma_semaphore, #tpu.memory_space<semaphore_mem>>, %arg10: memref<4x!tpu.dma_semaphore, #tpu.memory_space<semaphore_mem>>, %arg11: memref<4x!tpu.dma_semaphore, #tpu.memory_space<semaphore_mem>>) attributes {dimension_semantics = [#tpu.dimension_semantics<core_parallel>, #tpu.dimension_semantics<subcore_parallel>], iteration_bounds = array<i64: 2, 16>, scalar_prefetch = 0 : i64, scratch_operands = 6 : i64, tpu.core_type = #tpu.core_type<sc_vector_subcore>, window_params = [{transform_indices = #map}, {transform_indices = #map1}, {transform_indices = #map1}, {transform_indices = #map}]} {
    %mul3A = arith.constant 16 : i32
    %mul3A_0 = arith.muli %arg0, %mul3A : i32
    %add3A = arith.addi %mul3A_0, %arg1 : i32
    %mul3A_1 = arith.constant 10000 : i32
    %mul3A_2 = arith.muli %add3A, %mul3A_1 : i32
    %broadcast_in_dim3A = arith.constant 0.000000e+00 : f32
    %broadcast_in_dim3A_3 = vector.broadcast %broadcast_in_dim3A : f32 to vector<16xf32>
    %scan3A = arith.constant 0 : i32
    %scan3A_4 = arith.constant 0 : i32
    %scan3A_5 = arith.constant 80 : i32
    %scan3A_6 = arith.addi %scan3A_4, %scan3A_5 : i32
    %scan3A_7 = arith.constant 1 : i32
    %scan3A_8 = scf.for %scan3A_288 = %scan3A_4 to %scan3A_6 step %scan3A_7 iter_args(%scan3A_289 = %scan3A) -> (i32)  : i32 {
      %swap3A = arith.constant 0 : i32
      %swap3A_290 = arith.index_cast %swap3A : i32 to index
      %swap3A_291 = arith.index_cast %scan3A_288 : i32 to index
      %swap3A_292 = arith.constant 0 : index
      %swap3A_293 = tpu.vector_load %arg7[%swap3A_290, %swap3A_291, %swap3A_292] {strides = array<i32>} : memref<4x80x128xf32, #tpu.memory_space<vmem>>, vector<1x1x16xf32>,
      %swap3A_294 = vector.shape_cast %swap3A_293 : vector<1x1x16xf32> to vector<16xf32>
      %swap3A_295 = vector.shape_cast %broadcast_in_dim3A_3 : vector<16xf32> to vector<1x1x16xf32>
      tpu.vector_store %arg7[%swap3A_290, %swap3A_291, %swap3A_292], %swap3A_295 {strides = array<i32>} : memref<4x80x128xf32, #tpu.memory_space<vmem>>, vector<1x1x16xf32>,
      %swap3A_296 = arith.constant 0 : i32
      %swap3A_297 = arith.index_cast %swap3A_296 : i32 to index
      %swap3A_298 = arith.index_cast %scan3A_288 : i32 to index
      %swap3A_299 = arith.constant 16 : index
      %swap3A_300 = tpu.vector_load %arg7[%swap3A_297, %swap3A_298, %swap3A_299] {strides = array<i32>} : memref<4x80x128xf32, #tpu.memory_space<vmem>>, vector<1x1x16xf32>,
      %swap3A_301 = vector.shape_cast %swap3A_300 : vector<1x1x16xf32> to vector<16xf32>
      %swap3A_302 = vector.shape_cast %broadcast_in_dim3A_3 : vector<16xf32> to vector<1x1x16xf32>
      tpu.vector_store %arg7[%swap3A_297, %swap3A_298, %swap3A_299], %swap3A_302 {strides = array<i32>} : memref<4x80x128xf32, #tpu.memory_space<vmem>>, vector<1x1x16xf32>,
      %swap3A_303 = arith.constant 0 : i32
      %swap3A_304 = arith.index_cast %swap3A_303 : i32 to index
      %swap3A_305 = arith.index_cast %scan3A_288 : i32 to index
      %swap3A_306 = arith.constant 32 : index
      %swap3A_307 = tpu.vector_load %arg7[%swap3A_304, %swap3A_305, %swap3A_306] {strides = array<i32>} : memref<4x80x128xf32, #tpu.memory_space<vmem>>, vector<1x1x16xf32>,
      %swap3A_308 = vector.shape_cast %swap3A_307 : vector<1x1x16xf32> to vector<16xf32>
      %swap3A_309 = vector.shape_cast %broadcast_in_dim3A_3 : vector<16xf32> to vector<1x1x16xf32>
      tpu.vector_store %arg7[%swap3A_304, %swap3A_305, %swap3A_306], %swap3A_309 {strides = array<i32>} : memref<4x80x128xf32, #tpu.memory_space<vmem>>, vector<1x1x16xf32>,
      %swap3A_310 = arith.constant 0 : i32
      %swap3A_311 = arith.index_cast %swap3A_310 : i32 to index
      %swap3A_312 = arith.index_cast %scan3A_288 : i32 to index
      %swap3A_313 = arith.constant 48 : index
      %swap3A_314 = tpu.vector_load %arg7[%swap3A_311, %swap3A_312, %swap3A_313] {strides = array<i32>} : memref<4x80x128xf32, #tpu.memory_space<vmem>>, vector<1x1x16xf32>,
      %swap3A_315 = vector.shape_cast %swap3A_314 : vector<1x1x16xf32> to vector<16xf32>
      %swap3A_316 = vector.shape_cast %broadcast_in_dim3A_3 : vector<16xf32> to vector<1x1x16xf32>
      tpu.vector_store %arg7[%swap3A_311, %swap3A_312, %swap3A_313], %swap3A_316 {strides = array<i32>} : memref<4x80x128xf32, #tpu.memory_space<vmem>>, vector<1x1x16xf32>,
      %swap3A_317 = arith.constant 0 : i32
      %swap3A_318 = arith.index_cast %swap3A_317 : i32 to index
      %swap3A_319 = arith.index_cast %scan3A_288 : i32 to index
      %swap3A_320 = arith.constant 64 : index
      %swap3A_321 = tpu.vector_load %arg7[%swap3A_318, %swap3A_319, %swap3A_320] {strides = array<i32>} : memref<4x80x128xf32, #tpu.memory_space<vmem>>, vector<1x1x16xf32>,
      %swap3A_322 = vector.shape_cast %swap3A_321 : vector<1x1x16xf32> to vector<16xf32>
      %swap3A_323 = vector.shape_cast %broadcast_in_dim3A_3 : vector<16xf32> to vector<1x1x16xf32>
      tpu.vector_store %arg7[%swap3A_318, %swap3A_319, %swap3A_320], %swap3A_323 {strides = array<i32>} : memref<4x80x128xf32, #tpu.memory_space<vmem>>, vector<1x1x16xf32>,
      %swap3A_324 = arith.constant 0 : i32
      %swap3A_325 = arith.index_cast %swap3A_324 : i32 to index
      %swap3A_326 = arith.index_cast %scan3A_288 : i32 to index
      %swap3A_327 = arith.constant 80 : index
      %swap3A_328 = tpu.vector_load %arg7[%swap3A_325, %swap3A_326, %swap3A_327] {strides = array<i32>} : memref<4x80x128xf32, #tpu.memory_space<vmem>>, vector<1x1x16xf32>,
      %swap3A_329 = vector.shape_cast %swap3A_328 : vector<1x1x16xf32> to vector<16xf32>
      %swap3A_330 = vector.shape_cast %broadcast_in_dim3A_3 : vector<16xf32> to vector<1x1x16xf32>
      tpu.vector_store %arg7[%swap3A_325, %swap3A_326, %swap3A_327], %swap3A_330 {strides = array<i32>} : memref<4x80x128xf32, #tpu.memory_space<vmem>>, vector<1x1x16xf32>,
      %swap3A_331 = arith.constant 0 : i32
      %swap3A_332 = arith.index_cast %swap3A_331 : i32 to index
      %swap3A_333 = arith.index_cast %scan3A_288 : i32 to index
      %swap3A_334 = arith.constant 96 : index
      %swap3A_335 = tpu.vector_load %arg7[%swap3A_332, %swap3A_333, %swap3A_334] {strides = array<i32>} : memref<4x80x128xf32, #tpu.memory_space<vmem>>, vector<1x1x16xf32>,
      %swap3A_336 = vector.shape_cast %swap3A_335 : vector<1x1x16xf32> to vector<16xf32>
      %swap3A_337 = vector.shape_cast %broadcast_in_dim3A_3 : vector<16xf32> to vector<1x1x16xf32>
      tpu.vector_store %arg7[%swap3A_332, %swap3A_333, %swap3A_334], %swap3A_337 {strides = array<i32>} : memref<4x80x128xf32, #tpu.memory_space<vmem>>, vector<1x1x16xf32>,
      %swap3A_338 = arith.constant 0 : i32
      %swap3A_339 = arith.index_cast %swap3A_338 : i32 to index
      %swap3A_340 = arith.index_cast %scan3A_288 : i32 to index
      %swap3A_341 = arith.constant 112 : index
      %swap3A_342 = tpu.vector_load %arg7[%swap3A_339, %swap3A_340, %swap3A_341] {strides = array<i32>} : memref<4x80x128xf32, #tpu.memory_space<vmem>>, vector<1x1x16xf32>,
      %swap3A_343 = vector.shape_cast %swap3A_342 : vector<1x1x16xf32> to vector<16xf32>
      %swap3A_344 = vector.shape_cast %broadcast_in_dim3A_3 : vector<16xf32> to vector<1x1x16xf32>
      tpu.vector_store %arg7[%swap3A_339, %swap3A_340, %swap3A_341], %swap3A_344 {strides = array<i32>} : memref<4x80x128xf32, #tpu.memory_space<vmem>>, vector<1x1x16xf32>,
      %scan3A_345 = arith.constant 0 : i32
      scf.yield %scan3A_345 : i32
    }
    %scan3A_9 = arith.constant 80 : i32
    %mul3A_10 = arith.constant 640 : i32
    %mul3A_11 = arith.muli %arg1, %mul3A_10 : i32
    %add3A_12 = arith.constant 0 : i32
    %add3A_13 = arith.addi %mul3A_11, %add3A_12 : i32
    %run_scoped3A = arith.constant 0 : i32
    "tpu.region"() ({
      %run_scoped3A_288 = tpu.sem_alloc : memref<!tpu.dma_semaphore, #tpu.memory_space<semaphore_mem>>
      %dma_start3A_289 = arith.constant 0 : i32
      %dma_start3A_290 = arith.constant 0 : i32
      %dma_start3A_291 = tpu.memref_slice %arg7[%run_scoped3A, %dma_start3A_289, %dma_start3A_290] : memref<4x80x128xf32, #tpu.memory_space<vmem>> -> memref<1x80x128xf32, #tpu.memory_space<vmem>>
      %dma_start3A_292 = tpu.memref_squeeze %dma_start3A_291 : memref<1x80x128xf32, #tpu.memory_space<vmem>> -> memref<80x128xf32, #tpu.memory_space<vmem>>
      %dma_start3A_293 = arith.constant 0 : i32
      %dma_start3A_294 = tpu.memref_slice %arg8[%add3A_13, %dma_start3A_293] : memref<10240x128xf32, #tpu.memory_space<vmem_shared>> -> memref<80x128xf32, #tpu.memory_space<vmem_shared>>
      %dma_start3A_295 = arith.constant 0 : i32
      %dma_start3A_296 = tpu.memref_slice %arg8[%add3A_13, %dma_start3A_295] : memref<10240x128xf32, #tpu.memory_space<vmem_shared>> -> memref<80x128xf32, #tpu.memory_space<vmem_shared>>
      %dma_start3A_297 = arith.constant 0 : i32
      %dma_start3A_298 = arith.constant 0 : i32
      %dma_start3A_299 = tpu.memref_slice %arg7[%run_scoped3A, %dma_start3A_297, %dma_start3A_298] : memref<4x80x128xf32, #tpu.memory_space<vmem>> -> memref<1x80x128xf32, #tpu.memory_space<vmem>>
      %dma_start3A_300 = tpu.memref_squeeze %dma_start3A_299 : memref<1x80x128xf32, #tpu.memory_space<vmem>> -> memref<80x128xf32, #tpu.memory_space<vmem>>
      tpu.enqueue_dma source(%dma_start3A_300 : memref<80x128xf32, #tpu.memory_space<vmem>>) target(%dma_start3A_296 : memref<80x128xf32, #tpu.memory_space<vmem_shared>>) target_semaphore(%run_scoped3A_288 : memref<!tpu.dma_semaphore, #tpu.memory_space<semaphore_mem>>)
      %dma_wait3A_301 = arith.constant 0 : i32
      %dma_wait3A_302 = arith.constant 0 : i32
      %dma_wait3A_303 = tpu.memref_slice %arg7[%run_scoped3A, %dma_wait3A_301, %dma_wait3A_302] : memref<4x80x128xf32, #tpu.memory_space<vmem>> -> memref<1x80x128xf32, #tpu.memory_space<vmem>>
      %dma_wait3A_304 = tpu.memref_squeeze %dma_wait3A_303 : memref<1x80x128xf32, #tpu.memory_space<vmem>> -> memref<80x128xf32, #tpu.memory_space<vmem>>
      %dma_wait3A_305 = arith.constant 0 : i32
      %dma_wait3A_306 = tpu.memref_slice %arg8[%add3A_13, %dma_wait3A_305] : memref<10240x128xf32, #tpu.memory_space<vmem_shared>> -> memref<80x128xf32, #tpu.memory_space<vmem_shared>>
      %dma_wait3A_307 = arith.constant 0 : i32
      %dma_wait3A_308 = tpu.memref_slice %arg8[%add3A_13, %dma_wait3A_307] : memref<10240x128xf32, #tpu.memory_space<vmem_shared>> -> memref<80x128xf32, #tpu.memory_space<vmem_shared>>
      %dma_wait3A_309 = arith.constant 0 : i32
      %dma_wait3A_310 = arith.constant 0 : i32
      %dma_wait3A_311 = tpu.memref_slice %arg7[%run_scoped3A, %dma_wait3A_309, %dma_wait3A_310] : memref<4x80x128xf32, #tpu.memory_space<vmem>> -> memref<1x80x128xf32, #tpu.memory_space<vmem>>
      %dma_wait3A_312 = tpu.memref_squeeze %dma_wait3A_311 : memref<1x80x128xf32, #tpu.memory_space<vmem>> -> memref<80x128xf32, #tpu.memory_space<vmem>>
      tpu.wait_dma2 semaphore(%run_scoped3A_288 : memref<!tpu.dma_semaphore, #tpu.memory_space<semaphore_mem>>) src(%dma_wait3A_312 : memref<80x128xf32, #tpu.memory_space<vmem>>) dst(%dma_wait3A_308 : memref<80x128xf32, #tpu.memory_space<vmem_shared>>)
      tpu.yield
    }) : () -> ()
    %add3A_14 = arith.constant 80 : i32
    %add3A_15 = arith.addi %mul3A_11, %add3A_14 : i32
    %run_scoped3A_16 = arith.constant 0 : i32
    "tpu.region"() ({
      %run_scoped3A_288 = tpu.sem_alloc : memref<!tpu.dma_semaphore, #tpu.memory_space<semaphore_mem>>
      %dma_start3A_289 = arith.constant 0 : i32
      %dma_start3A_290 = arith.constant 0 : i32
      %dma_start3A_291 = tpu.memref_slice %arg7[%run_scoped3A_16, %dma_start3A_289, %dma_start3A_290] : memref<4x80x128xf32, #tpu.memory_space<vmem>> -> memref<1x80x128xf32, #tpu.memory_space<vmem>>
      %dma_start3A_292 = tpu.memref_squeeze %dma_start3A_291 : memref<1x80x128xf32, #tpu.memory_space<vmem>> -> memref<80x128xf32, #tpu.memory_space<vmem>>
      %dma_start3A_293 = arith.constant 0 : i32
      %dma_start3A_294 = tpu.memref_slice %arg8[%add3A_15, %dma_start3A_293] : memref<10240x128xf32, #tpu.memory_space<vmem_shared>> -> memref<80x128xf32, #tpu.memory_space<vmem_shared>>
      %dma_start3A_295 = arith.constant 0 : i32
      %dma_start3A_296 = tpu.memref_slice %arg8[%add3A_15, %dma_start3A_295] : memref<10240x128xf32, #tpu.memory_space<vmem_shared>> -> memref<80x128xf32, #tpu.memory_space<vmem_shared>>
      %dma_start3A_297 = arith.constant 0 : i32
      %dma_start3A_298 = arith.constant 0 : i32
      %dma_start3A_299 = tpu.memref_slice %arg7[%run_scoped3A_16, %dma_start3A_297, %dma_start3A_298] : memref<4x80x128xf32, #tpu.memory_space<vmem>> -> memref<1x80x128xf32, #tpu.memory_space<vmem>>
      %dma_start3A_300 = tpu.memref_squeeze %dma_start3A_299 : memref<1x80x128xf32, #tpu.memory_space<vmem>> -> memref<80x128xf32, #tpu.memory_space<vmem>>
      tpu.enqueue_dma source(%dma_start3A_300 : memref<80x128xf32, #tpu.memory_space<vmem>>) target(%dma_start3A_296 : memref<80x128xf32, #tpu.memory_space<vmem_shared>>) target_semaphore(%run_scoped3A_288 : memref<!tpu.dma_semaphore, #tpu.memory_space<semaphore_mem>>)
      %dma_wait3A_301 = arith.constant 0 : i32
      %dma_wait3A_302 = arith.constant 0 : i32
      %dma_wait3A_303 = tpu.memref_slice %arg7[%run_scoped3A_16, %dma_wait3A_301, %dma_wait3A_302] : memref<4x80x128xf32, #tpu.memory_space<vmem>> -> memref<1x80x128xf32, #tpu.memory_space<vmem>>
      %dma_wait3A_304 = tpu.memref_squeeze %dma_wait3A_303 : memref<1x80x128xf32, #tpu.memory_space<vmem>> -> memref<80x128xf32, #tpu.memory_space<vmem>>
      %dma_wait3A_305 = arith.constant 0 : i32
      %dma_wait3A_306 = tpu.memref_slice %arg8[%add3A_15, %dma_wait3A_305] : memref<10240x128xf32, #tpu.memory_space<vmem_shared>> -> memref<80x128xf32, #tpu.memory_space<vmem_shared>>
      %dma_wait3A_307 = arith.constant 0 : i32
      %dma_wait3A_308 = tpu.memref_slice %arg8[%add3A_15, %dma_wait3A_307] : memref<10240x128xf32, #tpu.memory_space<vmem_shared>> -> memref<80x128xf32, #tpu.memory_space<vmem_shared>>
      %dma_wait3A_309 = arith.constant 0 : i32
      %dma_wait3A_310 = arith.constant 0 : i32
      %dma_wait3A_311 = tpu.memref_slice %arg7[%run_scoped3A_16, %dma_wait3A_309, %dma_wait3A_310] : memref<4x80x128xf32, #tpu.memory_space<vmem>> -> memref<1x80x128xf32, #tpu.memory_space<vmem>>
      %dma_wait3A_312 = tpu.memref_squeeze %dma_wait3A_311 : memref<1x80x128xf32, #tpu.memory_space<vmem>> -> memref<80x128xf32, #tpu.memory_space<vmem>>
      tpu.wait_dma2 semaphore(%run_scoped3A_288 : memref<!tpu.dma_semaphore, #tpu.memory_space<semaphore_mem>>) src(%dma_wait3A_312 : memref<80x128xf32, #tpu.memory_space<vmem>>) dst(%dma_wait3A_308 : memref<80x128xf32, #tpu.memory_space<vmem_shared>>)
      tpu.yield
    }) : () -> ()
    %add3A_17 = arith.constant 160 : i32
    %add3A_18 = arith.addi %mul3A_11, %add3A_17 : i32
    %run_scoped3A_19 = arith.constant 0 : i32
    "tpu.region"() ({
      %run_scoped3A_288 = tpu.sem_alloc : memref<!tpu.dma_semaphore, #tpu.memory_space<semaphore_mem>>
      %dma_start3A_289 = arith.constant 0 : i32
      %dma_start3A_290 = arith.constant 0 : i32
      %dma_start3A_291 = tpu.memref_slice %arg7[%run_scoped3A_19, %dma_start3A_289, %dma_start3A_290] : memref<4x80x128xf32, #tpu.memory_space<vmem>> -> memref<1x80x128xf32, #tpu.memory_space<vmem>>
      %dma_start3A_292 = tpu.memref_squeeze %dma_start3A_291 : memref<1x80x128xf32, #tpu.memory_space<vmem>> -> memref<80x128xf32, #tpu.memory_space<vmem>>
      %dma_start3A_293 = arith.constant 0 : i32
      %dma_start3A_294 = tpu.memref_slice %arg8[%add3A_18, %dma_start3A_293] : memref<10240x128xf32, #tpu.memory_space<vmem_shared>> -> memref<80x128xf32, #tpu.memory_space<vmem_shared>>
      %dma_start3A_295 = arith.constant 0 : i32
      %dma_start3A_296 = tpu.memref_slice %arg8[%add3A_18, %dma_start3A_295] : memref<10240x128xf32, #tpu.memory_space<vmem_shared>> -> memref<80x128xf32, #tpu.memory_space<vmem_shared>>
      %dma_start3A_297 = arith.constant 0 : i32
      %dma_start3A_298 = arith.constant 0 : i32
      %dma_start3A_299 = tpu.memref_slice %arg7[%run_scoped3A_19, %dma_start3A_297, %dma_start3A_298] : memref<4x80x128xf32, #tpu.memory_space<vmem>> -> memref<1x80x128xf32, #tpu.memory_space<vmem>>
      %dma_start3A_300 = tpu.memref_squeeze %dma_start3A_299 : memref<1x80x128xf32, #tpu.memory_space<vmem>> -> memref<80x128xf32, #tpu.memory_space<vmem>>
      tpu.enqueue_dma source(%dma_start3A_300 : memref<80x128xf32, #tpu.memory_space<vmem>>) target(%dma_start3A_296 : memref<80x128xf32, #tpu.memory_space<vmem_shared>>) target_semaphore(%run_scoped3A_288 : memref<!tpu.dma_semaphore, #tpu.memory_space<semaphore_mem>>)
      %dma_wait3A_301 = arith.constant 0 : i32
      %dma_wait3A_302 = arith.constant 0 : i32
      %dma_wait3A_303 = tpu.memref_slice %arg7[%run_scoped3A_19, %dma_wait3A_301, %dma_wait3A_302] : memref<4x80x128xf32, #tpu.memory_space<vmem>> -> memref<1x80x128xf32, #tpu.memory_space<vmem>>
      %dma_wait3A_304 = tpu.memref_squeeze %dma_wait3A_303 : memref<1x80x128xf32, #tpu.memory_space<vmem>> -> memref<80x128xf32, #tpu.memory_space<vmem>>
      %dma_wait3A_305 = arith.constant 0 : i32
      %dma_wait3A_306 = tpu.memref_slice %arg8[%add3A_18, %dma_wait3A_305] : memref<10240x128xf32, #tpu.memory_space<vmem_shared>> -> memref<80x128xf32, #tpu.memory_space<vmem_shared>>
      %dma_wait3A_307 = arith.constant 0 : i32
      %dma_wait3A_308 = tpu.memref_slice %arg8[%add3A_18, %dma_wait3A_307] : memref<10240x128xf32, #tpu.memory_space<vmem_shared>> -> memref<80x128xf32, #tpu.memory_space<vmem_shared>>
      %dma_wait3A_309 = arith.constant 0 : i32
      %dma_wait3A_310 = arith.constant 0 : i32
      %dma_wait3A_311 = tpu.memref_slice %arg7[%run_scoped3A_19, %dma_wait3A_309, %dma_wait3A_310] : memref<4x80x128xf32, #tpu.memory_space<vmem>> -> memref<1x80x128xf32, #tpu.memory_space<vmem>>
      %dma_wait3A_312 = tpu.memref_squeeze %dma_wait3A_311 : memref<1x80x128xf32, #tpu.memory_space<vmem>> -> memref<80x128xf32, #tpu.memory_space<vmem>>
      tpu.wait_dma2 semaphore(%run_scoped3A_288 : memref<!tpu.dma_semaphore, #tpu.memory_space<semaphore_mem>>) src(%dma_wait3A_312 : memref<80x128xf32, #tpu.memory_space<vmem>>) dst(%dma_wait3A_308 : memref<80x128xf32, #tpu.memory_space<vmem_shared>>)
      tpu.yield
    }) : () -> ()
    %add3A_20 = arith.constant 240 : i32
    %add3A_21 = arith.addi %mul3A_11, %add3A_20 : i32
    %run_scoped3A_22 = arith.constant 0 : i32
    "tpu.region"() ({
      %run_scoped3A_288 = tpu.sem_alloc : memref<!tpu.dma_semaphore, #tpu.memory_space<semaphore_mem>>
      %dma_start3A_289 = arith.constant 0 : i32
      %dma_start3A_290 = arith.constant 0 : i32
      %dma_start3A_291 = tpu.memref_slice %arg7[%run_scoped3A_22, %dma_start3A_289, %dma_start3A_290] : memref<4x80x128xf32, #tpu.memory_space<vmem>> -> memref<1x80x128xf32, #tpu.memory_space<vmem>>
      %dma_start3A_292 = tpu.memref_squeeze %dma_start3A_291 : memref<1x80x128xf32, #tpu.memory_space<vmem>> -> memref<80x128xf32, #tpu.memory_space<vmem>>
      %dma_start3A_293 = arith.constant 0 : i32
      %dma_start3A_294 = tpu.memref_slice %arg8[%add3A_21, %dma_start3A_293] : memref<10240x128xf32, #tpu.memory_space<vmem_shared>> -> memref<80x128xf32, #tpu.memory_space<vmem_shared>>
      %dma_start3A_295 = arith.constant 0 : i32
      %dma_start3A_296 = tpu.memref_slice %arg8[%add3A_21, %dma_start3A_295] : memref<10240x128xf32, #tpu.memory_space<vmem_shared>> -> memref<80x128xf32, #tpu.memory_space<vmem_shared>>
      %dma_start3A_297 = arith.constant 0 : i32
      %dma_start3A_298 = arith.constant 0 : i32
      %dma_start3A_299 = tpu.memref_slice %arg7[%run_scoped3A_22, %dma_start3A_297, %dma_start3A_298] : memref<4x80x128xf32, #tpu.memory_space<vmem>> -> memref<1x80x128xf32, #tpu.memory_space<vmem>>
      %dma_start3A_300 = tpu.memref_squeeze %dma_start3A_299 : memref<1x80x128xf32, #tpu.memory_space<vmem>> -> memref<80x128xf32, #tpu.memory_space<vmem>>
      tpu.enqueue_dma source(%dma_start3A_300 : memref<80x128xf32, #tpu.memory_space<vmem>>) target(%dma_start3A_296 : memref<80x128xf32, #tpu.memory_space<vmem_shared>>) target_semaphore(%run_scoped3A_288 : memref<!tpu.dma_semaphore, #tpu.memory_space<semaphore_mem>>)
      %dma_wait3A_301 = arith.constant 0 : i32
      %dma_wait3A_302 = arith.constant 0 : i32
      %dma_wait3A_303 = tpu.memref_slice %arg7[%run_scoped3A_22, %dma_wait3A_301, %dma_wait3A_302] : memref<4x80x128xf32, #tpu.memory_space<vmem>> -> memref<1x80x128xf32, #tpu.memory_space<vmem>>
      %dma_wait3A_304 = tpu.memref_squeeze %dma_wait3A_303 : memref<1x80x128xf32, #tpu.memory_space<vmem>> -> memref<80x128xf32, #tpu.memory_space<vmem>>
      %dma_wait3A_305 = arith.constant 0 : i32
      %dma_wait3A_306 = tpu.memref_slice %arg8[%add3A_21, %dma_wait3A_305] : memref<10240x128xf32, #tpu.memory_space<vmem_shared>> -> memref<80x128xf32, #tpu.memory_space<vmem_shared>>
      %dma_wait3A_307 = arith.constant 0 : i32
      %dma_wait3A_308 = tpu.memref_slice %arg8[%add3A_21, %dma_wait3A_307] : memref<10240x128xf32, #tpu.memory_space<vmem_shared>> -> memref<80x128xf32, #tpu.memory_space<vmem_shared>>
      %dma_wait3A_309 = arith.constant 0 : i32
      %dma_wait3A_310 = arith.constant 0 : i32
      %dma_wait3A_311 = tpu.memref_slice %arg7[%run_scoped3A_22, %dma_wait3A_309, %dma_wait3A_310] : memref<4x80x128xf32, #tpu.memory_space<vmem>> -> memref<1x80x128xf32, #tpu.memory_space<vmem>>
      %dma_wait3A_312 = tpu.memref_squeeze %dma_wait3A_311 : memref<1x80x128xf32, #tpu.memory_space<vmem>> -> memref<80x128xf32, #tpu.memory_space<vmem>>
      tpu.wait_dma2 semaphore(%run_scoped3A_288 : memref<!tpu.dma_semaphore, #tpu.memory_space<semaphore_mem>>) src(%dma_wait3A_312 : memref<80x128xf32, #tpu.memory_space<vmem>>) dst(%dma_wait3A_308 : memref<80x128xf32, #tpu.memory_space<vmem_shared>>)
      tpu.yield
    }) : () -> ()
    %add3A_23 = arith.constant 320 : i32
    %add3A_24 = arith.addi %mul3A_11, %add3A_23 : i32
    %run_scoped3A_25 = arith.constant 0 : i32
    "tpu.region"() ({
      %run_scoped3A_288 = tpu.sem_alloc : memref<!tpu.dma_semaphore, #tpu.memory_space<semaphore_mem>>
      %dma_start3A_289 = arith.constant 0 : i32
      %dma_start3A_290 = arith.constant 0 : i32
      %dma_start3A_291 = tpu.memref_slice %arg7[%run_scoped3A_25, %dma_start3A_289, %dma_start3A_290] : memref<4x80x128xf32, #tpu.memory_space<vmem>> -> memref<1x80x128xf32, #tpu.memory_space<vmem>>
      %dma_start3A_292 = tpu.memref_squeeze %dma_start3A_291 : memref<1x80x128xf32, #tpu.memory_space<vmem>> -> memref<80x128xf32, #tpu.memory_space<vmem>>
      %dma_start3A_293 = arith.constant 0 : i32
      %dma_start3A_294 = tpu.memref_slice %arg8[%add3A_24, %dma_start3A_293] : memref<10240x128xf32, #tpu.memory_space<vmem_shared>> -> memref<80x128xf32, #tpu.memory_space<vmem_shared>>
      %dma_start3A_295 = arith.constant 0 : i32
      %dma_start3A_296 = tpu.memref_slice %arg8[%add3A_24, %dma_start3A_295] : memref<10240x128xf32, #tpu.memory_space<vmem_shared>> -> memref<80x128xf32, #tpu.memory_space<vmem_shared>>
      %dma_start3A_297 = arith.constant 0 : i32
      %dma_start3A_298 = arith.constant 0 : i32
      %dma_start3A_299 = tpu.memref_slice %arg7[%run_scoped3A_25, %dma_start3A_297, %dma_start3A_298] : memref<4x80x128xf32, #tpu.memory_space<vmem>> -> memref<1x80x128xf32, #tpu.memory_space<vmem>>
      %dma_start3A_300 = tpu.memref_squeeze %dma_start3A_299 : memref<1x80x128xf32, #tpu.memory_space<vmem>> -> memref<80x128xf32, #tpu.memory_space<vmem>>
      tpu.enqueue_dma source(%dma_start3A_300 : memref<80x128xf32, #tpu.memory_space<vmem>>) target(%dma_start3A_296 : memref<80x128xf32, #tpu.memory_space<vmem_shared>>) target_semaphore(%run_scoped3A_288 : memref<!tpu.dma_semaphore, #tpu.memory_space<semaphore_mem>>)
      %dma_wait3A_301 = arith.constant 0 : i32
      %dma_wait3A_302 = arith.constant 0 : i32
      %dma_wait3A_303 = tpu.memref_slice %arg7[%run_scoped3A_25, %dma_wait3A_301, %dma_wait3A_302] : memref<4x80x128xf32, #tpu.memory_space<vmem>> -> memref<1x80x128xf32, #tpu.memory_space<vmem>>
      %dma_wait3A_304 = tpu.memref_squeeze %dma_wait3A_303 : memref<1x80x128xf32, #tpu.memory_space<vmem>> -> memref<80x128xf32, #tpu.memory_space<vmem>>
      %dma_wait3A_305 = arith.constant 0 : i32
      %dma_wait3A_306 = tpu.memref_slice %arg8[%add3A_24, %dma_wait3A_305] : memref<10240x128xf32, #tpu.memory_space<vmem_shared>> -> memref<80x128xf32, #tpu.memory_space<vmem_shared>>
      %dma_wait3A_307 = arith.constant 0 : i32
      %dma_wait3A_308 = tpu.memref_slice %arg8[%add3A_24, %dma_wait3A_307] : memref<10240x128xf32, #tpu.memory_space<vmem_shared>> -> memref<80x128xf32, #tpu.memory_space<vmem_shared>>
      %dma_wait3A_309 = arith.constant 0 : i32
      %dma_wait3A_310 = arith.constant 0 : i32
      %dma_wait3A_311 = tpu.memref_slice %arg7[%run_scoped3A_25, %dma_wait3A_309, %dma_wait3A_310] : memref<4x80x128xf32, #tpu.memory_space<vmem>> -> memref<1x80x128xf32, #tpu.memory_space<vmem>>
      %dma_wait3A_312 = tpu.memref_squeeze %dma_wait3A_311 : memref<1x80x128xf32, #tpu.memory_space<vmem>> -> memref<80x128xf32, #tpu.memory_space<vmem>>
      tpu.wait_dma2 semaphore(%run_scoped3A_288 : memref<!tpu.dma_semaphore, #tpu.memory_space<semaphore_mem>>) src(%dma_wait3A_312 : memref<80x128xf32, #tpu.memory_space<vmem>>) dst(%dma_wait3A_308 : memref<80x128xf32, #tpu.memory_space<vmem_shared>>)
      tpu.yield
    }) : () -> ()
    %add3A_26 = arith.constant 400 : i32
    %add3A_27 = arith.addi %mul3A_11, %add3A_26 : i32
    %run_scoped3A_28 = arith.constant 0 : i32
    "tpu.region"() ({
      %run_scoped3A_288 = tpu.sem_alloc : memref<!tpu.dma_semaphore, #tpu.memory_space<semaphore_mem>>
      %dma_start3A_289 = arith.constant 0 : i32
      %dma_start3A_290 = arith.constant 0 : i32
      %dma_start3A_291 = tpu.memref_slice %arg7[%run_scoped3A_28, %dma_start3A_289, %dma_start3A_290] : memref<4x80x128xf32, #tpu.memory_space<vmem>> -> memref<1x80x128xf32, #tpu.memory_space<vmem>>
      %dma_start3A_292 = tpu.memref_squeeze %dma_start3A_291 : memref<1x80x128xf32, #tpu.memory_space<vmem>> -> memref<80x128xf32, #tpu.memory_space<vmem>>
      %dma_start3A_293 = arith.constant 0 : i32
      %dma_start3A_294 = tpu.memref_slice %arg8[%add3A_27, %dma_start3A_293] : memref<10240x128xf32, #tpu.memory_space<vmem_shared>> -> memref<80x128xf32, #tpu.memory_space<vmem_shared>>
      %dma_start3A_295 = arith.constant 0 : i32
      %dma_start3A_296 = tpu.memref_slice %arg8[%add3A_27, %dma_start3A_295] : memref<10240x128xf32, #tpu.memory_space<vmem_shared>> -> memref<80x128xf32, #tpu.memory_space<vmem_shared>>
      %dma_start3A_297 = arith.constant 0 : i32
      %dma_start3A_298 = arith.constant 0 : i32
      %dma_start3A_299 = tpu.memref_slice %arg7[%run_scoped3A_28, %dma_start3A_297, %dma_start3A_298] : memref<4x80x128xf32, #tpu.memory_space<vmem>> -> memref<1x80x128xf32, #tpu.memory_space<vmem>>
      %dma_start3A_300 = tpu.memref_squeeze %dma_start3A_299 : memref<1x80x128xf32, #tpu.memory_space<vmem>> -> memref<80x128xf32, #tpu.memory_space<vmem>>
      tpu.enqueue_dma source(%dma_start3A_300 : memref<80x128xf32, #tpu.memory_space<vmem>>) target(%dma_start3A_296 : memref<80x128xf32, #tpu.memory_space<vmem_shared>>) target_semaphore(%run_scoped3A_288 : memref<!tpu.dma_semaphore, #tpu.memory_space<semaphore_mem>>)
      %dma_wait3A_301 = arith.constant 0 : i32
      %dma_wait3A_302 = arith.constant 0 : i32
      %dma_wait3A_303 = tpu.memref_slice %arg7[%run_scoped3A_28, %dma_wait3A_301, %dma_wait3A_302] : memref<4x80x128xf32, #tpu.memory_space<vmem>> -> memref<1x80x128xf32, #tpu.memory_space<vmem>>
      %dma_wait3A_304 = tpu.memref_squeeze %dma_wait3A_303 : memref<1x80x128xf32, #tpu.memory_space<vmem>> -> memref<80x128xf32, #tpu.memory_space<vmem>>
      %dma_wait3A_305 = arith.constant 0 : i32
      %dma_wait3A_306 = tpu.memref_slice %arg8[%add3A_27, %dma_wait3A_305] : memref<10240x128xf32, #tpu.memory_space<vmem_shared>> -> memref<80x128xf32, #tpu.memory_space<vmem_shared>>
      %dma_wait3A_307 = arith.constant 0 : i32
      %dma_wait3A_308 = tpu.memref_slice %arg8[%add3A_27, %dma_wait3A_307] : memref<10240x128xf32, #tpu.memory_space<vmem_shared>> -> memref<80x128xf32, #tpu.memory_space<vmem_shared>>
      %dma_wait3A_309 = arith.constant 0 : i32
      %dma_wait3A_310 = arith.constant 0 : i32
      %dma_wait3A_311 = tpu.memref_slice %arg7[%run_scoped3A_28, %dma_wait3A_309, %dma_wait3A_310] : memref<4x80x128xf32, #tpu.memory_space<vmem>> -> memref<1x80x128xf32, #tpu.memory_space<vmem>>
      %dma_wait3A_312 = tpu.memref_squeeze %dma_wait3A_311 : memref<1x80x128xf32, #tpu.memory_space<vmem>> -> memref<80x128xf32, #tpu.memory_space<vmem>>
      tpu.wait_dma2 semaphore(%run_scoped3A_288 : memref<!tpu.dma_semaphore, #tpu.memory_space<semaphore_mem>>) src(%dma_wait3A_312 : memref<80x128xf32, #tpu.memory_space<vmem>>) dst(%dma_wait3A_308 : memref<80x128xf32, #tpu.memory_space<vmem_shared>>)
      tpu.yield
    }) : () -> ()
    %add3A_29 = arith.constant 480 : i32
    %add3A_30 = arith.addi %mul3A_11, %add3A_29 : i32
    %run_scoped3A_31 = arith.constant 0 : i32
    "tpu.region"() ({
      %run_scoped3A_288 = tpu.sem_alloc : memref<!tpu.dma_semaphore, #tpu.memory_space<semaphore_mem>>
      %dma_start3A_289 = arith.constant 0 : i32
      %dma_start3A_290 = arith.constant 0 : i32
      %dma_start3A_291 = tpu.memref_slice %arg7[%run_scoped3A_31, %dma_start3A_289, %dma_start3A_290] : memref<4x80x128xf32, #tpu.memory_space<vmem>> -> memref<1x80x128xf32, #tpu.memory_space<vmem>>
      %dma_start3A_292 = tpu.memref_squeeze %dma_start3A_291 : memref<1x80x128xf32, #tpu.memory_space<vmem>> -> memref<80x128xf32, #tpu.memory_space<vmem>>
      %dma_start3A_293 = arith.constant 0 : i32
      %dma_start3A_294 = tpu.memref_slice %arg8[%add3A_30, %dma_start3A_293] : memref<10240x128xf32, #tpu.memory_space<vmem_shared>> -> memref<80x128xf32, #tpu.memory_space<vmem_shared>>
      %dma_start3A_295 = arith.constant 0 : i32
      %dma_start3A_296 = tpu.memref_slice %arg8[%add3A_30, %dma_start3A_295] : memref<10240x128xf32, #tpu.memory_space<vmem_shared>> -> memref<80x128xf32, #tpu.memory_space<vmem_shared>>
      %dma_start3A_297 = arith.constant 0 : i32
      %dma_start3A_298 = arith.constant 0 : i32
      %dma_start3A_299 = tpu.memref_slice %arg7[%run_scoped3A_31, %dma_start3A_297, %dma_start3A_298] : memref<4x80x128xf32, #tpu.memory_space<vmem>> -> memref<1x80x128xf32, #tpu.memory_space<vmem>>
      %dma_start3A_300 = tpu.memref_squeeze %dma_start3A_299 : memref<1x80x128xf32, #tpu.memory_space<vmem>> -> memref<80x128xf32, #tpu.memory_space<vmem>>
      tpu.enqueue_dma source(%dma_start3A_300 : memref<80x128xf32, #tpu.memory_space<vmem>>) target(%dma_start3A_296 : memref<80x128xf32, #tpu.memory_space<vmem_shared>>) target_semaphore(%run_scoped3A_288 : memref<!tpu.dma_semaphore, #tpu.memory_space<semaphore_mem>>)
      %dma_wait3A_301 = arith.constant 0 : i32
      %dma_wait3A_302 = arith.constant 0 : i32
      %dma_wait3A_303 = tpu.memref_slice %arg7[%run_scoped3A_31, %dma_wait3A_301, %dma_wait3A_302] : memref<4x80x128xf32, #tpu.memory_space<vmem>> -> memref<1x80x128xf32, #tpu.memory_space<vmem>>
      %dma_wait3A_304 = tpu.memref_squeeze %dma_wait3A_303 : memref<1x80x128xf32, #tpu.memory_space<vmem>> -> memref<80x128xf32, #tpu.memory_space<vmem>>
      %dma_wait3A_305 = arith.constant 0 : i32
      %dma_wait3A_306 = tpu.memref_slice %arg8[%add3A_30, %dma_wait3A_305] : memref<10240x128xf32, #tpu.memory_space<vmem_shared>> -> memref<80x128xf32, #tpu.memory_space<vmem_shared>>
      %dma_wait3A_307 = arith.constant 0 : i32
      %dma_wait3A_308 = tpu.memref_slice %arg8[%add3A_30, %dma_wait3A_307] : memref<10240x128xf32, #tpu.memory_space<vmem_shared>> -> memref<80x128xf32, #tpu.memory_space<vmem_shared>>
      %dma_wait3A_309 = arith.constant 0 : i32
      %dma_wait3A_310 = arith.constant 0 : i32
      %dma_wait3A_311 = tpu.memref_slice %arg7[%run_scoped3A_31, %dma_wait3A_309, %dma_wait3A_310] : memref<4x80x128xf32, #tpu.memory_space<vmem>> -> memref<1x80x128xf32, #tpu.memory_space<vmem>>
      %dma_wait3A_312 = tpu.memref_squeeze %dma_wait3A_311 : memref<1x80x128xf32, #tpu.memory_space<vmem>> -> memref<80x128xf32, #tpu.memory_space<vmem>>
      tpu.wait_dma2 semaphore(%run_scoped3A_288 : memref<!tpu.dma_semaphore, #tpu.memory_space<semaphore_mem>>) src(%dma_wait3A_312 : memref<80x128xf32, #tpu.memory_space<vmem>>) dst(%dma_wait3A_308 : memref<80x128xf32, #tpu.memory_space<vmem_shared>>)
      tpu.yield
    }) : () -> ()
    %add3A_32 = arith.constant 560 : i32
    %add3A_33 = arith.addi %mul3A_11, %add3A_32 : i32
    %run_scoped3A_34 = arith.constant 0 : i32
    "tpu.region"() ({
      %run_scoped3A_288 = tpu.sem_alloc : memref<!tpu.dma_semaphore, #tpu.memory_space<semaphore_mem>>
      %dma_start3A_289 = arith.constant 0 : i32
      %dma_start3A_290 = arith.constant 0 : i32
      %dma_start3A_291 = tpu.memref_slice %arg7[%run_scoped3A_34, %dma_start3A_289, %dma_start3A_290] : memref<4x80x128xf32, #tpu.memory_space<vmem>> -> memref<1x80x128xf32, #tpu.memory_space<vmem>>
      %dma_start3A_292 = tpu.memref_squeeze %dma_start3A_291 : memref<1x80x128xf32, #tpu.memory_space<vmem>> -> memref<80x128xf32, #tpu.memory_space<vmem>>
      %dma_start3A_293 = arith.constant 0 : i32
      %dma_start3A_294 = tpu.memref_slice %arg8[%add3A_33, %dma_start3A_293] : memref<10240x128xf32, #tpu.memory_space<vmem_shared>> -> memref<80x128xf32, #tpu.memory_space<vmem_shared>>
      %dma_start3A_295 = arith.constant 0 : i32
      %dma_start3A_296 = tpu.memref_slice %arg8[%add3A_33, %dma_start3A_295] : memref<10240x128xf32, #tpu.memory_space<vmem_shared>> -> memref<80x128xf32, #tpu.memory_space<vmem_shared>>
      %dma_start3A_297 = arith.constant 0 : i32
      %dma_start3A_298 = arith.constant 0 : i32
      %dma_start3A_299 = tpu.memref_slice %arg7[%run_scoped3A_34, %dma_start3A_297, %dma_start3A_298] : memref<4x80x128xf32, #tpu.memory_space<vmem>> -> memref<1x80x128xf32, #tpu.memory_space<vmem>>
      %dma_start3A_300 = tpu.memref_squeeze %dma_start3A_299 : memref<1x80x128xf32, #tpu.memory_space<vmem>> -> memref<80x128xf32, #tpu.memory_space<vmem>>
      tpu.enqueue_dma source(%dma_start3A_300 : memref<80x128xf32, #tpu.memory_space<vmem>>) target(%dma_start3A_296 : memref<80x128xf32, #tpu.memory_space<vmem_shared>>) target_semaphore(%run_scoped3A_288 : memref<!tpu.dma_semaphore, #tpu.memory_space<semaphore_mem>>)
      %dma_wait3A_301 = arith.constant 0 : i32
      %dma_wait3A_302 = arith.constant 0 : i32
      %dma_wait3A_303 = tpu.memref_slice %arg7[%run_scoped3A_34, %dma_wait3A_301, %dma_wait3A_302] : memref<4x80x128xf32, #tpu.memory_space<vmem>> -> memref<1x80x128xf32, #tpu.memory_space<vmem>>
      %dma_wait3A_304 = tpu.memref_squeeze %dma_wait3A_303 : memref<1x80x128xf32, #tpu.memory_space<vmem>> -> memref<80x128xf32, #tpu.memory_space<vmem>>
      %dma_wait3A_305 = arith.constant 0 : i32
      %dma_wait3A_306 = tpu.memref_slice %arg8[%add3A_33, %dma_wait3A_305] : memref<10240x128xf32, #tpu.memory_space<vmem_shared>> -> memref<80x128xf32, #tpu.memory_space<vmem_shared>>
      %dma_wait3A_307 = arith.constant 0 : i32
      %dma_wait3A_308 = tpu.memref_slice %arg8[%add3A_33, %dma_wait3A_307] : memref<10240x128xf32, #tpu.memory_space<vmem_shared>> -> memref<80x128xf32, #tpu.memory_space<vmem_shared>>
      %dma_wait3A_309 = arith.constant 0 : i32
      %dma_wait3A_310 = arith.constant 0 : i32
      %dma_wait3A_311 = tpu.memref_slice %arg7[%run_scoped3A_34, %dma_wait3A_309, %dma_wait3A_310] : memref<4x80x128xf32, #tpu.memory_space<vmem>> -> memref<1x80x128xf32, #tpu.memory_space<vmem>>
      %dma_wait3A_312 = tpu.memref_squeeze %dma_wait3A_311 : memref<1x80x128xf32, #tpu.memory_space<vmem>> -> memref<80x128xf32, #tpu.memory_space<vmem>>
      tpu.wait_dma2 semaphore(%run_scoped3A_288 : memref<!tpu.dma_semaphore, #tpu.memory_space<semaphore_mem>>) src(%dma_wait3A_312 : memref<80x128xf32, #tpu.memory_space<vmem>>) dst(%dma_wait3A_308 : memref<80x128xf32, #tpu.memory_space<vmem_shared>>)
      tpu.yield
    }) : () -> ()
    %barrier3A = arith.constant 0 : index
    tpu.barrier barrier_id(%barrier3A)
    %add3A_35 = arith.constant 0 : i32
    %add3A_36 = arith.addi %mul3A_2, %add3A_35 : i32
    %multiple_of3A = tpu.assume_multiple %add3A_36, 8 : i32
    %dma_start3A = arith.constant 0 : i32
    %dma_start3A_37 = arith.constant 0 : i32
    %dma_start3A_38 = arith.constant 0 : i32
    %dma_start3A_39 = arith.constant 0 : i32
    %dma_start3A_40 = tpu.memref_slice %arg6[%dma_start3A, %dma_start3A_37, %dma_start3A_39] : memref<6x2x80xi32, #tpu.memory_space<vmem>> -> memref<1x1x80xi32, #tpu.memory_space<vmem>>
    %dma_start3A_41 = tpu.memref_squeeze %dma_start3A_40 : memref<1x1x80xi32, #tpu.memory_space<vmem>> -> memref<80xi32, #tpu.memory_space<vmem>>
    %dma_start3A_42 = tpu.memref_slice %arg3[%multiple_of3A] : memref<320000xi32, #tpu.memory_space<hbm>> -> memref<80xi32, #tpu.memory_space<hbm>>
    %dma_start3A_43 = tpu.memref_slice %arg9[%dma_start3A_38] : memref<6x!tpu.dma_semaphore, #tpu.memory_space<semaphore_mem>> -> memref<1x!tpu.dma_semaphore, #tpu.memory_space<semaphore_mem>>
    %dma_start3A_44 = tpu.memref_squeeze %dma_start3A_43 : memref<1x!tpu.dma_semaphore, #tpu.memory_space<semaphore_mem>> -> memref<!tpu.dma_semaphore, #tpu.memory_space<semaphore_mem>>
    %dma_start3A_45 = arith.constant 0 : i32
    %dma_start3A_46 = tpu.memref_slice %arg6[%dma_start3A, %dma_start3A_37, %dma_start3A_45] : memref<6x2x80xi32, #tpu.memory_space<vmem>> -> memref<1x1x80xi32, #tpu.memory_space<vmem>>
    %dma_start3A_47 = tpu.memref_squeeze %dma_start3A_46 : memref<1x1x80xi32, #tpu.memory_space<vmem>> -> memref<80xi32, #tpu.memory_space<vmem>>
    %dma_start3A_48 = tpu.memref_slice %arg3[%multiple_of3A] : memref<320000xi32, #tpu.memory_space<hbm>> -> memref<80xi32, #tpu.memory_space<hbm>>
    tpu.enqueue_dma source(%dma_start3A_48 : memref<80xi32, #tpu.memory_space<hbm>>) target(%dma_start3A_47 : memref<80xi32, #tpu.memory_space<vmem>>) target_semaphore(%dma_start3A_44 : memref<!tpu.dma_semaphore, #tpu.memory_space<semaphore_mem>>)
    %dma_start3A_49 = arith.constant 0 : i32
    %dma_start3A_50 = arith.constant 1 : i32
    %dma_start3A_51 = arith.constant 0 : i32
    %dma_start3A_52 = arith.constant 0 : i32
    %dma_start3A_53 = tpu.memref_slice %arg6[%dma_start3A_49, %dma_start3A_50, %dma_start3A_52] : memref<6x2x80xi32, #tpu.memory_space<vmem>> -> memref<1x1x80xi32, #tpu.memory_space<vmem>>
    %dma_start3A_54 = tpu.memref_squeeze %dma_start3A_53 : memref<1x1x80xi32, #tpu.memory_space<vmem>> -> memref<80xi32, #tpu.memory_space<vmem>>
    %dma_start3A_55 = tpu.memref_slice %arg4[%multiple_of3A] : memref<320000xi32, #tpu.memory_space<hbm>> -> memref<80xi32, #tpu.memory_space<hbm>>
    %dma_start3A_56 = tpu.memref_slice %arg9[%dma_start3A_51] : memref<6x!tpu.dma_semaphore, #tpu.memory_space<semaphore_mem>> -> memref<1x!tpu.dma_semaphore, #tpu.memory_space<semaphore_mem>>
    %dma_start3A_57 = tpu.memref_squeeze %dma_start3A_56 : memref<1x!tpu.dma_semaphore, #tpu.memory_space<semaphore_mem>> -> memref<!tpu.dma_semaphore, #tpu.memory_space<semaphore_mem>>
    %dma_start3A_58 = arith.constant 0 : i32
    %dma_start3A_59 = tpu.memref_slice %arg6[%dma_start3A_49, %dma_start3A_50, %dma_start3A_58] : memref<6x2x80xi32, #tpu.memory_space<vmem>> -> memref<1x1x80xi32, #tpu.memory_space<vmem>>
    %dma_start3A_60 = tpu.memref_squeeze %dma_start3A_59 : memref<1x1x80xi32, #tpu.memory_space<vmem>> -> memref<80xi32, #tpu.memory_space<vmem>>
    %dma_start3A_61 = tpu.memref_slice %arg4[%multiple_of3A] : memref<320000xi32, #tpu.memory_space<hbm>> -> memref<80xi32, #tpu.memory_space<hbm>>
    tpu.enqueue_dma source(%dma_start3A_61 : memref<80xi32, #tpu.memory_space<hbm>>) target(%dma_start3A_60 : memref<80xi32, #tpu.memory_space<vmem>>) target_semaphore(%dma_start3A_57 : memref<!tpu.dma_semaphore, #tpu.memory_space<semaphore_mem>>)
    %add3A_62 = arith.constant 80 : i32
    %add3A_63 = arith.addi %mul3A_2, %add3A_62 : i32
    %multiple_of3A_64 = tpu.assume_multiple %add3A_63, 8 : i32
    %dma_start3A_65 = arith.constant 1 : i32
    %dma_start3A_66 = arith.constant 0 : i32
    %dma_start3A_67 = arith.constant 1 : i32
    %dma_start3A_68 = arith.constant 0 : i32
    %dma_start3A_69 = tpu.memref_slice %arg6[%dma_start3A_65, %dma_start3A_66, %dma_start3A_68] : memref<6x2x80xi32, #tpu.memory_space<vmem>> -> memref<1x1x80xi32, #tpu.memory_space<vmem>>
    %dma_start3A_70 = tpu.memref_squeeze %dma_start3A_69 : memref<1x1x80xi32, #tpu.memory_space<vmem>> -> memref<80xi32, #tpu.memory_space<vmem>>
    %dma_start3A_71 = tpu.memref_slice %arg3[%multiple_of3A_64] : memref<320000xi32, #tpu.memory_space<hbm>> -> memref<80xi32, #tpu.memory_space<hbm>>
    %dma_start3A_72 = tpu.memref_slice %arg9[%dma_start3A_67] : memref<6x!tpu.dma_semaphore, #tpu.memory_space<semaphore_mem>> -> memref<1x!tpu.dma_semaphore, #tpu.memory_space<semaphore_mem>>
    %dma_start3A_73 = tpu.memref_squeeze %dma_start3A_72 : memref<1x!tpu.dma_semaphore, #tpu.memory_space<semaphore_mem>> -> memref<!tpu.dma_semaphore, #tpu.memory_space<semaphore_mem>>
    %dma_start3A_74 = arith.constant 0 : i32
    %dma_start3A_75 = tpu.memref_slice %arg6[%dma_start3A_65, %dma_start3A_66, %dma_start3A_74] : memref<6x2x80xi32, #tpu.memory_space<vmem>> -> memref<1x1x80xi32, #tpu.memory_space<vmem>>
    %dma_start3A_76 = tpu.memref_squeeze %dma_start3A_75 : memref<1x1x80xi32, #tpu.memory_space<vmem>> -> memref<80xi32, #tpu.memory_space<vmem>>
    %dma_start3A_77 = tpu.memref_slice %arg3[%multiple_of3A_64] : memref<320000xi32, #tpu.memory_space<hbm>> -> memref<80xi32, #tpu.memory_space<hbm>>
    tpu.enqueue_dma source(%dma_start3A_77 : memref<80xi32, #tpu.memory_space<hbm>>) target(%dma_start3A_76 : memref<80xi32, #tpu.memory_space<vmem>>) target_semaphore(%dma_start3A_73 : memref<!tpu.dma_semaphore, #tpu.memory_space<semaphore_mem>>)
    %dma_start3A_78 = arith.constant 1 : i32
    %dma_start3A_79 = arith.constant 1 : i32
    %dma_start3A_80 = arith.constant 1 : i32
    %dma_start3A_81 = arith.constant 0 : i32
    %dma_start3A_82 = tpu.memref_slice %arg6[%dma_start3A_78, %dma_start3A_79, %dma_start3A_81] : memref<6x2x80xi32, #tpu.memory_space<vmem>> -> memref<1x1x80xi32, #tpu.memory_space<vmem>>
    %dma_start3A_83 = tpu.memref_squeeze %dma_start3A_82 : memref<1x1x80xi32, #tpu.memory_space<vmem>> -> memref<80xi32, #tpu.memory_space<vmem>>
    %dma_start3A_84 = tpu.memref_slice %arg4[%multiple_of3A_64] : memref<320000xi32, #tpu.memory_space<hbm>> -> memref<80xi32, #tpu.memory_space<hbm>>
    %dma_start3A_85 = tpu.memref_slice %arg9[%dma_start3A_80] : memref<6x!tpu.dma_semaphore, #tpu.memory_space<semaphore_mem>> -> memref<1x!tpu.dma_semaphore, #tpu.memory_space<semaphore_mem>>
    %dma_start3A_86 = tpu.memref_squeeze %dma_start3A_85 : memref<1x!tpu.dma_semaphore, #tpu.memory_space<semaphore_mem>> -> memref<!tpu.dma_semaphore, #tpu.memory_space<semaphore_mem>>
    %dma_start3A_87 = arith.constant 0 : i32
    %dma_start3A_88 = tpu.memref_slice %arg6[%dma_start3A_78, %dma_start3A_79, %dma_start3A_87] : memref<6x2x80xi32, #tpu.memory_space<vmem>> -> memref<1x1x80xi32, #tpu.memory_space<vmem>>
    %dma_start3A_89 = tpu.memref_squeeze %dma_start3A_88 : memref<1x1x80xi32, #tpu.memory_space<vmem>> -> memref<80xi32, #tpu.memory_space<vmem>>
    %dma_start3A_90 = tpu.memref_slice %arg4[%multiple_of3A_64] : memref<320000xi32, #tpu.memory_space<hbm>> -> memref<80xi32, #tpu.memory_space<hbm>>
    tpu.enqueue_dma source(%dma_start3A_90 : memref<80xi32, #tpu.memory_space<hbm>>) target(%dma_start3A_89 : memref<80xi32, #tpu.memory_space<vmem>>) target_semaphore(%dma_start3A_86 : memref<!tpu.dma_semaphore, #tpu.memory_space<semaphore_mem>>)
    %add3A_91 = arith.constant 160 : i32
    %add3A_92 = arith.addi %mul3A_2, %add3A_91 : i32
    %multiple_of3A_93 = tpu.assume_multiple %add3A_92, 8 : i32
    %dma_start3A_94 = arith.constant 2 : i32
    %dma_start3A_95 = arith.constant 0 : i32
    %dma_start3A_96 = arith.constant 2 : i32
    %dma_start3A_97 = arith.constant 0 : i32
    %dma_start3A_98 = tpu.memref_slice %arg6[%dma_start3A_94, %dma_start3A_95, %dma_start3A_97] : memref<6x2x80xi32, #tpu.memory_space<vmem>> -> memref<1x1x80xi32, #tpu.memory_space<vmem>>
    %dma_start3A_99 = tpu.memref_squeeze %dma_start3A_98 : memref<1x1x80xi32, #tpu.memory_space<vmem>> -> memref<80xi32, #tpu.memory_space<vmem>>
    %dma_start3A_100 = tpu.memref_slice %arg3[%multiple_of3A_93] : memref<320000xi32, #tpu.memory_space<hbm>> -> memref<80xi32, #tpu.memory_space<hbm>>
    %dma_start3A_101 = tpu.memref_slice %arg9[%dma_start3A_96] : memref<6x!tpu.dma_semaphore, #tpu.memory_space<semaphore_mem>> -> memref<1x!tpu.dma_semaphore, #tpu.memory_space<semaphore_mem>>
    %dma_start3A_102 = tpu.memref_squeeze %dma_start3A_101 : memref<1x!tpu.dma_semaphore, #tpu.memory_space<semaphore_mem>> -> memref<!tpu.dma_semaphore, #tpu.memory_space<semaphore_mem>>
    %dma_start3A_103 = arith.constant 0 : i32
    %dma_start3A_104 = tpu.memref_slice %arg6[%dma_start3A_94, %dma_start3A_95, %dma_start3A_103] : memref<6x2x80xi32, #tpu.memory_space<vmem>> -> memref<1x1x80xi32, #tpu.memory_space<vmem>>
    %dma_start3A_105 = tpu.memref_squeeze %dma_start3A_104 : memref<1x1x80xi32, #tpu.memory_space<vmem>> -> memref<80xi32, #tpu.memory_space<vmem>>
    %dma_start3A_106 = tpu.memref_slice %arg3[%multiple_of3A_93] : memref<320000xi32, #tpu.memory_space<hbm>> -> memref<80xi32, #tpu.memory_space<hbm>>
    tpu.enqueue_dma source(%dma_start3A_106 : memref<80xi32, #tpu.memory_space<hbm>>) target(%dma_start3A_105 : memref<80xi32, #tpu.memory_space<vmem>>) target_semaphore(%dma_start3A_102 : memref<!tpu.dma_semaphore, #tpu.memory_space<semaphore_mem>>)
    %dma_start3A_107 = arith.constant 2 : i32
    %dma_start3A_108 = arith.constant 1 : i32
    %dma_start3A_109 = arith.constant 2 : i32
    %dma_start3A_110 = arith.constant 0 : i32
    %dma_start3A_111 = tpu.memref_slice %arg6[%dma_start3A_107, %dma_start3A_108, %dma_start3A_110] : memref<6x2x80xi32, #tpu.memory_space<vmem>> -> memref<1x1x80xi32, #tpu.memory_space<vmem>>
    %dma_start3A_112 = tpu.memref_squeeze %dma_start3A_111 : memref<1x1x80xi32, #tpu.memory_space<vmem>> -> memref<80xi32, #tpu.memory_space<vmem>>
    %dma_start3A_113 = tpu.memref_slice %arg4[%multiple_of3A_93] : memref<320000xi32, #tpu.memory_space<hbm>> -> memref<80xi32, #tpu.memory_space<hbm>>
    %dma_start3A_114 = tpu.memref_slice %arg9[%dma_start3A_109] : memref<6x!tpu.dma_semaphore, #tpu.memory_space<semaphore_mem>> -> memref<1x!tpu.dma_semaphore, #tpu.memory_space<semaphore_mem>>
    %dma_start3A_115 = tpu.memref_squeeze %dma_start3A_114 : memref<1x!tpu.dma_semaphore, #tpu.memory_space<semaphore_mem>> -> memref<!tpu.dma_semaphore, #tpu.memory_space<semaphore_mem>>
    %dma_start3A_116 = arith.constant 0 : i32
    %dma_start3A_117 = tpu.memref_slice %arg6[%dma_start3A_107, %dma_start3A_108, %dma_start3A_116] : memref<6x2x80xi32, #tpu.memory_space<vmem>> -> memref<1x1x80xi32, #tpu.memory_space<vmem>>
    %dma_start3A_118 = tpu.memref_squeeze %dma_start3A_117 : memref<1x1x80xi32, #tpu.memory_space<vmem>> -> memref<80xi32, #tpu.memory_space<vmem>>
    %dma_start3A_119 = tpu.memref_slice %arg4[%multiple_of3A_93] : memref<320000xi32, #tpu.memory_space<hbm>> -> memref<80xi32, #tpu.memory_space<hbm>>
    tpu.enqueue_dma source(%dma_start3A_119 : memref<80xi32, #tpu.memory_space<hbm>>) target(%dma_start3A_118 : memref<80xi32, #tpu.memory_space<vmem>>) target_semaphore(%dma_start3A_115 : memref<!tpu.dma_semaphore, #tpu.memory_space<semaphore_mem>>)
    %add3A_120 = arith.constant 0 : i32
    %add3A_121 = arith.addi %mul3A_2, %add3A_120 : i32
    %multiple_of3A_122 = tpu.assume_multiple %add3A_121, 8 : i32
    %dma_wait3A = arith.constant 0 : i32
    %dma_wait3A_123 = arith.constant 0 : i32
    %dma_wait3A_124 = arith.constant 0 : i32
    %dma_wait3A_125 = arith.constant 0 : i32
    %dma_wait3A_126 = tpu.memref_slice %arg6[%dma_wait3A, %dma_wait3A_123, %dma_wait3A_125] : memref<6x2x80xi32, #tpu.memory_space<vmem>> -> memref<1x1x80xi32, #tpu.memory_space<vmem>>
    %dma_wait3A_127 = tpu.memref_squeeze %dma_wait3A_126 : memref<1x1x80xi32, #tpu.memory_space<vmem>> -> memref<80xi32, #tpu.memory_space<vmem>>
    %dma_wait3A_128 = tpu.memref_slice %arg3[%multiple_of3A_122] : memref<320000xi32, #tpu.memory_space<hbm>> -> memref<80xi32, #tpu.memory_space<hbm>>
    %dma_wait3A_129 = tpu.memref_slice %arg9[%dma_wait3A_124] : memref<6x!tpu.dma_semaphore, #tpu.memory_space<semaphore_mem>> -> memref<1x!tpu.dma_semaphore, #tpu.memory_space<semaphore_mem>>
    %dma_wait3A_130 = tpu.memref_squeeze %dma_wait3A_129 : memref<1x!tpu.dma_semaphore, #tpu.memory_space<semaphore_mem>> -> memref<!tpu.dma_semaphore, #tpu.memory_space<semaphore_mem>>
    %dma_wait3A_131 = arith.constant 0 : i32
    %dma_wait3A_132 = tpu.memref_slice %arg6[%dma_wait3A, %dma_wait3A_123, %dma_wait3A_131] : memref<6x2x80xi32, #tpu.memory_space<vmem>> -> memref<1x1x80xi32, #tpu.memory_space<vmem>>
    %dma_wait3A_133 = tpu.memref_squeeze %dma_wait3A_132 : memref<1x1x80xi32, #tpu.memory_space<vmem>> -> memref<80xi32, #tpu.memory_space<vmem>>
    %dma_wait3A_134 = tpu.memref_slice %arg3[%multiple_of3A_122] : memref<320000xi32, #tpu.memory_space<hbm>> -> memref<80xi32, #tpu.memory_space<hbm>>
    tpu.wait_dma2 semaphore(%dma_wait3A_130 : memref<!tpu.dma_semaphore, #tpu.memory_space<semaphore_mem>>) src(%dma_wait3A_134 : memref<80xi32, #tpu.memory_space<hbm>>) dst(%dma_wait3A_133 : memref<80xi32, #tpu.memory_space<vmem>>)
    %dma_wait3A_135 = arith.constant 0 : i32
    %dma_wait3A_136 = arith.constant 1 : i32
    %dma_wait3A_137 = arith.constant 0 : i32
    %dma_wait3A_138 = arith.constant 0 : i32
    %dma_wait3A_139 = tpu.memref_slice %arg6[%dma_wait3A_135, %dma_wait3A_136, %dma_wait3A_138] : memref<6x2x80xi32, #tpu.memory_space<vmem>> -> memref<1x1x80xi32, #tpu.memory_space<vmem>>
    %dma_wait3A_140 = tpu.memref_squeeze %dma_wait3A_139 : memref<1x1x80xi32, #tpu.memory_space<vmem>> -> memref<80xi32, #tpu.memory_space<vmem>>
    %dma_wait3A_141 = tpu.memref_slice %arg4[%multiple_of3A_122] : memref<320000xi32, #tpu.memory_space<hbm>> -> memref<80xi32, #tpu.memory_space<hbm>>
    %dma_wait3A_142 = tpu.memref_slice %arg9[%dma_wait3A_137] : memref<6x!tpu.dma_semaphore, #tpu.memory_space<semaphore_mem>> -> memref<1x!tpu.dma_semaphore, #tpu.memory_space<semaphore_mem>>
    %dma_wait3A_143 = tpu.memref_squeeze %dma_wait3A_142 : memref<1x!tpu.dma_semaphore, #tpu.memory_space<semaphore_mem>> -> memref<!tpu.dma_semaphore, #tpu.memory_space<semaphore_mem>>
    %dma_wait3A_144 = arith.constant 0 : i32
    %dma_wait3A_145 = tpu.memref_slice %arg6[%dma_wait3A_135, %dma_wait3A_136, %dma_wait3A_144] : memref<6x2x80xi32, #tpu.memory_space<vmem>> -> memref<1x1x80xi32, #tpu.memory_space<vmem>>
    %dma_wait3A_146 = tpu.memref_squeeze %dma_wait3A_145 : memref<1x1x80xi32, #tpu.memory_space<vmem>> -> memref<80xi32, #tpu.memory_space<vmem>>
    %dma_wait3A_147 = tpu.memref_slice %arg4[%multiple_of3A_122] : memref<320000xi32, #tpu.memory_space<hbm>> -> memref<80xi32, #tpu.memory_space<hbm>>
    tpu.wait_dma2 semaphore(%dma_wait3A_143 : memref<!tpu.dma_semaphore, #tpu.memory_space<semaphore_mem>>) src(%dma_wait3A_147 : memref<80xi32, #tpu.memory_space<hbm>>) dst(%dma_wait3A_146 : memref<80xi32, #tpu.memory_space<vmem>>)
    %dma_start3A_148 = arith.constant 0 : i32
    %dma_start3A_149 = arith.constant 0 : i32
    %dma_start3A_150 = arith.constant 0 : i32
    %dma_start3A_151 = arith.constant 0 : i32
    %dma_start3A_152 = arith.constant 0 : i32
    %dma_start3A_153 = arith.constant 0 : i32
    %dma_start3A_154 = tpu.memref_slice %arg7[%dma_start3A_150, %dma_start3A_152, %dma_start3A_153] : memref<4x80x128xf32, #tpu.memory_space<vmem>> -> memref<1x80x128xf32, #tpu.memory_space<vmem>>
    %dma_start3A_155 = tpu.memref_squeeze %dma_start3A_154 : memref<1x80x128xf32, #tpu.memory_space<vmem>> -> memref<80x128xf32, #tpu.memory_space<vmem>>
    %dma_start3A_156 = arith.constant 0 : i32
    %dma_start3A_157 = tpu.memref_slice %arg6[%dma_start3A_148, %dma_start3A_149, %dma_start3A_156] : memref<6x2x80xi32, #tpu.memory_space<vmem>> -> memref<1x1x80xi32, #tpu.memory_space<vmem>>
    %dma_start3A_158 = tpu.memref_squeeze %dma_start3A_157 : memref<1x1x80xi32, #tpu.memory_space<vmem>> -> memref<80xi32, #tpu.memory_space<vmem>>
    %dma_start3A_159 = arith.constant 0 : i32
    %dma_start3A_160 = arith.constant 0 : i32
    %dma_start3A_161 = tpu.memref_slice %arg2[%dma_start3A_159, %dma_start3A_160] : memref<10240x128xf32, #tpu.memory_space<hbm>> -> memref<10240x128xf32, #tpu.memory_space<hbm>>
    %dma_start3A_162 = tpu.memref_slice %arg10[%dma_start3A_151] : memref<4x!tpu.dma_semaphore, #tpu.memory_space<semaphore_mem>> -> memref<1x!tpu.dma_semaphore, #tpu.memory_space<semaphore_mem>>
    %dma_start3A_163 = tpu.memref_squeeze %dma_start3A_162 : memref<1x!tpu.dma_semaphore, #tpu.memory_space<semaphore_mem>> -> memref<!tpu.dma_semaphore, #tpu.memory_space<semaphore_mem>>
    tpu.enqueue_indirect_dma source(%dma_start3A_161 : memref<10240x128xf32, #tpu.memory_space<hbm>>) target(%dma_start3A_155 : memref<80x128xf32, #tpu.memory_space<vmem>>) offsets(%dma_start3A_158 : memref<80xi32, #tpu.memory_space<vmem>>) semaphore(%dma_start3A_163 : memref<!tpu.dma_semaphore, #tpu.memory_space<semaphore_mem>>)
    %add3A_164 = arith.constant 80 : i32
    %add3A_165 = arith.addi %mul3A_2, %add3A_164 : i32
    %multiple_of3A_166 = tpu.assume_multiple %add3A_165, 8 : i32
    %dma_wait3A_167 = arith.constant 1 : i32
    %dma_wait3A_168 = arith.constant 0 : i32
    %dma_wait3A_169 = arith.constant 1 : i32
    %dma_wait3A_170 = arith.constant 0 : i32
    %dma_wait3A_171 = tpu.memref_slice %arg6[%dma_wait3A_167, %dma_wait3A_168, %dma_wait3A_170] : memref<6x2x80xi32, #tpu.memory_space<vmem>> -> memref<1x1x80xi32, #tpu.memory_space<vmem>>
    %dma_wait3A_172 = tpu.memref_squeeze %dma_wait3A_171 : memref<1x1x80xi32, #tpu.memory_space<vmem>> -> memref<80xi32, #tpu.memory_space<vmem>>
    %dma_wait3A_173 = tpu.memref_slice %arg3[%multiple_of3A_166] : memref<320000xi32, #tpu.memory_space<hbm>> -> memref<80xi32, #tpu.memory_space<hbm>>
    %dma_wait3A_174 = tpu.memref_slice %arg9[%dma_wait3A_169] : memref<6x!tpu.dma_semaphore, #tpu.memory_space<semaphore_mem>> -> memref<1x!tpu.dma_semaphore, #tpu.memory_space<semaphore_mem>>
    %dma_wait3A_175 = tpu.memref_squeeze %dma_wait3A_174 : memref<1x!tpu.dma_semaphore, #tpu.memory_space<semaphore_mem>> -> memref<!tpu.dma_semaphore, #tpu.memory_space<semaphore_mem>>
    %dma_wait3A_176 = arith.constant 0 : i32
    %dma_wait3A_177 = tpu.memref_slice %arg6[%dma_wait3A_167, %dma_wait3A_168, %dma_wait3A_176] : memref<6x2x80xi32, #tpu.memory_space<vmem>> -> memref<1x1x80xi32, #tpu.memory_space<vmem>>
    %dma_wait3A_178 = tpu.memref_squeeze %dma_wait3A_177 : memref<1x1x80xi32, #tpu.memory_space<vmem>> -> memref<80xi32, #tpu.memory_space<vmem>>
    %dma_wait3A_179 = tpu.memref_slice %arg3[%multiple_of3A_166] : memref<320000xi32, #tpu.memory_space<hbm>> -> memref<80xi32, #tpu.memory_space<hbm>>
    tpu.wait_dma2 semaphore(%dma_wait3A_175 : memref<!tpu.dma_semaphore, #tpu.memory_space<semaphore_mem>>) src(%dma_wait3A_179 : memref<80xi32, #tpu.memory_space<hbm>>) dst(%dma_wait3A_178 : memref<80xi32, #tpu.memory_space<vmem>>)
    %dma_wait3A_180 = arith.constant 1 : i32
    %dma_wait3A_181 = arith.constant 1 : i32
    %dma_wait3A_182 = arith.constant 1 : i32
    %dma_wait3A_183 = arith.constant 0 : i32
    %dma_wait3A_184 = tpu.memref_slice %arg6[%dma_wait3A_180, %dma_wait3A_181, %dma_wait3A_183] : memref<6x2x80xi32, #tpu.memory_space<vmem>> -> memref<1x1x80xi32, #tpu.memory_space<vmem>>
    %dma_wait3A_185 = tpu.memref_squeeze %dma_wait3A_184 : memref<1x1x80xi32, #tpu.memory_space<vmem>> -> memref<80xi32, #tpu.memory_space<vmem>>
    %dma_wait3A_186 = tpu.memref_slice %arg4[%multiple_of3A_166] : memref<320000xi32, #tpu.memory_space<hbm>> -> memref<80xi32, #tpu.memory_space<hbm>>
    %dma_wait3A_187 = tpu.memref_slice %arg9[%dma_wait3A_182] : memref<6x!tpu.dma_semaphore, #tpu.memory_space<semaphore_mem>> -> memref<1x!tpu.dma_semaphore, #tpu.memory_space<semaphore_mem>>
    %dma_wait3A_188 = tpu.memref_squeeze %dma_wait3A_187 : memref<1x!tpu.dma_semaphore, #tpu.memory_space<semaphore_mem>> -> memref<!tpu.dma_semaphore, #tpu.memory_space<semaphore_mem>>
    %dma_wait3A_189 = arith.constant 0 : i32
    %dma_wait3A_190 = tpu.memref_slice %arg6[%dma_wait3A_180, %dma_wait3A_181, %dma_wait3A_189] : memref<6x2x80xi32, #tpu.memory_space<vmem>> -> memref<1x1x80xi32, #tpu.memory_space<vmem>>
    %dma_wait3A_191 = tpu.memref_squeeze %dma_wait3A_190 : memref<1x1x80xi32, #tpu.memory_space<vmem>> -> memref<80xi32, #tpu.memory_space<vmem>>
    %dma_wait3A_192 = tpu.memref_slice %arg4[%multiple_of3A_166] : memref<320000xi32, #tpu.memory_space<hbm>> -> memref<80xi32, #tpu.memory_space<hbm>>
    tpu.wait_dma2 semaphore(%dma_wait3A_188 : memref<!tpu.dma_semaphore, #tpu.memory_space<semaphore_mem>>) src(%dma_wait3A_192 : memref<80xi32, #tpu.memory_space<hbm>>) dst(%dma_wait3A_191 : memref<80xi32, #tpu.memory_space<vmem>>)
    %dma_start3A_193 = arith.constant 1 : i32
    %dma_start3A_194 = arith.constant 0 : i32
    %dma_start3A_195 = arith.constant 1 : i32
    %dma_start3A_196 = arith.constant 1 : i32
    %dma_start3A_197 = arith.constant 0 : i32
    %dma_start3A_198 = arith.constant 0 : i32
    %dma_start3A_199 = tpu.memref_slice %arg7[%dma_start3A_195, %dma_start3A_197, %dma_start3A_198] : memref<4x80x128xf32, #tpu.memory_space<vmem>> -> memref<1x80x128xf32, #tpu.memory_space<vmem>>
    %dma_start3A_200 = tpu.memref_squeeze %dma_start3A_199 : memref<1x80x128xf32, #tpu.memory_space<vmem>> -> memref<80x128xf32, #tpu.memory_space<vmem>>
    %dma_start3A_201 = arith.constant 0 : i32
    %dma_start3A_202 = tpu.memref_slice %arg6[%dma_start3A_193, %dma_start3A_194, %dma_start3A_201] : memref<6x2x80xi32, #tpu.memory_space<vmem>> -> memref<1x1x80xi32, #tpu.memory_space<vmem>>
    %dma_start3A_203 = tpu.memref_squeeze %dma_start3A_202 : memref<1x1x80xi32, #tpu.memory_space<vmem>> -> memref<80xi32, #tpu.memory_space<vmem>>
    %dma_start3A_204 = arith.constant 0 : i32
    %dma_start3A_205 = arith.constant 0 : i32
    %dma_start3A_206 = tpu.memref_slice %arg2[%dma_start3A_204, %dma_start3A_205] : memref<10240x128xf32, #tpu.memory_space<hbm>> -> memref<10240x128xf32, #tpu.memory_space<hbm>>
    %dma_start3A_207 = tpu.memref_slice %arg10[%dma_start3A_196] : memref<4x!tpu.dma_semaphore, #tpu.memory_space<semaphore_mem>> -> memref<1x!tpu.dma_semaphore, #tpu.memory_space<semaphore_mem>>
    %dma_start3A_208 = tpu.memref_squeeze %dma_start3A_207 : memref<1x!tpu.dma_semaphore, #tpu.memory_space<semaphore_mem>> -> memref<!tpu.dma_semaphore, #tpu.memory_space<semaphore_mem>>
    tpu.enqueue_indirect_dma source(%dma_start3A_206 : memref<10240x128xf32, #tpu.memory_space<hbm>>) target(%dma_start3A_200 : memref<80x128xf32, #tpu.memory_space<vmem>>) offsets(%dma_start3A_203 : memref<80xi32, #tpu.memory_space<vmem>>) semaphore(%dma_start3A_208 : memref<!tpu.dma_semaphore, #tpu.memory_space<semaphore_mem>>)
    %scan3A_209 = arith.constant 0 : i32
    %scan3A_210 = arith.constant 0 : i32
    %scan3A_211 = arith.constant 125 : i32
    %scan3A_212 = arith.addi %scan3A_210, %scan3A_211 : i32
    %scan3A_213 = arith.constant 1 : i32
    %scan3A_214 = scf.for %scan3A_288 = %scan3A_210 to %scan3A_212 step %scan3A_213 iter_args(%scan3A_289 = %scan3A_209) -> (i32)  : i32 {
      %jit3A = arith.constant 4 : i32
      %eq3A = arith.constant 0 : i32
      %eq3A_290 = arith.cmpi eq, %jit3A, %eq3A : i32
      %jit3A_291 = arith.constant 1 : i32
      %select_n3A = arith.select %eq3A_290, %jit3A_291, %jit3A : i32
      %rem3A = arith.remsi %scan3A_288, %select_n3A : i32
      %ne3A = arith.constant 0 : i32
      %ne3A_292 = arith.cmpi ne, %rem3A, %ne3A : i32
      %lt3A = arith.constant 0 : i32
      %lt3A_293 = arith.cmpi slt, %rem3A, %lt3A : i32
      %lt3A_294 = arith.constant 0 : i32
      %lt3A_295 = arith.cmpi slt, %select_n3A, %lt3A_294 : i32
      %ne3A_296 = arith.xori %lt3A_293, %lt3A_295 : i1
      %and3A = arith.andi %ne3A_296, %ne3A_292 : i1
      %add3A_297 = arith.addi %rem3A, %select_n3A : i32
      %select_n3A_298 = arith.select %and3A, %add3A_297, %rem3A : i32
      %jit3A_299 = arith.constant 6 : i32
      %eq3A_300 = arith.constant 0 : i32
      %eq3A_301 = arith.cmpi eq, %jit3A_299, %eq3A_300 : i32
      %jit3A_302 = arith.constant 1 : i32
      %select_n3A_303 = arith.select %eq3A_301, %jit3A_302, %jit3A_299 : i32
      %rem3A_304 = arith.remsi %scan3A_288, %select_n3A_303 : i32
      %ne3A_305 = arith.constant 0 : i32
      %ne3A_306 = arith.cmpi ne, %rem3A_304, %ne3A_305 : i32
      %lt3A_307 = arith.constant 0 : i32
      %lt3A_308 = arith.cmpi slt, %rem3A_304, %lt3A_307 : i32
      %lt3A_309 = arith.constant 0 : i32
      %lt3A_310 = arith.cmpi slt, %select_n3A_303, %lt3A_309 : i32
      %ne3A_311 = arith.xori %lt3A_308, %lt3A_310 : i1
      %and3A_312 = arith.andi %ne3A_311, %ne3A_306 : i1
      %add3A_313 = arith.addi %rem3A_304, %select_n3A_303 : i32
      %select_n3A_314 = arith.select %and3A_312, %add3A_313, %rem3A_304 : i32
      %dma_wait3A_315 = arith.constant 0 : i32
      %dma_wait3A_316 = arith.constant 0 : i32
      %dma_wait3A_317 = arith.constant 0 : i32
      %dma_wait3A_318 = tpu.memref_slice %arg7[%select_n3A_298, %dma_wait3A_316, %dma_wait3A_317] : memref<4x80x128xf32, #tpu.memory_space<vmem>> -> memref<1x80x128xf32, #tpu.memory_space<vmem>>
      %dma_wait3A_319 = tpu.memref_squeeze %dma_wait3A_318 : memref<1x80x128xf32, #tpu.memory_space<vmem>> -> memref<80x128xf32, #tpu.memory_space<vmem>>
      %dma_wait3A_320 = arith.constant 0 : i32
      %dma_wait3A_321 = tpu.memref_slice %arg6[%select_n3A_314, %dma_wait3A_315, %dma_wait3A_320] : memref<6x2x80xi32, #tpu.memory_space<vmem>> -> memref<1x1x80xi32, #tpu.memory_space<vmem>>
      %dma_wait3A_322 = tpu.memref_squeeze %dma_wait3A_321 : memref<1x1x80xi32, #tpu.memory_space<vmem>> -> memref<80xi32, #tpu.memory_space<vmem>>
      %dma_wait3A_323 = arith.constant 0 : i32
      %dma_wait3A_324 = arith.constant 0 : i32
      %dma_wait3A_325 = tpu.memref_slice %arg2[%dma_wait3A_323, %dma_wait3A_324] : memref<10240x128xf32, #tpu.memory_space<hbm>> -> memref<10240x128xf32, #tpu.memory_space<hbm>>
      %dma_wait3A_326 = tpu.memref_slice %arg10[%select_n3A_298] : memref<4x!tpu.dma_semaphore, #tpu.memory_space<semaphore_mem>> -> memref<1x!tpu.dma_semaphore, #tpu.memory_space<semaphore_mem>>
      %dma_wait3A_327 = tpu.memref_squeeze %dma_wait3A_326 : memref<1x!tpu.dma_semaphore, #tpu.memory_space<semaphore_mem>> -> memref<!tpu.dma_semaphore, #tpu.memory_space<semaphore_mem>>
      tpu.wait_indirect_dma semaphore(%dma_wait3A_327 : memref<!tpu.dma_semaphore, #tpu.memory_space<semaphore_mem>>) src(%dma_wait3A_325 : memref<10240x128xf32, #tpu.memory_space<hbm>>) dst(%dma_wait3A_319 : memref<80x128xf32, #tpu.memory_space<vmem>>)
      %jit3A_328 = arith.constant 4 : i32
      %eq3A_329 = arith.constant 0 : i32
      %eq3A_330 = arith.cmpi eq, %jit3A_328, %eq3A_329 : i32
      %jit3A_331 = arith.constant 1 : i32
      %select_n3A_332 = arith.select %eq3A_330, %jit3A_331, %jit3A_328 : i32
      %rem3A_333 = arith.remsi %scan3A_288, %select_n3A_332 : i32
      %ne3A_334 = arith.constant 0 : i32
      %ne3A_335 = arith.cmpi ne, %rem3A_333, %ne3A_334 : i32
      %lt3A_336 = arith.constant 0 : i32
      %lt3A_337 = arith.cmpi slt, %rem3A_333, %lt3A_336 : i32
      %lt3A_338 = arith.constant 0 : i32
      %lt3A_339 = arith.cmpi slt, %select_n3A_332, %lt3A_338 : i32
      %ne3A_340 = arith.xori %lt3A_337, %lt3A_339 : i1
      %and3A_341 = arith.andi %ne3A_340, %ne3A_335 : i1
      %add3A_342 = arith.addi %rem3A_333, %select_n3A_332 : i32
      %select_n3A_343 = arith.select %and3A_341, %add3A_342, %rem3A_333 : i32
      %jit3A_344 = arith.constant 6 : i32
      %eq3A_345 = arith.constant 0 : i32
      %eq3A_346 = arith.cmpi eq, %jit3A_344, %eq3A_345 : i32
      %jit3A_347 = arith.constant 1 : i32
      %select_n3A_348 = arith.select %eq3A_346, %jit3A_347, %jit3A_344 : i32
      %rem3A_349 = arith.remsi %scan3A_288, %select_n3A_348 : i32
      %ne3A_350 = arith.constant 0 : i32
      %ne3A_351 = arith.cmpi ne, %rem3A_349, %ne3A_350 : i32
      %lt3A_352 = arith.constant 0 : i32
      %lt3A_353 = arith.cmpi slt, %rem3A_349, %lt3A_352 : i32
      %lt3A_354 = arith.constant 0 : i32
      %lt3A_355 = arith.cmpi slt, %select_n3A_348, %lt3A_354 : i32
      %ne3A_356 = arith.xori %lt3A_353, %lt3A_355 : i1
      %and3A_357 = arith.andi %ne3A_356, %ne3A_351 : i1
      %add3A_358 = arith.addi %rem3A_349, %select_n3A_348 : i32
      %select_n3A_359 = arith.select %and3A_357, %add3A_358, %rem3A_349 : i32
      %dma_start3A_360 = arith.constant 1 : i32
      %dma_start3A_361 = arith.constant 0 : i32
      %dma_start3A_362 = arith.constant 0 : i32
      %dma_start3A_363 = tpu.memref_slice %arg7[%select_n3A_343, %dma_start3A_361, %dma_start3A_362] : memref<4x80x128xf32, #tpu.memory_space<vmem>> -> memref<1x80x128xf32, #tpu.memory_space<vmem>>
      %dma_start3A_364 = tpu.memref_squeeze %dma_start3A_363 : memref<1x80x128xf32, #tpu.memory_space<vmem>> -> memref<80x128xf32, #tpu.memory_space<vmem>>
      %dma_start3A_365 = arith.constant 0 : i32
      %dma_start3A_366 = tpu.memref_slice %arg6[%select_n3A_359, %dma_start3A_360, %dma_start3A_365] : memref<6x2x80xi32, #tpu.memory_space<vmem>> -> memref<1x1x80xi32, #tpu.memory_space<vmem>>
      %dma_start3A_367 = tpu.memref_squeeze %dma_start3A_366 : memref<1x1x80xi32, #tpu.memory_space<vmem>> -> memref<80xi32, #tpu.memory_space<vmem>>
      %dma_start3A_368 = arith.constant 0 : i32
      %dma_start3A_369 = arith.constant 0 : i32
      %dma_start3A_370 = tpu.memref_slice %arg8[%dma_start3A_368, %dma_start3A_369] : memref<10240x128xf32, #tpu.memory_space<vmem_shared>> -> memref<10240x128xf32, #tpu.memory_space<vmem_shared>>
      %dma_start3A_371 = tpu.memref_slice %arg11[%select_n3A_343] : memref<4x!tpu.dma_semaphore, #tpu.memory_space<semaphore_mem>> -> memref<1x!tpu.dma_semaphore, #tpu.memory_space<semaphore_mem>>
      %dma_start3A_372 = tpu.memref_squeeze %dma_start3A_371 : memref<1x!tpu.dma_semaphore, #tpu.memory_space<semaphore_mem>> -> memref<!tpu.dma_semaphore, #tpu.memory_space<semaphore_mem>>
      tpu.enqueue_indirect_dma source(%dma_start3A_364 : memref<80x128xf32, #tpu.memory_space<vmem>>) target(%dma_start3A_370 : memref<10240x128xf32, #tpu.memory_space<vmem_shared>>) offsets(%dma_start3A_367 : memref<80xi32, #tpu.memory_space<vmem>>) semaphore(%dma_start3A_372 : memref<!tpu.dma_semaphore, #tpu.memory_space<semaphore_mem>>) {add = true}
      %add3A_373 = arith.constant 2 : i32
      %add3A_374 = arith.addi %scan3A_288, %add3A_373 : i32
      %lt3A_375 = arith.constant 125 : i32
      %lt3A_376 = arith.cmpi slt, %add3A_374, %lt3A_375 : i32
      %convert_element_type3A = arith.extui %lt3A_376 : i1 to i32
      %cond3A = arith.constant 0 : i32
      %cond3A_377 = arith.cmpi ne, %convert_element_type3A, %cond3A : i32
      scf.if %cond3A_377 {
        %mul3A_388 = arith.constant 80 : i32
        %mul3A_389 = arith.muli %add3A_374, %mul3A_388 : i32
        %add3A_390 = arith.addi %mul3A_2, %mul3A_389 : i32
        %multiple_of3A_391 = tpu.assume_multiple %add3A_390, 8 : i32
        %jit3A_392 = arith.constant 6 : i32
        %eq3A_393 = arith.constant 0 : i32
        %eq3A_394 = arith.cmpi eq, %jit3A_392, %eq3A_393 : i32
        %jit3A_395 = arith.constant 1 : i32
        %select_n3A_396 = arith.select %eq3A_394, %jit3A_395, %jit3A_392 : i32
        %rem3A_397 = arith.remsi %add3A_374, %select_n3A_396 : i32
        %ne3A_398 = arith.constant 0 : i32
        %ne3A_399 = arith.cmpi ne, %rem3A_397, %ne3A_398 : i32
        %lt3A_400 = arith.constant 0 : i32
        %lt3A_401 = arith.cmpi slt, %rem3A_397, %lt3A_400 : i32
        %lt3A_402 = arith.constant 0 : i32
        %lt3A_403 = arith.cmpi slt, %select_n3A_396, %lt3A_402 : i32
        %ne3A_404 = arith.xori %lt3A_401, %lt3A_403 : i1
        %and3A_405 = arith.andi %ne3A_404, %ne3A_399 : i1
        %add3A_406 = arith.addi %rem3A_397, %select_n3A_396 : i32
        %select_n3A_407 = arith.select %and3A_405, %add3A_406, %rem3A_397 : i32
        %dma_wait3A_408 = arith.constant 0 : i32
        %dma_wait3A_409 = arith.constant 0 : i32
        %dma_wait3A_410 = tpu.memref_slice %arg6[%select_n3A_407, %dma_wait3A_408, %dma_wait3A_409] : memref<6x2x80xi32, #tpu.memory_space<vmem>> -> memref<1x1x80xi32, #tpu.memory_space<vmem>>
        %dma_wait3A_411 = tpu.memref_squeeze %dma_wait3A_410 : memref<1x1x80xi32, #tpu.memory_space<vmem>> -> memref<80xi32, #tpu.memory_space<vmem>>
        %dma_wait3A_412 = tpu.memref_slice %arg3[%multiple_of3A_391] : memref<320000xi32, #tpu.memory_space<hbm>> -> memref<80xi32, #tpu.memory_space<hbm>>
        %dma_wait3A_413 = tpu.memref_slice %arg9[%select_n3A_407] : memref<6x!tpu.dma_semaphore, #tpu.memory_space<semaphore_mem>> -> memref<1x!tpu.dma_semaphore, #tpu.memory_space<semaphore_mem>>
        %dma_wait3A_414 = tpu.memref_squeeze %dma_wait3A_413 : memref<1x!tpu.dma_semaphore, #tpu.memory_space<semaphore_mem>> -> memref<!tpu.dma_semaphore, #tpu.memory_space<semaphore_mem>>
        %dma_wait3A_415 = arith.constant 0 : i32
        %dma_wait3A_416 = tpu.memref_slice %arg6[%select_n3A_407, %dma_wait3A_408, %dma_wait3A_415] : memref<6x2x80xi32, #tpu.memory_space<vmem>> -> memref<1x1x80xi32, #tpu.memory_space<vmem>>
        %dma_wait3A_417 = tpu.memref_squeeze %dma_wait3A_416 : memref<1x1x80xi32, #tpu.memory_space<vmem>> -> memref<80xi32, #tpu.memory_space<vmem>>
        %dma_wait3A_418 = tpu.memref_slice %arg3[%multiple_of3A_391] : memref<320000xi32, #tpu.memory_space<hbm>> -> memref<80xi32, #tpu.memory_space<hbm>>
        tpu.wait_dma2 semaphore(%dma_wait3A_414 : memref<!tpu.dma_semaphore, #tpu.memory_space<semaphore_mem>>) src(%dma_wait3A_418 : memref<80xi32, #tpu.memory_space<hbm>>) dst(%dma_wait3A_417 : memref<80xi32, #tpu.memory_space<vmem>>)
        %dma_wait3A_419 = arith.constant 1 : i32
        %dma_wait3A_420 = arith.constant 0 : i32
        %dma_wait3A_421 = tpu.memref_slice %arg6[%select_n3A_407, %dma_wait3A_419, %dma_wait3A_420] : memref<6x2x80xi32, #tpu.memory_space<vmem>> -> memref<1x1x80xi32, #tpu.memory_space<vmem>>
        %dma_wait3A_422 = tpu.memref_squeeze %dma_wait3A_421 : memref<1x1x80xi32, #tpu.memory_space<vmem>> -> memref<80xi32, #tpu.memory_space<vmem>>
        %dma_wait3A_423 = tpu.memref_slice %arg4[%multiple_of3A_391] : memref<320000xi32, #tpu.memory_space<hbm>> -> memref<80xi32, #tpu.memory_space<hbm>>
        %dma_wait3A_424 = tpu.memref_slice %arg9[%select_n3A_407] : memref<6x!tpu.dma_semaphore, #tpu.memory_space<semaphore_mem>> -> memref<1x!tpu.dma_semaphore, #tpu.memory_space<semaphore_mem>>
        %dma_wait3A_425 = tpu.memref_squeeze %dma_wait3A_424 : memref<1x!tpu.dma_semaphore, #tpu.memory_space<semaphore_mem>> -> memref<!tpu.dma_semaphore, #tpu.memory_space<semaphore_mem>>
        %dma_wait3A_426 = arith.constant 0 : i32
        %dma_wait3A_427 = tpu.memref_slice %arg6[%select_n3A_407, %dma_wait3A_419, %dma_wait3A_426] : memref<6x2x80xi32, #tpu.memory_space<vmem>> -> memref<1x1x80xi32, #tpu.memory_space<vmem>>
        %dma_wait3A_428 = tpu.memref_squeeze %dma_wait3A_427 : memref<1x1x80xi32, #tpu.memory_space<vmem>> -> memref<80xi32, #tpu.memory_space<vmem>>
        %dma_wait3A_429 = tpu.memref_slice %arg4[%multiple_of3A_391] : memref<320000xi32, #tpu.memory_space<hbm>> -> memref<80xi32, #tpu.memory_space<hbm>>
        tpu.wait_dma2 semaphore(%dma_wait3A_425 : memref<!tpu.dma_semaphore, #tpu.memory_space<semaphore_mem>>) src(%dma_wait3A_429 : memref<80xi32, #tpu.memory_space<hbm>>) dst(%dma_wait3A_428 : memref<80xi32, #tpu.memory_space<vmem>>)
        %ge3A = arith.constant 4 : i32
        %ge3A_430 = arith.cmpi sge, %add3A_374, %ge3A : i32
        %convert_element_type3A_431 = arith.extui %ge3A_430 : i1 to i32
        %cond3A_432 = arith.constant 0 : i32
        %cond3A_433 = arith.cmpi ne, %convert_element_type3A_431, %cond3A_432 : i32
        scf.if %cond3A_433 {
          %sub3A = arith.constant 4 : i32
          %sub3A_479 = arith.subi %add3A_374, %sub3A : i32
          %jit3A_480 = arith.constant 4 : i32
          %eq3A_481 = arith.constant 0 : i32
          %eq3A_482 = arith.cmpi eq, %jit3A_480, %eq3A_481 : i32
          %jit3A_483 = arith.constant 1 : i32
          %select_n3A_484 = arith.select %eq3A_482, %jit3A_483, %jit3A_480 : i32
          %rem3A_485 = arith.remsi %sub3A_479, %select_n3A_484 : i32
          %ne3A_486 = arith.constant 0 : i32
          %ne3A_487 = arith.cmpi ne, %rem3A_485, %ne3A_486 : i32
          %lt3A_488 = arith.constant 0 : i32
          %lt3A_489 = arith.cmpi slt, %rem3A_485, %lt3A_488 : i32
          %lt3A_490 = arith.constant 0 : i32
          %lt3A_491 = arith.cmpi slt, %select_n3A_484, %lt3A_490 : i32
          %ne3A_492 = arith.xori %lt3A_489, %lt3A_491 : i1
          %and3A_493 = arith.andi %ne3A_492, %ne3A_487 : i1
          %add3A_494 = arith.addi %rem3A_485, %select_n3A_484 : i32
          %select_n3A_495 = arith.select %and3A_493, %add3A_494, %rem3A_485 : i32
          %jit3A_496 = arith.constant 6 : i32
          %eq3A_497 = arith.constant 0 : i32
          %eq3A_498 = arith.cmpi eq, %jit3A_496, %eq3A_497 : i32
          %jit3A_499 = arith.constant 1 : i32
          %select_n3A_500 = arith.select %eq3A_498, %jit3A_499, %jit3A_496 : i32
          %rem3A_501 = arith.remsi %sub3A_479, %select_n3A_500 : i32
          %ne3A_502 = arith.constant 0 : i32
          %ne3A_503 = arith.cmpi ne, %rem3A_501, %ne3A_502 : i32
          %lt3A_504 = arith.constant 0 : i32
          %lt3A_505 = arith.cmpi slt, %rem3A_501, %lt3A_504 : i32
          %lt3A_506 = arith.constant 0 : i32
          %lt3A_507 = arith.cmpi slt, %select_n3A_500, %lt3A_506 : i32
          %ne3A_508 = arith.xori %lt3A_505, %lt3A_507 : i1
          %and3A_509 = arith.andi %ne3A_508, %ne3A_503 : i1
          %add3A_510 = arith.addi %rem3A_501, %select_n3A_500 : i32
          %select_n3A_511 = arith.select %and3A_509, %add3A_510, %rem3A_501 : i32
          %dma_wait3A_512 = arith.constant 1 : i32
          %dma_wait3A_513 = arith.constant 0 : i32
          %dma_wait3A_514 = arith.constant 0 : i32
          %dma_wait3A_515 = tpu.memref_slice %arg7[%select_n3A_495, %dma_wait3A_513, %dma_wait3A_514] : memref<4x80x128xf32, #tpu.memory_space<vmem>> -> memref<1x80x128xf32, #tpu.memory_space<vmem>>
          %dma_wait3A_516 = tpu.memref_squeeze %dma_wait3A_515 : memref<1x80x128xf32, #tpu.memory_space<vmem>> -> memref<80x128xf32, #tpu.memory_space<vmem>>
          %dma_wait3A_517 = arith.constant 0 : i32
          %dma_wait3A_518 = tpu.memref_slice %arg6[%select_n3A_511, %dma_wait3A_512, %dma_wait3A_517] : memref<6x2x80xi32, #tpu.memory_space<vmem>> -> memref<1x1x80xi32, #tpu.memory_space<vmem>>
          %dma_wait3A_519 = tpu.memref_squeeze %dma_wait3A_518 : memref<1x1x80xi32, #tpu.memory_space<vmem>> -> memref<80xi32, #tpu.memory_space<vmem>>
          %dma_wait3A_520 = arith.constant 0 : i32
          %dma_wait3A_521 = arith.constant 0 : i32
          %dma_wait3A_522 = tpu.memref_slice %arg8[%dma_wait3A_520, %dma_wait3A_521] : memref<10240x128xf32, #tpu.memory_space<vmem_shared>> -> memref<10240x128xf32, #tpu.memory_space<vmem_shared>>
          %dma_wait3A_523 = tpu.memref_slice %arg11[%select_n3A_495] : memref<4x!tpu.dma_semaphore, #tpu.memory_space<semaphore_mem>> -> memref<1x!tpu.dma_semaphore, #tpu.memory_space<semaphore_mem>>
          %dma_wait3A_524 = tpu.memref_squeeze %dma_wait3A_523 : memref<1x!tpu.dma_semaphore, #tpu.memory_space<semaphore_mem>> -> memref<!tpu.dma_semaphore, #tpu.memory_space<semaphore_mem>>
          tpu.wait_indirect_dma semaphore(%dma_wait3A_524 : memref<!tpu.dma_semaphore, #tpu.memory_space<semaphore_mem>>) src(%dma_wait3A_516 : memref<80x128xf32, #tpu.memory_space<vmem>>) dst(%dma_wait3A_522 : memref<10240x128xf32, #tpu.memory_space<vmem_shared>>)
        } else {
        }
        %jit3A_434 = arith.constant 4 : i32
        %eq3A_435 = arith.constant 0 : i32
        %eq3A_436 = arith.cmpi eq, %jit3A_434, %eq3A_435 : i32
        %jit3A_437 = arith.constant 1 : i32
        %select_n3A_438 = arith.select %eq3A_436, %jit3A_437, %jit3A_434 : i32
        %rem3A_439 = arith.remsi %add3A_374, %select_n3A_438 : i32
        %ne3A_440 = arith.constant 0 : i32
        %ne3A_441 = arith.cmpi ne, %rem3A_439, %ne3A_440 : i32
        %lt3A_442 = arith.constant 0 : i32
        %lt3A_443 = arith.cmpi slt, %rem3A_439, %lt3A_442 : i32
        %lt3A_444 = arith.constant 0 : i32
        %lt3A_445 = arith.cmpi slt, %select_n3A_438, %lt3A_444 : i32
        %ne3A_446 = arith.xori %lt3A_443, %lt3A_445 : i1
        %and3A_447 = arith.andi %ne3A_446, %ne3A_441 : i1
        %add3A_448 = arith.addi %rem3A_439, %select_n3A_438 : i32
        %select_n3A_449 = arith.select %and3A_447, %add3A_448, %rem3A_439 : i32
        %jit3A_450 = arith.constant 6 : i32
        %eq3A_451 = arith.constant 0 : i32
        %eq3A_452 = arith.cmpi eq, %jit3A_450, %eq3A_451 : i32
        %jit3A_453 = arith.constant 1 : i32
        %select_n3A_454 = arith.select %eq3A_452, %jit3A_453, %jit3A_450 : i32
        %rem3A_455 = arith.remsi %add3A_374, %select_n3A_454 : i32
        %ne3A_456 = arith.constant 0 : i32
        %ne3A_457 = arith.cmpi ne, %rem3A_455, %ne3A_456 : i32
        %lt3A_458 = arith.constant 0 : i32
        %lt3A_459 = arith.cmpi slt, %rem3A_455, %lt3A_458 : i32
        %lt3A_460 = arith.constant 0 : i32
        %lt3A_461 = arith.cmpi slt, %select_n3A_454, %lt3A_460 : i32
        %ne3A_462 = arith.xori %lt3A_459, %lt3A_461 : i1
        %and3A_463 = arith.andi %ne3A_462, %ne3A_457 : i1
        %add3A_464 = arith.addi %rem3A_455, %select_n3A_454 : i32
        %select_n3A_465 = arith.select %and3A_463, %add3A_464, %rem3A_455 : i32
        %dma_start3A_466 = arith.constant 0 : i32
        %dma_start3A_467 = arith.constant 0 : i32
        %dma_start3A_468 = arith.constant 0 : i32
        %dma_start3A_469 = tpu.memref_slice %arg7[%select_n3A_449, %dma_start3A_467, %dma_start3A_468] : memref<4x80x128xf32, #tpu.memory_space<vmem>> -> memref<1x80x128xf32, #tpu.memory_space<vmem>>
        %dma_start3A_470 = tpu.memref_squeeze %dma_start3A_469 : memref<1x80x128xf32, #tpu.memory_space<vmem>> -> memref<80x128xf32, #tpu.memory_space<vmem>>
        %dma_start3A_471 = arith.constant 0 : i32
        %dma_start3A_472 = tpu.memref_slice %arg6[%select_n3A_465, %dma_start3A_466, %dma_start3A_471] : memref<6x2x80xi32, #tpu.memory_space<vmem>> -> memref<1x1x80xi32, #tpu.memory_space<vmem>>
        %dma_start3A_473 = tpu.memref_squeeze %dma_start3A_472 : memref<1x1x80xi32, #tpu.memory_space<vmem>> -> memref<80xi32, #tpu.memory_space<vmem>>
        %dma_start3A_474 = arith.constant 0 : i32
        %dma_start3A_475 = arith.constant 0 : i32
        %dma_start3A_476 = tpu.memref_slice %arg2[%dma_start3A_474, %dma_start3A_475] : memref<10240x128xf32, #tpu.memory_space<hbm>> -> memref<10240x128xf32, #tpu.memory_space<hbm>>
        %dma_start3A_477 = tpu.memref_slice %arg10[%select_n3A_449] : memref<4x!tpu.dma_semaphore, #tpu.memory_space<semaphore_mem>> -> memref<1x!tpu.dma_semaphore, #tpu.memory_space<semaphore_mem>>
        %dma_start3A_478 = tpu.memref_squeeze %dma_start3A_477 : memref<1x!tpu.dma_semaphore, #tpu.memory_space<semaphore_mem>> -> memref<!tpu.dma_semaphore, #tpu.memory_space<semaphore_mem>>
        tpu.enqueue_indirect_dma source(%dma_start3A_476 : memref<10240x128xf32, #tpu.memory_space<hbm>>) target(%dma_start3A_470 : memref<80x128xf32, #tpu.memory_space<vmem>>) offsets(%dma_start3A_473 : memref<80xi32, #tpu.memory_space<vmem>>) semaphore(%dma_start3A_478 : memref<!tpu.dma_semaphore, #tpu.memory_space<semaphore_mem>>)
      } else {
      }
      %add3A_378 = arith.constant 2 : i32
      %add3A_379 = arith.addi %scan3A_288, %add3A_378 : i32
      %add3A_380 = arith.constant 1 : i32
      %add3A_381 = arith.addi %add3A_379, %add3A_380 : i32
      %lt3A_382 = arith.constant 125 : i32
      %lt3A_383 = arith.cmpi slt, %add3A_381, %lt3A_382 : i32
      %convert_element_type3A_384 = arith.extui %lt3A_383 : i1 to i32
      %cond3A_385 = arith.constant 0 : i32
      %cond3A_386 = arith.cmpi ne, %convert_element_type3A_384, %cond3A_385 : i32
      scf.if %cond3A_386 {
        %mul3A_388 = arith.constant 80 : i32
        %mul3A_389 = arith.muli %add3A_381, %mul3A_388 : i32
        %add3A_390 = arith.addi %mul3A_2, %mul3A_389 : i32
        %multiple_of3A_391 = tpu.assume_multiple %add3A_390, 8 : i32
        %jit3A_392 = arith.constant 6 : i32
        %eq3A_393 = arith.constant 0 : i32
        %eq3A_394 = arith.cmpi eq, %jit3A_392, %eq3A_393 : i32
        %jit3A_395 = arith.constant 1 : i32
        %select_n3A_396 = arith.select %eq3A_394, %jit3A_395, %jit3A_392 : i32
        %rem3A_397 = arith.remsi %add3A_381, %select_n3A_396 : i32
        %ne3A_398 = arith.constant 0 : i32
        %ne3A_399 = arith.cmpi ne, %rem3A_397, %ne3A_398 : i32
        %lt3A_400 = arith.constant 0 : i32
        %lt3A_401 = arith.cmpi slt, %rem3A_397, %lt3A_400 : i32
        %lt3A_402 = arith.constant 0 : i32
        %lt3A_403 = arith.cmpi slt, %select_n3A_396, %lt3A_402 : i32
        %ne3A_404 = arith.xori %lt3A_401, %lt3A_403 : i1
        %and3A_405 = arith.andi %ne3A_404, %ne3A_399 : i1
        %add3A_406 = arith.addi %rem3A_397, %select_n3A_396 : i32
        %select_n3A_407 = arith.select %and3A_405, %add3A_406, %rem3A_397 : i32
        %dma_start3A_408 = arith.constant 0 : i32
        %dma_start3A_409 = arith.constant 0 : i32
        %dma_start3A_410 = tpu.memref_slice %arg6[%select_n3A_407, %dma_start3A_408, %dma_start3A_409] : memref<6x2x80xi32, #tpu.memory_space<vmem>> -> memref<1x1x80xi32, #tpu.memory_space<vmem>>
        %dma_start3A_411 = tpu.memref_squeeze %dma_start3A_410 : memref<1x1x80xi32, #tpu.memory_space<vmem>> -> memref<80xi32, #tpu.memory_space<vmem>>
        %dma_start3A_412 = tpu.memref_slice %arg3[%multiple_of3A_391] : memref<320000xi32, #tpu.memory_space<hbm>> -> memref<80xi32, #tpu.memory_space<hbm>>
        %dma_start3A_413 = tpu.memref_slice %arg9[%select_n3A_407] : memref<6x!tpu.dma_semaphore, #tpu.memory_space<semaphore_mem>> -> memref<1x!tpu.dma_semaphore, #tpu.memory_space<semaphore_mem>>
        %dma_start3A_414 = tpu.memref_squeeze %dma_start3A_413 : memref<1x!tpu.dma_semaphore, #tpu.memory_space<semaphore_mem>> -> memref<!tpu.dma_semaphore, #tpu.memory_space<semaphore_mem>>
        %dma_start3A_415 = arith.constant 0 : i32
        %dma_start3A_416 = tpu.memref_slice %arg6[%select_n3A_407, %dma_start3A_408, %dma_start3A_415] : memref<6x2x80xi32, #tpu.memory_space<vmem>> -> memref<1x1x80xi32, #tpu.memory_space<vmem>>
        %dma_start3A_417 = tpu.memref_squeeze %dma_start3A_416 : memref<1x1x80xi32, #tpu.memory_space<vmem>> -> memref<80xi32, #tpu.memory_space<vmem>>
        %dma_start3A_418 = tpu.memref_slice %arg3[%multiple_of3A_391] : memref<320000xi32, #tpu.memory_space<hbm>> -> memref<80xi32, #tpu.memory_space<hbm>>
        tpu.enqueue_dma source(%dma_start3A_418 : memref<80xi32, #tpu.memory_space<hbm>>) target(%dma_start3A_417 : memref<80xi32, #tpu.memory_space<vmem>>) target_semaphore(%dma_start3A_414 : memref<!tpu.dma_semaphore, #tpu.memory_space<semaphore_mem>>)
        %dma_start3A_419 = arith.constant 1 : i32
        %dma_start3A_420 = arith.constant 0 : i32
        %dma_start3A_421 = tpu.memref_slice %arg6[%select_n3A_407, %dma_start3A_419, %dma_start3A_420] : memref<6x2x80xi32, #tpu.memory_space<vmem>> -> memref<1x1x80xi32, #tpu.memory_space<vmem>>
        %dma_start3A_422 = tpu.memref_squeeze %dma_start3A_421 : memref<1x1x80xi32, #tpu.memory_space<vmem>> -> memref<80xi32, #tpu.memory_space<vmem>>
        %dma_start3A_423 = tpu.memref_slice %arg4[%multiple_of3A_391] : memref<320000xi32, #tpu.memory_space<hbm>> -> memref<80xi32, #tpu.memory_space<hbm>>
        %dma_start3A_424 = tpu.memref_slice %arg9[%select_n3A_407] : memref<6x!tpu.dma_semaphore, #tpu.memory_space<semaphore_mem>> -> memref<1x!tpu.dma_semaphore, #tpu.memory_space<semaphore_mem>>
        %dma_start3A_425 = tpu.memref_squeeze %dma_start3A_424 : memref<1x!tpu.dma_semaphore, #tpu.memory_space<semaphore_mem>> -> memref<!tpu.dma_semaphore, #tpu.memory_space<semaphore_mem>>
        %dma_start3A_426 = arith.constant 0 : i32
        %dma_start3A_427 = tpu.memref_slice %arg6[%select_n3A_407, %dma_start3A_419, %dma_start3A_426] : memref<6x2x80xi32, #tpu.memory_space<vmem>> -> memref<1x1x80xi32, #tpu.memory_space<vmem>>
        %dma_start3A_428 = tpu.memref_squeeze %dma_start3A_427 : memref<1x1x80xi32, #tpu.memory_space<vmem>> -> memref<80xi32, #tpu.memory_space<vmem>>
        %dma_start3A_429 = tpu.memref_slice %arg4[%multiple_of3A_391] : memref<320000xi32, #tpu.memory_space<hbm>> -> memref<80xi32, #tpu.memory_space<hbm>>
        tpu.enqueue_dma source(%dma_start3A_429 : memref<80xi32, #tpu.memory_space<hbm>>) target(%dma_start3A_428 : memref<80xi32, #tpu.memory_space<vmem>>) target_semaphore(%dma_start3A_425 : memref<!tpu.dma_semaphore, #tpu.memory_space<semaphore_mem>>)
      } else {
      }
      %scan3A_387 = arith.constant 0 : i32
      scf.yield %scan3A_387 : i32
    }
    %scan3A_215 = arith.constant 125 : i32
    %dma_wait3A_216 = arith.constant 1 : i32
    %dma_wait3A_217 = arith.constant 1 : i32
    %dma_wait3A_218 = arith.constant 1 : i32
    %dma_wait3A_219 = arith.constant 1 : i32
    %dma_wait3A_220 = arith.constant 0 : i32
    %dma_wait3A_221 = arith.constant 0 : i32
    %dma_wait3A_222 = tpu.memref_slice %arg7[%dma_wait3A_216, %dma_wait3A_220, %dma_wait3A_221] : memref<4x80x128xf32, #tpu.memory_space<vmem>> -> memref<1x80x128xf32, #tpu.memory_space<vmem>>
    %dma_wait3A_223 = tpu.memref_squeeze %dma_wait3A_222 : memref<1x80x128xf32, #tpu.memory_space<vmem>> -> memref<80x128xf32, #tpu.memory_space<vmem>>
    %dma_wait3A_224 = arith.constant 0 : i32
    %dma_wait3A_225 = tpu.memref_slice %arg6[%dma_wait3A_217, %dma_wait3A_218, %dma_wait3A_224] : memref<6x2x80xi32, #tpu.memory_space<vmem>> -> memref<1x1x80xi32, #tpu.memory_space<vmem>>
    %dma_wait3A_226 = tpu.memref_squeeze %dma_wait3A_225 : memref<1x1x80xi32, #tpu.memory_space<vmem>> -> memref<80xi32, #tpu.memory_space<vmem>>
    %dma_wait3A_227 = arith.constant 0 : i32
    %dma_wait3A_228 = arith.constant 0 : i32
    %dma_wait3A_229 = tpu.memref_slice %arg8[%dma_wait3A_227, %dma_wait3A_228] : memref<10240x128xf32, #tpu.memory_space<vmem_shared>> -> memref<10240x128xf32, #tpu.memory_space<vmem_shared>>
    %dma_wait3A_230 = tpu.memref_slice %arg11[%dma_wait3A_219] : memref<4x!tpu.dma_semaphore, #tpu.memory_space<semaphore_mem>> -> memref<1x!tpu.dma_semaphore, #tpu.memory_space<semaphore_mem>>
    %dma_wait3A_231 = tpu.memref_squeeze %dma_wait3A_230 : memref<1x!tpu.dma_semaphore, #tpu.memory_space<semaphore_mem>> -> memref<!tpu.dma_semaphore, #tpu.memory_space<semaphore_mem>>
    tpu.wait_indirect_dma semaphore(%dma_wait3A_231 : memref<!tpu.dma_semaphore, #tpu.memory_space<semaphore_mem>>) src(%dma_wait3A_223 : memref<80x128xf32, #tpu.memory_space<vmem>>) dst(%dma_wait3A_229 : memref<10240x128xf32, #tpu.memory_space<vmem_shared>>)
    %dma_wait3A_232 = arith.constant 2 : i32
    %dma_wait3A_233 = arith.constant 2 : i32
    %dma_wait3A_234 = arith.constant 1 : i32
    %dma_wait3A_235 = arith.constant 2 : i32
    %dma_wait3A_236 = arith.constant 0 : i32
    %dma_wait3A_237 = arith.constant 0 : i32
    %dma_wait3A_238 = tpu.memref_slice %arg7[%dma_wait3A_232, %dma_wait3A_236, %dma_wait3A_237] : memref<4x80x128xf32, #tpu.memory_space<vmem>> -> memref<1x80x128xf32, #tpu.memory_space<vmem>>
    %dma_wait3A_239 = tpu.memref_squeeze %dma_wait3A_238 : memref<1x80x128xf32, #tpu.memory_space<vmem>> -> memref<80x128xf32, #tpu.memory_space<vmem>>
    %dma_wait3A_240 = arith.constant 0 : i32
    %dma_wait3A_241 = tpu.memref_slice %arg6[%dma_wait3A_233, %dma_wait3A_234, %dma_wait3A_240] : memref<6x2x80xi32, #tpu.memory_space<vmem>> -> memref<1x1x80xi32, #tpu.memory_space<vmem>>
    %dma_wait3A_242 = tpu.memref_squeeze %dma_wait3A_241 : memref<1x1x80xi32, #tpu.memory_space<vmem>> -> memref<80xi32, #tpu.memory_space<vmem>>
    %dma_wait3A_243 = arith.constant 0 : i32
    %dma_wait3A_244 = arith.constant 0 : i32
    %dma_wait3A_245 = tpu.memref_slice %arg8[%dma_wait3A_243, %dma_wait3A_244] : memref<10240x128xf32, #tpu.memory_space<vmem_shared>> -> memref<10240x128xf32, #tpu.memory_space<vmem_shared>>
    %dma_wait3A_246 = tpu.memref_slice %arg11[%dma_wait3A_235] : memref<4x!tpu.dma_semaphore, #tpu.memory_space<semaphore_mem>> -> memref<1x!tpu.dma_semaphore, #tpu.memory_space<semaphore_mem>>
    %dma_wait3A_247 = tpu.memref_squeeze %dma_wait3A_246 : memref<1x!tpu.dma_semaphore, #tpu.memory_space<semaphore_mem>> -> memref<!tpu.dma_semaphore, #tpu.memory_space<semaphore_mem>>
    tpu.wait_indirect_dma semaphore(%dma_wait3A_247 : memref<!tpu.dma_semaphore, #tpu.memory_space<semaphore_mem>>) src(%dma_wait3A_239 : memref<80x128xf32, #tpu.memory_space<vmem>>) dst(%dma_wait3A_245 : memref<10240x128xf32, #tpu.memory_space<vmem_shared>>)
    %dma_wait3A_248 = arith.constant 3 : i32
    %dma_wait3A_249 = arith.constant 3 : i32
    %dma_wait3A_250 = arith.constant 1 : i32
    %dma_wait3A_251 = arith.constant 3 : i32
    %dma_wait3A_252 = arith.constant 0 : i32
    %dma_wait3A_253 = arith.constant 0 : i32
    %dma_wait3A_254 = tpu.memref_slice %arg7[%dma_wait3A_248, %dma_wait3A_252, %dma_wait3A_253] : memref<4x80x128xf32, #tpu.memory_space<vmem>> -> memref<1x80x128xf32, #tpu.memory_space<vmem>>
    %dma_wait3A_255 = tpu.memref_squeeze %dma_wait3A_254 : memref<1x80x128xf32, #tpu.memory_space<vmem>> -> memref<80x128xf32, #tpu.memory_space<vmem>>
    %dma_wait3A_256 = arith.constant 0 : i32
    %dma_wait3A_257 = tpu.memref_slice %arg6[%dma_wait3A_249, %dma_wait3A_250, %dma_wait3A_256] : memref<6x2x80xi32, #tpu.memory_space<vmem>> -> memref<1x1x80xi32, #tpu.memory_space<vmem>>
    %dma_wait3A_258 = tpu.memref_squeeze %dma_wait3A_257 : memref<1x1x80xi32, #tpu.memory_space<vmem>> -> memref<80xi32, #tpu.memory_space<vmem>>
    %dma_wait3A_259 = arith.constant 0 : i32
    %dma_wait3A_260 = arith.constant 0 : i32
    %dma_wait3A_261 = tpu.memref_slice %arg8[%dma_wait3A_259, %dma_wait3A_260] : memref<10240x128xf32, #tpu.memory_space<vmem_shared>> -> memref<10240x128xf32, #tpu.memory_space<vmem_shared>>
    %dma_wait3A_262 = tpu.memref_slice %arg11[%dma_wait3A_251] : memref<4x!tpu.dma_semaphore, #tpu.memory_space<semaphore_mem>> -> memref<1x!tpu.dma_semaphore, #tpu.memory_space<semaphore_mem>>
    %dma_wait3A_263 = tpu.memref_squeeze %dma_wait3A_262 : memref<1x!tpu.dma_semaphore, #tpu.memory_space<semaphore_mem>> -> memref<!tpu.dma_semaphore, #tpu.memory_space<semaphore_mem>>
    tpu.wait_indirect_dma semaphore(%dma_wait3A_263 : memref<!tpu.dma_semaphore, #tpu.memory_space<semaphore_mem>>) src(%dma_wait3A_255 : memref<80x128xf32, #tpu.memory_space<vmem>>) dst(%dma_wait3A_261 : memref<10240x128xf32, #tpu.memory_space<vmem_shared>>)
    %dma_wait3A_264 = arith.constant 0 : i32
    %dma_wait3A_265 = arith.constant 4 : i32
    %dma_wait3A_266 = arith.constant 1 : i32
    %dma_wait3A_267 = arith.constant 0 : i32
    %dma_wait3A_268 = arith.constant 0 : i32
    %dma_wait3A_269 = arith.constant 0 : i32
    %dma_wait3A_270 = tpu.memref_slice %arg7[%dma_wait3A_264, %dma_wait3A_268, %dma_wait3A_269] : memref<4x80x128xf32, #tpu.memory_space<vmem>> -> memref<1x80x128xf32, #tpu.memory_space<vmem>>
    %dma_wait3A_271 = tpu.memref_squeeze %dma_wait3A_270 : memref<1x80x128xf32, #tpu.memory_space<vmem>> -> memref<80x128xf32, #tpu.memory_space<vmem>>
    %dma_wait3A_272 = arith.constant 0 : i32
    %dma_wait3A_273 = tpu.memref_slice %arg6[%dma_wait3A_265, %dma_wait3A_266, %dma_wait3A_272] : memref<6x2x80xi32, #tpu.memory_space<vmem>> -> memref<1x1x80xi32, #tpu.memory_space<vmem>>
    %dma_wait3A_274 = tpu.memref_squeeze %dma_wait3A_273 : memref<1x1x80xi32, #tpu.memory_space<vmem>> -> memref<80xi32, #tpu.memory_space<vmem>>
    %dma_wait3A_275 = arith.constant 0 : i32
    %dma_wait3A_276 = arith.constant 0 : i32
    %dma_wait3A_277 = tpu.memref_slice %arg8[%dma_wait3A_275, %dma_wait3A_276] : memref<10240x128xf32, #tpu.memory_space<vmem_shared>> -> memref<10240x128xf32, #tpu.memory_space<vmem_shared>>
    %dma_wait3A_278 = tpu.memref_slice %arg11[%dma_wait3A_267] : memref<4x!tpu.dma_semaphore, #tpu.memory_space<semaphore_mem>> -> memref<1x!tpu.dma_semaphore, #tpu.memory_space<semaphore_mem>>
    %dma_wait3A_279 = tpu.memref_squeeze %dma_wait3A_278 : memref<1x!tpu.dma_semaphore, #tpu.memory_space<semaphore_mem>> -> memref<!tpu.dma_semaphore, #tpu.memory_space<semaphore_mem>>
    tpu.wait_indirect_dma semaphore(%dma_wait3A_279 : memref<!tpu.dma_semaphore, #tpu.memory_space<semaphore_mem>>) src(%dma_wait3A_271 : memref<80x128xf32, #tpu.memory_space<vmem>>) dst(%dma_wait3A_277 : memref<10240x128xf32, #tpu.memory_space<vmem_shared>>)
    %barrier3A_280 = arith.constant 0 : index
    tpu.barrier barrier_id(%barrier3A_280)
    %mul3A_281 = arith.constant 10240 : i32
    %mul3A_282 = arith.muli %arg0, %mul3A_281 : i32
    %mul3A_283 = arith.constant 640 : i32
    %mul3A_284 = arith.muli %arg1, %mul3A_283 : i32
    %add3A_285 = arith.addi %mul3A_282, %mul3A_284 : i32
    %mul3A_286 = arith.constant 640 : i32
    %mul3A_287 = arith.muli %arg1, %mul3A_286 : i32
    "tpu.region"() ({
      %run_scoped3A_288 = tpu.sem_alloc : memref<!tpu.dma_semaphore, #tpu.memory_space<semaphore_mem>>
      %dma_start3A_289 = arith.constant 0 : i32
      %dma_start3A_290 = tpu.memref_slice %arg5[%add3A_285, %dma_start3A_289] : memref<20480x128xf32, #tpu.memory_space<hbm>> -> memref<640x128xf32, #tpu.memory_space<hbm>>
      %dma_start3A_291 = arith.constant 0 : i32
      %dma_start3A_292 = tpu.memref_slice %arg8[%mul3A_287, %dma_start3A_291] : memref<10240x128xf32, #tpu.memory_space<vmem_shared>> -> memref<640x128xf32, #tpu.memory_space<vmem_shared>>
      tpu.enqueue_dma source(%dma_start3A_292 : memref<640x128xf32, #tpu.memory_space<vmem_shared>>) target(%dma_start3A_290 : memref<640x128xf32, #tpu.memory_space<hbm>>) target_semaphore(%run_scoped3A_288 : memref<!tpu.dma_semaphore, #tpu.memory_space<semaphore_mem>>)
      %dma_wait3A_293 = arith.constant 0 : i32
      %dma_wait3A_294 = tpu.memref_slice %arg5[%add3A_285, %dma_wait3A_293] : memref<20480x128xf32, #tpu.memory_space<hbm>> -> memref<640x128xf32, #tpu.memory_space<hbm>>
      %dma_wait3A_295 = arith.constant 0 : i32
      %dma_wait3A_296 = tpu.memref_slice %arg8[%mul3A_287, %dma_wait3A_295] : memref<10240x128xf32, #tpu.memory_space<vmem_shared>> -> memref<640x128xf32, #tpu.memory_space<vmem_shared>>
      tpu.wait_dma2 semaphore(%run_scoped3A_288 : memref<!tpu.dma_semaphore, #tpu.memory_space<semaphore_mem>>) src(%dma_wait3A_296 : memref<640x128xf32, #tpu.memory_space<vmem_shared>>) dst(%dma_wait3A_294 : memref<640x128xf32, #tpu.memory_space<hbm>>)
      tpu.yield
    }) : () -> ()
    return
  }
}

module attributes {stable_mosaic.version = 14 : i64} {
  func.func @_count_body(%arg0: i32, %arg1: memref<2x6400xi32, #tpu.memory_space<vmem>>, %arg2: memref<80x128xf32, #tpu.memory_space<vmem>>) attributes {dimension_semantics = [#tpu.dimension_semantics<arbitrary>], iteration_bounds = array<i64: 50>, scalar_prefetch = 0 : i64, scratch_operands = 0 : i64, tpu.core_type = #tpu.core_type<tc>, window_params = [{transform_indices = @transform_0, window_bounds = array<i64: 2, 6400>}, {pipeline_mode = #tpu.pipeline_mode<synchronous>, transform_indices = @transform_1, window_bounds = array<i64: 80, 128>}]} {
    %get3A = arith.constant 1 : index
    %get3A_0 = arith.constant 0 : index
    %get3A_1 = vector.load %arg1[%get3A, %get3A_0] : memref<2x6400xi32, #tpu.memory_space<vmem>>, vector<1x6400xi32>
    %jit3A = arith.constant 128 : i32
    %div3A = vector.broadcast %jit3A : i32 to vector<1x6400xi32>
    %div3A_2 = arith.divsi %get3A_1, %div3A : vector<1x6400xi32>
    %sign3A = arith.constant 0 : i32
    %sign3A_3 = vector.broadcast %sign3A : i32 to vector<1x6400xi32>
    %sign3A_4 = arith.cmpi sgt, %get3A_1, %sign3A_3 : vector<1x6400xi32>
    %sign3A_5 = arith.extui %sign3A_4 : vector<1x6400xi1> to vector<1x6400xi32>
    %sign3A_6 = arith.constant 0 : i32
    %sign3A_7 = vector.broadcast %sign3A_6 : i32 to vector<1x6400xi32>
    %sign3A_8 = arith.cmpi slt, %get3A_1, %sign3A_7 : vector<1x6400xi32>
    %sign3A_9 = arith.extui %sign3A_8 : vector<1x6400xi1> to vector<1x6400xi32>
    %sign3A_10 = arith.subi %sign3A_5, %sign3A_9 : vector<1x6400xi32>
    %sign3A_11 = arith.constant 0 : i32
    %sign3A_12 = arith.cmpi sgt, %jit3A, %sign3A_11 : i32
    %sign3A_13 = arith.extui %sign3A_12 : i1 to i32
    %sign3A_14 = arith.constant 0 : i32
    %sign3A_15 = arith.cmpi slt, %jit3A, %sign3A_14 : i32
    %sign3A_16 = arith.extui %sign3A_15 : i1 to i32
    %sign3A_17 = arith.subi %sign3A_13, %sign3A_16 : i32
    %ne3A = vector.broadcast %sign3A_17 : i32 to vector<1x6400xi32>
    %ne3A_18 = arith.cmpi ne, %sign3A_10, %ne3A : vector<1x6400xi32>
    %rem3A = vector.broadcast %jit3A : i32 to vector<1x6400xi32>
    %rem3A_19 = arith.remsi %get3A_1, %rem3A : vector<1x6400xi32>
    %ne3A_20 = arith.constant 0 : i32
    %ne3A_21 = vector.broadcast %ne3A_20 : i32 to vector<1x6400xi32>
    %ne3A_22 = arith.cmpi ne, %rem3A_19, %ne3A_21 : vector<1x6400xi32>
    %and3A = arith.andi %ne3A_18, %ne3A_22 : vector<1x6400xi1>
    %sub3A = arith.constant 1 : i32
    %sub3A_23 = vector.broadcast %sub3A : i32 to vector<1x6400xi32>
    %sub3A_24 = arith.subi %div3A_2, %sub3A_23 : vector<1x6400xi32>
    %select_n3A = arith.select %and3A, %sub3A_24, %div3A_2 : vector<1x6400xi1>, vector<1x6400xi32>
    %mul3A = arith.constant 128 : i32
    %mul3A_25 = vector.broadcast %mul3A : i32 to vector<1x6400xi32>
    %mul3A_26 = arith.muli %select_n3A, %mul3A_25 : vector<1x6400xi32>
    %sub3A_27 = arith.subi %get3A_1, %mul3A_26 : vector<1x6400xi32>
    %iota3A = tpu.iota {dimensions = array<i32: 0>} : vector<80x6400xi32>
    %iota3A_28 = tpu.iota {dimensions = array<i32: 0>} : vector<128x6400xi32>
    %eq3A = vector.broadcast %select_n3A : vector<1x6400xi32> to vector<80x6400xi32>
    %eq3A_29 = arith.cmpi eq, %eq3A, %iota3A : vector<80x6400xi32>
    %jit3A_30 = arith.constant 1.000000e+00 : f32
    %jit3A_31 = arith.constant 0.000000e+00 : f32
    %broadcast_in_dim3A = vector.broadcast %jit3A_30 : f32 to vector<80x6400xf32>
    %broadcast_in_dim3A_32 = vector.broadcast %jit3A_31 : f32 to vector<80x6400xf32>
    %select_n3A_33 = arith.select %eq3A_29, %broadcast_in_dim3A, %broadcast_in_dim3A_32 : vector<80x6400xi1>, vector<80x6400xf32>
    %convert_element_type3A = arith.truncf %select_n3A_33 : vector<80x6400xf32> to vector<80x6400xbf16>
    %eq3A_34 = vector.broadcast %sub3A_27 : vector<1x6400xi32> to vector<128x6400xi32>
    %eq3A_35 = arith.cmpi eq, %eq3A_34, %iota3A_28 : vector<128x6400xi32>
    %jit3A_36 = arith.constant 1.000000e+00 : f32
    %jit3A_37 = arith.constant 0.000000e+00 : f32
    %broadcast_in_dim3A_38 = vector.broadcast %jit3A_36 : f32 to vector<128x6400xf32>
    %broadcast_in_dim3A_39 = vector.broadcast %jit3A_37 : f32 to vector<128x6400xf32>
    %select_n3A_40 = arith.select %eq3A_35, %broadcast_in_dim3A_38, %broadcast_in_dim3A_39 : vector<128x6400xi1>, vector<128x6400xf32>
    %convert_element_type3A_41 = arith.truncf %select_n3A_40 : vector<128x6400xf32> to vector<128x6400xbf16>
    %dot_general3A = arith.constant dense<0.000000e+00> : vector<80x128xf32>
    %dot_general3A_42 = tpu.matmul %convert_element_type3A, %convert_element_type3A_41, %dot_general3A {dimension_numbers = #tpu.dot_dimension_numbers<[1], [1], [0], [0], [0, 0, 1, 0], [], []>, transpose_lhs_hint = false} : vector<80x6400xbf16>, vector<128x6400xbf16>, vector<80x128xf32> -> vector<80x128xf32>
    %eq3A_43 = arith.constant 0 : i32
    %eq3A_44 = arith.cmpi eq, %arg0, %eq3A_43 : i32
    %convert_element_type3A_45 = arith.extui %eq3A_44 : i1 to i32
    %cond3A = arith.constant 0 : i32
    %cond3A_46 = arith.cmpi ne, %convert_element_type3A_45, %cond3A : i32
    scf.if %cond3A_46 {
      %broadcast_in_dim3A_52 = arith.constant 0.000000e+00 : f32
      %broadcast_in_dim3A_53 = vector.broadcast %broadcast_in_dim3A_52 : f32 to vector<80x128xf32>
      %swap3A_54 = arith.constant 0 : index
      %swap3A_55 = arith.constant 0 : index
      %swap3A_56 = vector.load %arg2[%swap3A_54, %swap3A_55] : memref<80x128xf32, #tpu.memory_space<vmem>>, vector<80x128xf32>
      tpu.vector_store %arg2[%swap3A_54, %swap3A_55], %broadcast_in_dim3A_53 {strides = array<i32>} : memref<80x128xf32, #tpu.memory_space<vmem>>, vector<80x128xf32>,
    } else {
    }
    %get3A_47 = arith.constant 0 : index
    %get3A_48 = arith.constant 0 : index
    %get3A_49 = vector.load %arg2[%get3A_47, %get3A_48] : memref<80x128xf32, #tpu.memory_space<vmem>>, vector<80x128xf32>
    %add3A = arith.addf %get3A_49, %dot_general3A_42 : vector<80x128xf32>
    %swap3A = arith.constant 0 : index
    %swap3A_50 = arith.constant 0 : index
    %swap3A_51 = vector.load %arg2[%swap3A, %swap3A_50] : memref<80x128xf32, #tpu.memory_space<vmem>>, vector<80x128xf32>
    tpu.vector_store %arg2[%swap3A, %swap3A_50], %add3A {strides = array<i32>} : memref<80x128xf32, #tpu.memory_space<vmem>>, vector<80x128xf32>,
    return
  }
  func.func @transform_0(%arg0: i32) -> (i32, i32) {
    %c0_i32 = arith.constant 0 : i32
    %c0_i32_0 = arith.constant 0 : i32
    return %c0_i32, %arg0 : i32, i32
  }
  func.func @transform_1(%arg0: i32) -> (i32, i32) {
    %c0_i32 = arith.constant 0 : i32
    %c0_i32_0 = arith.constant 0 : i32
    %c0_i32_1 = arith.constant 0 : i32
    return %c0_i32, %c0_i32_0 : i32, i32
  }
}

module attributes {stable_mosaic.version = 14 : i64} {
  func.func @_proj_body(%arg0: i32, %arg1: memref<2048x128xf32, #tpu.memory_space<vmem>>, %arg2: memref<128x128xf32, #tpu.memory_space<vmem>>, %arg3: memref<128x128xf32, #tpu.memory_space<vmem>>, %arg4: memref<1x128xf32, #tpu.memory_space<vmem>>, %arg5: memref<2048x128xf32, #tpu.memory_space<vmem>>, %arg6: memref<2048x128xf32, #tpu.memory_space<vmem>>) attributes {dimension_semantics = [#tpu.dimension_semantics<arbitrary>], iteration_bounds = array<i64: 5>, scalar_prefetch = 0 : i64, scratch_operands = 0 : i64, tpu.core_type = #tpu.core_type<tc>, window_params = [{transform_indices = @transform_0, window_bounds = array<i64: 2048, 128>}, {pipeline_mode = #tpu.pipeline_mode<synchronous>, transform_indices = @transform_1, window_bounds = array<i64: 128, 128>}, {pipeline_mode = #tpu.pipeline_mode<synchronous>, transform_indices = @transform_2, window_bounds = array<i64: 128, 128>}, {pipeline_mode = #tpu.pipeline_mode<synchronous>, transform_indices = @transform_3, window_bounds = array<i64: 1, 128>}, {transform_indices = @transform_4, window_bounds = array<i64: 2048, 128>}, {transform_indices = @transform_5, window_bounds = array<i64: 2048, 128>}]} {
    %get3A = arith.constant 0 : index
    %get3A_0 = arith.constant 0 : index
    %get3A_1 = vector.load %arg1[%get3A, %get3A_0] : memref<2048x128xf32, #tpu.memory_space<vmem>>, vector<2048x128xf32>
    %get3A_2 = arith.constant 0 : index
    %get3A_3 = arith.constant 0 : index
    %get3A_4 = vector.load %arg2[%get3A_2, %get3A_3] : memref<128x128xf32, #tpu.memory_space<vmem>>, vector<128x128xf32>
    %dot_general3A = arith.constant dense<0.000000e+00> : vector<2048x128xf32>
    %dot_general3A_5 = tpu.matmul %get3A_1, %get3A_4, %dot_general3A {dimension_numbers = #tpu.dot_dimension_numbers<[1], [0], [0], [1], [0, 0, 1, 1], [], []>, transpose_lhs_hint = false} : vector<2048x128xf32>, vector<128x128xf32>, vector<2048x128xf32> -> vector<2048x128xf32>
    %swap3A = arith.constant 0 : index
    %swap3A_6 = arith.constant 0 : index
    %swap3A_7 = vector.load %arg5[%swap3A, %swap3A_6] : memref<2048x128xf32, #tpu.memory_space<vmem>>, vector<2048x128xf32>
    tpu.vector_store %arg5[%swap3A, %swap3A_6], %dot_general3A_5 {strides = array<i32>} : memref<2048x128xf32, #tpu.memory_space<vmem>>, vector<2048x128xf32>,
    %get3A_8 = arith.constant 0 : index
    %get3A_9 = arith.constant 0 : index
    %get3A_10 = vector.load %arg3[%get3A_8, %get3A_9] : memref<128x128xf32, #tpu.memory_space<vmem>>, vector<128x128xf32>
    %dot_general3A_11 = arith.constant dense<0.000000e+00> : vector<2048x128xf32>
    %dot_general3A_12 = tpu.matmul %get3A_1, %get3A_10, %dot_general3A_11 {dimension_numbers = #tpu.dot_dimension_numbers<[1], [0], [0], [1], [0, 0, 1, 1], [], []>, transpose_lhs_hint = false} : vector<2048x128xf32>, vector<128x128xf32>, vector<2048x128xf32> -> vector<2048x128xf32>
    %get3A_13 = arith.constant 0 : index
    %get3A_14 = arith.constant 0 : index
    %get3A_15 = vector.load %arg4[%get3A_13, %get3A_14] : memref<1x128xf32, #tpu.memory_space<vmem>>, vector<1x128xf32>
    %add3A = vector.broadcast %get3A_15 : vector<1x128xf32> to vector<2048x128xf32>
    %add3A_16 = arith.addf %dot_general3A_12, %add3A : vector<2048x128xf32>
    %swap3A_17 = arith.constant 0 : index
    %swap3A_18 = arith.constant 0 : index
    %swap3A_19 = vector.load %arg6[%swap3A_17, %swap3A_18] : memref<2048x128xf32, #tpu.memory_space<vmem>>, vector<2048x128xf32>
    tpu.vector_store %arg6[%swap3A_17, %swap3A_18], %add3A_16 {strides = array<i32>} : memref<2048x128xf32, #tpu.memory_space<vmem>>, vector<2048x128xf32>,
    return
  }
  func.func @transform_0(%arg0: i32) -> (i32, i32) {
    %c0_i32 = arith.constant 0 : i32
    %c0_i32_0 = arith.constant 0 : i32
    return %arg0, %c0_i32 : i32, i32
  }
  func.func @transform_1(%arg0: i32) -> (i32, i32) {
    %c0_i32 = arith.constant 0 : i32
    %c0_i32_0 = arith.constant 0 : i32
    %c0_i32_1 = arith.constant 0 : i32
    return %c0_i32, %c0_i32_0 : i32, i32
  }
  func.func @transform_2(%arg0: i32) -> (i32, i32) {
    %c0_i32 = arith.constant 0 : i32
    %c0_i32_0 = arith.constant 0 : i32
    %c0_i32_1 = arith.constant 0 : i32
    return %c0_i32, %c0_i32_0 : i32, i32
  }
  func.func @transform_3(%arg0: i32) -> (i32, i32) {
    %c0_i32 = arith.constant 0 : i32
    %c0_i32_0 = arith.constant 0 : i32
    %c0_i32_1 = arith.constant 0 : i32
    return %c0_i32, %c0_i32_0 : i32, i32
  }
  func.func @transform_4(%arg0: i32) -> (i32, i32) {
    %c0_i32 = arith.constant 0 : i32
    %c0_i32_0 = arith.constant 0 : i32
    return %arg0, %c0_i32 : i32, i32
  }
  func.func @transform_5(%arg0: i32) -> (i32, i32) {
    %c0_i32 = arith.constant 0 : i32
    %c0_i32_0 = arith.constant 0 : i32
    return %arg0, %c0_i32 : i32, i32
  }
}

module attributes {stable_mosaic.version = 14 : i64} {
  func.func @_combine_proj_body(%arg0: i32, %arg1: memref<2x2048x128xf32, #tpu.memory_space<vmem>>, %arg2: memref<2048x1xf32, #tpu.memory_space<vmem>>, %arg3: memref<2048x128xf32, #tpu.memory_space<vmem>>, %arg4: memref<128x128xf32, #tpu.memory_space<vmem>>, %arg5: memref<128x128xf32, #tpu.memory_space<vmem>>, %arg6: memref<1x128xf32, #tpu.memory_space<vmem>>, %arg7: memref<2048x128xf32, #tpu.memory_space<vmem>>, %arg8: memref<2048x128xf32, #tpu.memory_space<vmem>>) attributes {dimension_semantics = [#tpu.dimension_semantics<arbitrary>], iteration_bounds = array<i64: 5>, scalar_prefetch = 0 : i64, scratch_operands = 0 : i64, tpu.core_type = #tpu.core_type<tc>, window_params = [{transform_indices = @transform_0, window_bounds = array<i64: 2, 2048, 128>}, {transform_indices = @transform_1, window_bounds = array<i64: 2048, 1>}, {transform_indices = @transform_2, window_bounds = array<i64: 2048, 128>}, {pipeline_mode = #tpu.pipeline_mode<synchronous>, transform_indices = @transform_3, window_bounds = array<i64: 128, 128>}, {pipeline_mode = #tpu.pipeline_mode<synchronous>, transform_indices = @transform_4, window_bounds = array<i64: 128, 128>}, {pipeline_mode = #tpu.pipeline_mode<synchronous>, transform_indices = @transform_5, window_bounds = array<i64: 1, 128>}, {transform_indices = @transform_6, window_bounds = array<i64: 2048, 128>}, {transform_indices = @transform_7, window_bounds = array<i64: 2048, 128>}]} {
    %get3A = arith.constant 0 : index
    %get3A_0 = arith.constant 0 : index
    %get3A_1 = arith.constant 0 : index
    %get3A_2 = vector.load %arg1[%get3A, %get3A_0, %get3A_1] : memref<2x2048x128xf32, #tpu.memory_space<vmem>>, vector<1x2048x128xf32>
    %get3A_3 = vector.shape_cast %get3A_2 : vector<1x2048x128xf32> to vector<2048x128xf32>
    %get3A_4 = arith.constant 1 : index
    %get3A_5 = arith.constant 0 : index
    %get3A_6 = arith.constant 0 : index
    %get3A_7 = vector.load %arg1[%get3A_4, %get3A_5, %get3A_6] : memref<2x2048x128xf32, #tpu.memory_space<vmem>>, vector<1x2048x128xf32>
    %get3A_8 = vector.shape_cast %get3A_7 : vector<1x2048x128xf32> to vector<2048x128xf32>
    %add3A = arith.addf %get3A_3, %get3A_8 : vector<2048x128xf32>
    %get3A_9 = arith.constant 0 : index
    %get3A_10 = arith.constant 0 : index
    %get3A_11 = vector.load %arg2[%get3A_9, %get3A_10] : memref<2048x1xf32, #tpu.memory_space<vmem>>, vector<2048x1xf32>
    %max3A = arith.constant 1.000000e+00 : f32
    %max3A_12 = vector.broadcast %max3A : f32 to vector<2048x1xf32>
    %max3A_13 = arith.maximumf %get3A_11, %max3A_12 : vector<2048x1xf32>
    %div3A = vector.broadcast %max3A_13 : vector<2048x1xf32> to vector<2048x128xf32>
    %div3A_14 = arith.divf %add3A, %div3A : vector<2048x128xf32>
    %get3A_15 = arith.constant 0 : index
    %get3A_16 = arith.constant 0 : index
    %get3A_17 = vector.load %arg3[%get3A_15, %get3A_16] : memref<2048x128xf32, #tpu.memory_space<vmem>>, vector<2048x128xf32>
    %add3A_18 = arith.addf %div3A_14, %get3A_17 : vector<2048x128xf32>
    %max3A_19 = arith.constant 0.000000e+00 : f32
    %max3A_20 = vector.broadcast %max3A_19 : f32 to vector<2048x128xf32>
    %max3A_21 = arith.maximumf %add3A_18, %max3A_20 : vector<2048x128xf32>
    %get3A_22 = arith.constant 0 : index
    %get3A_23 = arith.constant 0 : index
    %get3A_24 = vector.load %arg4[%get3A_22, %get3A_23] : memref<128x128xf32, #tpu.memory_space<vmem>>, vector<128x128xf32>
    %dot_general3A = arith.constant dense<0.000000e+00> : vector<2048x128xf32>
    %dot_general3A_25 = tpu.matmul %max3A_21, %get3A_24, %dot_general3A {dimension_numbers = #tpu.dot_dimension_numbers<[1], [0], [0], [1], [0, 0, 1, 1], [], []>, transpose_lhs_hint = false} : vector<2048x128xf32>, vector<128x128xf32>, vector<2048x128xf32> -> vector<2048x128xf32>
    %swap3A = arith.constant 0 : index
    %swap3A_26 = arith.constant 0 : index
    %swap3A_27 = vector.load %arg7[%swap3A, %swap3A_26] : memref<2048x128xf32, #tpu.memory_space<vmem>>, vector<2048x128xf32>
    tpu.vector_store %arg7[%swap3A, %swap3A_26], %dot_general3A_25 {strides = array<i32>} : memref<2048x128xf32, #tpu.memory_space<vmem>>, vector<2048x128xf32>,
    %get3A_28 = arith.constant 0 : index
    %get3A_29 = arith.constant 0 : index
    %get3A_30 = vector.load %arg5[%get3A_28, %get3A_29] : memref<128x128xf32, #tpu.memory_space<vmem>>, vector<128x128xf32>
    %dot_general3A_31 = arith.constant dense<0.000000e+00> : vector<2048x128xf32>
    %dot_general3A_32 = tpu.matmul %max3A_21, %get3A_30, %dot_general3A_31 {dimension_numbers = #tpu.dot_dimension_numbers<[1], [0], [0], [1], [0, 0, 1, 1], [], []>, transpose_lhs_hint = false} : vector<2048x128xf32>, vector<128x128xf32>, vector<2048x128xf32> -> vector<2048x128xf32>
    %get3A_33 = arith.constant 0 : index
    %get3A_34 = arith.constant 0 : index
    %get3A_35 = vector.load %arg6[%get3A_33, %get3A_34] : memref<1x128xf32, #tpu.memory_space<vmem>>, vector<1x128xf32>
    %add3A_36 = vector.broadcast %get3A_35 : vector<1x128xf32> to vector<2048x128xf32>
    %add3A_37 = arith.addf %dot_general3A_32, %add3A_36 : vector<2048x128xf32>
    %swap3A_38 = arith.constant 0 : index
    %swap3A_39 = arith.constant 0 : index
    %swap3A_40 = vector.load %arg8[%swap3A_38, %swap3A_39] : memref<2048x128xf32, #tpu.memory_space<vmem>>, vector<2048x128xf32>
    tpu.vector_store %arg8[%swap3A_38, %swap3A_39], %add3A_37 {strides = array<i32>} : memref<2048x128xf32, #tpu.memory_space<vmem>>, vector<2048x128xf32>,
    return
  }
  func.func @transform_0(%arg0: i32) -> (i32, i32, i32) {
    %c0_i32 = arith.constant 0 : i32
    %c0_i32_0 = arith.constant 0 : i32
    %c0_i32_1 = arith.constant 0 : i32
    return %c0_i32, %arg0, %c0_i32_0 : i32, i32, i32
  }
  func.func @transform_1(%arg0: i32) -> (i32, i32) {
    %c0_i32 = arith.constant 0 : i32
    %c0_i32_0 = arith.constant 0 : i32
    return %arg0, %c0_i32 : i32, i32
  }
  func.func @transform_2(%arg0: i32) -> (i32, i32) {
    %c0_i32 = arith.constant 0 : i32
    %c0_i32_0 = arith.constant 0 : i32
    return %arg0, %c0_i32 : i32, i32
  }
  func.func @transform_3(%arg0: i32) -> (i32, i32) {
    %c0_i32 = arith.constant 0 : i32
    %c0_i32_0 = arith.constant 0 : i32
    %c0_i32_1 = arith.constant 0 : i32
    return %c0_i32, %c0_i32_0 : i32, i32
  }
  func.func @transform_4(%arg0: i32) -> (i32, i32) {
    %c0_i32 = arith.constant 0 : i32
    %c0_i32_0 = arith.constant 0 : i32
    %c0_i32_1 = arith.constant 0 : i32
    return %c0_i32, %c0_i32_0 : i32, i32
  }
  func.func @transform_5(%arg0: i32) -> (i32, i32) {
    %c0_i32 = arith.constant 0 : i32
    %c0_i32_0 = arith.constant 0 : i32
    %c0_i32_1 = arith.constant 0 : i32
    return %c0_i32, %c0_i32_0 : i32, i32
  }
  func.func @transform_6(%arg0: i32) -> (i32, i32) {
    %c0_i32 = arith.constant 0 : i32
    %c0_i32_0 = arith.constant 0 : i32
    return %arg0, %c0_i32 : i32, i32
  }
  func.func @transform_7(%arg0: i32) -> (i32, i32) {
    %c0_i32 = arith.constant 0 : i32
    %c0_i32_0 = arith.constant 0 : i32
    return %arg0, %c0_i32 : i32, i32
  }
}

module attributes {stable_mosaic.version = 14 : i64} {
  func.func @_combine_body(%arg0: i32, %arg1: memref<2x2048x128xf32, #tpu.memory_space<vmem>>, %arg2: memref<2048x1xf32, #tpu.memory_space<vmem>>, %arg3: memref<2048x128xf32, #tpu.memory_space<vmem>>, %arg4: memref<2048x128xf32, #tpu.memory_space<vmem>>) attributes {dimension_semantics = [#tpu.dimension_semantics<arbitrary>], iteration_bounds = array<i64: 5>, scalar_prefetch = 0 : i64, scratch_operands = 0 : i64, tpu.core_type = #tpu.core_type<tc>, window_params = [{transform_indices = @transform_0, window_bounds = array<i64: 2, 2048, 128>}, {transform_indices = @transform_1, window_bounds = array<i64: 2048, 1>}, {transform_indices = @transform_2, window_bounds = array<i64: 2048, 128>}, {transform_indices = @transform_3, window_bounds = array<i64: 2048, 128>}]} {
    %get3A = arith.constant 0 : index
    %get3A_0 = arith.constant 0 : index
    %get3A_1 = arith.constant 0 : index
    %get3A_2 = vector.load %arg1[%get3A, %get3A_0, %get3A_1] : memref<2x2048x128xf32, #tpu.memory_space<vmem>>, vector<1x2048x128xf32>
    %get3A_3 = vector.shape_cast %get3A_2 : vector<1x2048x128xf32> to vector<2048x128xf32>
    %get3A_4 = arith.constant 1 : index
    %get3A_5 = arith.constant 0 : index
    %get3A_6 = arith.constant 0 : index
    %get3A_7 = vector.load %arg1[%get3A_4, %get3A_5, %get3A_6] : memref<2x2048x128xf32, #tpu.memory_space<vmem>>, vector<1x2048x128xf32>
    %get3A_8 = vector.shape_cast %get3A_7 : vector<1x2048x128xf32> to vector<2048x128xf32>
    %add3A = arith.addf %get3A_3, %get3A_8 : vector<2048x128xf32>
    %get3A_9 = arith.constant 0 : index
    %get3A_10 = arith.constant 0 : index
    %get3A_11 = vector.load %arg2[%get3A_9, %get3A_10] : memref<2048x1xf32, #tpu.memory_space<vmem>>, vector<2048x1xf32>
    %max3A = arith.constant 1.000000e+00 : f32
    %max3A_12 = vector.broadcast %max3A : f32 to vector<2048x1xf32>
    %max3A_13 = arith.maximumf %get3A_11, %max3A_12 : vector<2048x1xf32>
    %div3A = vector.broadcast %max3A_13 : vector<2048x1xf32> to vector<2048x128xf32>
    %div3A_14 = arith.divf %add3A, %div3A : vector<2048x128xf32>
    %get3A_15 = arith.constant 0 : index
    %get3A_16 = arith.constant 0 : index
    %get3A_17 = vector.load %arg3[%get3A_15, %get3A_16] : memref<2048x128xf32, #tpu.memory_space<vmem>>, vector<2048x128xf32>
    %add3A_18 = arith.addf %div3A_14, %get3A_17 : vector<2048x128xf32>
    %max3A_19 = arith.constant 0.000000e+00 : f32
    %max3A_20 = vector.broadcast %max3A_19 : f32 to vector<2048x128xf32>
    %max3A_21 = arith.maximumf %add3A_18, %max3A_20 : vector<2048x128xf32>
    %reduce_max3A = arith.constant dense<0xFF800000> : vector<2048xf32>
    %reduce_max3A_22 = vector.multi_reduction <maximumf>, %max3A_21, %reduce_max3A [1] : vector<2048x128xf32> to vector<2048xf32>
    %broadcast_in_dim3A = vector.shape_cast %reduce_max3A_22 : vector<2048xf32> to vector<2048x1xf32>
    %sub3A = vector.broadcast %broadcast_in_dim3A : vector<2048x1xf32> to vector<2048x128xf32>
    %sub3A_23 = arith.subf %max3A_21, %sub3A : vector<2048x128xf32>
    %exp3A = math.exp %sub3A_23 : vector<2048x128xf32>
    %reduce_sum3A = arith.constant dense<0.000000e+00> : vector<2048xf32>
    %reduce_sum3A_24 = vector.multi_reduction <add>, %exp3A, %reduce_sum3A [1] : vector<2048x128xf32> to vector<2048xf32>
    %broadcast_in_dim3A_25 = vector.shape_cast %reduce_sum3A_24 : vector<2048xf32> to vector<2048x1xf32>
    %log3A = math.log %broadcast_in_dim3A_25 : vector<2048x1xf32>
    %add3A_26 = arith.addf %log3A, %broadcast_in_dim3A : vector<2048x1xf32>
    %sub3A_27 = vector.broadcast %add3A_26 : vector<2048x1xf32> to vector<2048x128xf32>
    %sub3A_28 = arith.subf %max3A_21, %sub3A_27 : vector<2048x128xf32>
    %swap3A = arith.constant 0 : index
    %swap3A_29 = arith.constant 0 : index
    %swap3A_30 = vector.load %arg4[%swap3A, %swap3A_29] : memref<2048x128xf32, #tpu.memory_space<vmem>>, vector<2048x128xf32>
    tpu.vector_store %arg4[%swap3A, %swap3A_29], %sub3A_28 {strides = array<i32>} : memref<2048x128xf32, #tpu.memory_space<vmem>>, vector<2048x128xf32>,
    return
  }
  func.func @transform_0(%arg0: i32) -> (i32, i32, i32) {
    %c0_i32 = arith.constant 0 : i32
    %c0_i32_0 = arith.constant 0 : i32
    %c0_i32_1 = arith.constant 0 : i32
    return %c0_i32, %arg0, %c0_i32_0 : i32, i32, i32
  }
  func.func @transform_1(%arg0: i32) -> (i32, i32) {
    %c0_i32 = arith.constant 0 : i32
    %c0_i32_0 = arith.constant 0 : i32
    return %arg0, %c0_i32 : i32, i32
  }
  func.func @transform_2(%arg0: i32) -> (i32, i32) {
    %c0_i32 = arith.constant 0 : i32
    %c0_i32_0 = arith.constant 0 : i32
    return %arg0, %c0_i32 : i32, i32
  }
  func.func @transform_3(%arg0: i32) -> (i32, i32) {
    %c0_i32 = arith.constant 0 : i32
    %c0_i32_0 = arith.constant 0 : i32
    return %arg0, %c0_i32 : i32, i32
  }
}

</mosaic_0001>

<sc_bundles>
// kernel: kernel.11.cloned.1.call-start
scs
__scs_entry_jumppad:
0x0: {  	(pc) =	sbr.rel $0x88, $3  }
0x1: {  	(tag) =	ssettag $0x0;
	lr =	simm.s32 $0x1  }
0x2: {  	[smem:$0x3F99] =	sst lr;
	_ =	strace $0xD0000000  }
0x3: {  	_ = 	snop  }
0x4: {  	_ = 	snop  }
0x5: {  	_ = 	snop  }
0x6: {  	_ = 	snop  }
0x7: {  	_ = 	snop  }
__scs_overlays_trampoline_lowered:
0x8: {  	[smem:$0x3FA8] =	sst s0  }
0x9: {  	[smem:$0x3FA9] =	sst s1  }
0xa: {  	[smem:$0x3FAA] =	sst s2  }
0xb: {  	[smem:$0x3FAB] =	sst s3  }
0xc: {  	[smem:$0x3FAC] =	sst s4  }
0xd: {  	[smem:$0x3FAD] =	sst s5  }
0xe: {  	[smem:$0x3FAE] =	sst s6  }
0xf: {  	[smem:$0x3FAF] =	sst s7  }
0x10: {  	[smem:$0x3FB0] =	sst s8  }
0x11: {  	[smem:$0x3FB1] =	sst s9;
	s0 =	simm.s32 @!p0 $0x0  }
0x12: {  	s1 =	sld [smem:$0x3F97];
	s0 =	simm.s32 @p0 $0x1  }
0x13: {  	[smem:$0x3FB2] =	sst s0;
	s0 =	simm.s32 @!p1 $0x0  }
0x14: {  	s2 =	sld [smem:$0x3F96];
	s0 =	simm.s32 @p1 $0x1  }
0x15: {  	[smem:$0x3FB3] =	sst s0;
	s0 =	simm.s32 @!p2 $0x0  }
0x16: {  	s3 =	sld [smem:$0x3FDB];
	s0 =	simm.s32 @p2 $0x1  }
0x17: {  	s4 =	simm.s32 $0x1BF5;
	[smem:$0x3FB5] =	sst s0  }
0x18: {  	s0 =	sld [smem:$0x3F98];
	_ =	swait.ge [sflag:s4], $0x0  }
0x19: {  	s7 =	sld [smem:$0x3F99]  }
0x1a: {  	s8 =	sadd.s32 $0xFFFFE003, lr  }
0x1b: {  	s9 =	sadd.s32 $0xFFFFFEF7, lr;
	s5 =	simm.s32 $0xFFFFFFFF;
	p2 =	slt.u32 s8, $0xFFFFF086  }
0x1c: {  	p1 =	slt.u32 s9, $0xF7A;
	s5 =	simm.s32 @!p2 $0x0  }
0x1d: {  	s5 =	simm.s32 @p1 $0x1;
	p0 =	seq.s32 s7, s2  }
0x1e: {  	s7 =	smul.u32 @!p0 $0xF7A, s2;
	p2 =	seq.s32 @!p0 s5, $0x0  }
0x1f: {  	s9 =	smul.u32 $0xF7A, s1;
	s8 =	simm.s32 @!p0 $0x1BF5;
	p2 =	por !p2, p0  }
0x20: {  	[sflag:s8] =	ssyncset.s32 @!p0 $0xFFFFF086;
	s6 =	sadd.s32 @!p0 s3, s7;
	s7 =	simm.s32 @!p0 $0x108  }
0x21: {  	s3 =	sadd.s32 s3, s9;
	s6 =	sadd.s32 @!p0 $0x88, s6;
	s7 =	simm.s32 @p2 $0x1082  }
0x22: {  	[simem:s7], [sflag:s8] =	dma.local @!p0 [hbm:s6], $0xF7A  }
0x23: {  	s9 =	sor.u32 $0xD0000000, s2;
	s6 =	simm.s32 $0x108;
	_ =	swait.ge @!p0 [sflag:s8], $0x0  }
0x24: {  	s3 =	sadd.s32 $0x88, s3;
	s6 =	simm.s32 @!p1 $0x1082;
	[sflag:s4] =	ssyncset.s32 $0xFFFFF086  }
0x25: {  	[simem:s6], [sflag:s4] =	dma.local [hbm:s3], $0xF7A  }
0x26: {  	[smem:$0x3F99] =	sst s1;
	(tag) =	ssettag s2;
	_ =	strace s9  }
0x27: {  	s1 =	sld [smem:$0x3FA9]  }
0x28: {  	s2 =	sld [smem:$0x3FAA]  }
0x29: {  	s4 =	sld [smem:$0x3FAC]  }
0x2a: {  	p0 =	seq.s32 s5, $0x0;
	s5 =	sld [smem:$0x3FAD]  }
0x2b: {  	s6 =	sld [smem:$0x3FAE]  }
0x2c: {  	s7 =	sld [smem:$0x3FAF]  }
0x2d: {  	s3 =	simm.s32 $0x108;
	s8 =	sld [smem:$0x3FB0]  }
0x2e: {  	s3 =	simm.s32 @!p0 $0x1082;
	s9 =	sld [smem:$0x3FB1]  }
0x2f: {  	lr =	sadd.s32 s0, s3;
	s0 =	sld [smem:$0x3FA8]  }
0x30: {  	s3 =	sld [smem:$0x3FAB]  }
0x31: {  	[smem:$0x3FB4] =	sst s10  }
0x32: {  	s10 =	sld [smem:$0x3FB2];
	_ =	sdelay $0x3  }
0x33: {  	p0 =	seq.s32 s10, $0x1;
	s10 =	sld [smem:$0x3FB4];
	_ =	sdelay $0x3  }
0x34: {  	[smem:$0x3FB4] =	sst s10  }
0x35: {  	s10 =	sld [smem:$0x3FB3];
	_ =	sdelay $0x3  }
0x36: {  	p1 =	seq.s32 s10, $0x1;
	s10 =	sld [smem:$0x3FB4];
	_ =	sdelay $0x3  }
0x37: {  	[smem:$0x3FB4] =	sst s10  }
0x38: {  	s10 =	sld [smem:$0x3FB5]  }
0x39: {  	_ = 	snop;
	(pc) =	sbr.ind lr, $3  }
0x3a: {  	_ = 	snop  }
0x3b: {  	_ = 	snop  }
0x3c: {  	p2 =	seq.s32 s10, $0x1;
	s10 =	sld [smem:$0x3FB4]  }
0x3d: {  	_ =	shalt  }
0x3e: {  	_ =	shalt  }
0x3f: {  	_ =	shalt  }
0x40: {  	_ =	shalt  }
0x41: {  	_ =	shalt  }
0x42: {  	_ =	shalt  }
0x43: {  	_ =	shalt  }
0x44: {  	_ =	shalt  }
0x45: {  	_ =	shalt  }
0x46: {  	_ =	shalt  }
0x47: {  	_ =	shalt  }
0x48: {  	_ =	shalt  }
0x49: {  	_ =	shalt  }
0x4a: {  	_ =	shalt  }
0x4b: {  	_ =	shalt  }
0x4c: {  	_ =	shalt  }
0x4d: {  	_ =	shalt  }
0x4e: {  	_ =	shalt  }
0x4f: {  	_ =	shalt  }
0x50: {  	_ =	shalt  }
0x51: {  	_ =	shalt  }
0x52: {  	_ =	shalt  }
0x53: {  	_ =	shalt  }
0x54: {  	_ =	shalt  }
0x55: {  	_ =	shalt  }
0x56: {  	_ =	shalt  }
0x57: {  	_ =	shalt  }
0x58: {  	_ =	shalt  }
0x59: {  	_ =	shalt  }
0x5a: {  	_ =	shalt  }
0x5b: {  	_ =	shalt  }
0x5c: {  	_ =	shalt  }
0x5d: {  	_ =	shalt  }
0x5e: {  	_ =	shalt  }
0x5f: {  	_ =	shalt  }
0x60: {  	_ =	shalt  }
0x61: {  	_ =	shalt  }
0x62: {  	_ =	shalt  }
0x63: {  	_ =	shalt  }
0x64: {  	_ =	shalt  }
0x65: {  	_ =	shalt  }
0x66: {  	_ =	shalt  }
0x67: {  	_ =	shalt  }
0x68: {  	_ =	shalt  }
0x69: {  	_ =	shalt  }
0x6a: {  	_ =	shalt  }
0x6b: {  	_ =	shalt  }
0x6c: {  	_ =	shalt  }
0x6d: {  	_ =	shalt  }
0x6e: {  	_ =	shalt  }
0x6f: {  	_ =	shalt  }
0x70: {  	_ =	shalt  }
0x71: {  	_ =	shalt  }
0x72: {  	_ =	shalt  }
0x73: {  	_ =	shalt  }
0x74: {  	_ =	shalt  }
0x75: {  	_ =	shalt  }
0x76: {  	_ =	shalt  }
0x77: {  	_ =	shalt  }
0x78: {  	_ =	shalt  }
0x79: {  	_ =	shalt  }
0x7a: {  	_ =	shalt  }
0x7b: {  	_ =	shalt  }
0x7c: {  	_ =	shalt  }
0x7d: {  	_ =	shalt  }
0x7e: {  	_ =	shalt  }
0x7f: {  	_ =	shalt  }
0x80: {  	_ =	shalt  }
0x81: {  	_ =	shalt  }
0x82: {  	_ =	shalt  }
0x83: {  	_ =	shalt  }
0x84: {  	_ =	shalt  }
0x85: {  	_ =	shalt  }
0x86: {  	_ =	shalt  }
0x87: {  	_ =	shalt  }
.Lfunc_end0:
.L_simem_size_0:
called_computation.1_lowered:
.L_overlay_start_0:
0x88: {  	s2 =	sld [smem:$0x3FD9]  }
0x89: {  	s3 =	sld [smem:$0x3FFE];
	_ =	sdelay $0x1  }
0x8a: {  	s1 =	srdreg.scid  }
0x8b: {  	s0 =	sand.u32 $0x1, s1  }
0x8c: {  	s17 =	sshll.u32 s0, $0xA;
	s2 =	sadd.s32 s3, s2  }
0x8d: {  	s2 =	sadd.s32 s2, s17  }
0x8e: {  	[smem:$0x3FC0] =	sst s2  }
0x8f: {  	_ = 	snop  }
0x90: {  	s2 =	sld [smem:$0x3FD0];
	(tm) =	ssettm $0x1  }
0x91: {  	s18 =	sld [smem:$0x3FFB];
	_ =	sdelay $0x3  }
0x92: {  	_ =	strace s18  }
0x93: {  	s3 =	sld [smem:$0x3FFC];
	_ =	sdelay $0x3  }
0x94: {  	_ =	strace s3  }
0x95: {  	s3 =	sld [smem:$0x3FFD];
	_ =	sdelay $0x3  }
0x96: {  	_ =	strace s3  }
0x97: {  	_ =	strace $0x8FFFFFFF  }
0x98: {  	s19 =	sld [smem:$0x3FDB];
	_ =	sdelay $0x1  }
0x99: {  	s4 =	simm.s32 $_scs_section_size  }
0x9a: {  	s5 =	simm.s32 $_size__tile_overlayer_lowered;
	s6 =	simm.s32 $_tile_overlayer_lowered  }
0x9b: {  	s22 =	simm.s32 $0x1BFF;
	s21 =	sshll.u32 s6, $0x1;
	s3 =	sadd.s32 s4, s19  }
0x9c: {  	s7 =	simm.s32 $0x0;
	s20 =	sshll.u32 s5, $0x1;
	s5 =	sadd.s32 s21, s3  }
0x9d: {  	[timem:s7], [sflag:s22] =	dma.local [hbm:s5], s20  }
0x9e: {  	_ =	swait.ge [sflag:s22], s20  }
0x9f: {  	s4 =	ssub.s32 $0x0, s20;
	[sflag:s22] =	ssyncset.done $0x0  }
0xa0: {  	[sflag:s22] =	ssyncadd.s32 s4;
	_ =	sdelay $0x1  }
0xa1: {  	s23 =	simm.s32 $0x1B8B  }
0xa2: {  	_ =	swait.ge [sflag:s23], $0x1  }
0xa3: {  	[sflag:s23] =	ssyncset.done $0x0  }
0xa4: {  	s25 =	simm.s32 $0x1B8E;
	s24 =	sld [smem:$0x3FFE];
	[sflag:s23] =	ssyncadd.s32 $0xFFFFFFFF  }
0xa5: {  	s26 =	simm.s32 $execute0_lowered;
	[smem:$0x3FD2] =	sst s25  }
0xa6: {  	s5 =	sshll.u32 s26, $0x1;
	_ =	strace $0x80000049;
	[dreg:$0x1] =	wrdreg $0xFFFFFFFF  }
0xa7: {  	s28 =	simm.s32 $_size_execute0_lowered;
	s3 =	sadd.s32 s3, s5;
	[dreg:$0x0] =	wrdreg $0x0  }
0xa8: {  	s5 =	sshll.u32 s28, $0x1;
	[dreg:$0x2] =	wrdreg s3  }
0xa9: {  	[dreg:$0x3] =	wrdreg s5  }
0xaa: {  	[dreg:$0x4] =	wrdreg $0xC0  }
0xab: {  	_ =	task [dreg:s7], $0x5FFFF  }
0xac: {  	[dreg:$0x1] =	wrdreg $0xFFFFFFFF  }
0xad: {  	[dreg:$0x0] =	wrdreg $0x60  }
0xae: {  	[dreg:$0x2] =	wrdreg s24  }
0xaf: {  	[dreg:$0x3] =	wrdreg s2  }
0xb0: {  	[dreg:$0x4] =	wrdreg $0xA6000  }
0xb1: {  	[dreg:$0x5] =	wrdreg $0x9  }
0xb2: {  	_ =	task.clear_ibuf [dreg:s7], $0x6FFFF;
	_ =	strace $0x90000049  }
0xb3: {  	s29 =	simm.s32 $0x9;
	_ =	strace $0x8000004B  }
0xb4: {  	_ =	swait.ge [sflag:s29], $0x1  }
0xb5: {  	[sflag:s29] =	ssyncadd.s32 $0xFFFFFFFF  }
0xb6: {  	_ =	strace $0x9000004B  }
0xb7: {  	_ =	sfence  }
0xb8: {  	s30 =	sld [smem:$0x0];
	_ =	sdelay $0x2  }
0xb9: {  	s31 =	sshll.u32 s1, $0xD;
	s1 =	sshrl.u32 s1, $0x2  }
0xba: {  	s3 =	sand.u32 $0x4000, s31;
	s1 =	sadd.s32 s1, s30  }
0xbb: {  	s0 =	sor.u32 s3, s0;
	s1 =	sshll.u32 s1, $0x11  }
0xbc: {  	s0 =	sor.u32 s1, s0  }
0xbd: {  	s0 =	sadd.s32 $0x8F2B, s0  }
0xbe: {  	[sflag:s0] =	ssyncadd.remote.s32 $0x1  }
0xbf: {  	_ =	sfence.sel $0xFFFF  }
0xc0: {  	[dreg:$0x0] =	wrdreg $0xFFFFFFFF;
	(pc) =	sbr.abs _section_cstart, $3  }
0xc1: {  	[dreg:$0x1] =	wrdreg $0xFFFFFFFF  }
0xc2: {  	_ =	task.clear_ibuf [dreg:s7], $0x2FFFF;
	_ =	strace $0x9FFFFFFF  }
0xc3: {  	(tm) =	ssettm $0x7FFFFFFF  }
tec
execute0_lowered:
.L_overlay_start_1:
0x0: {  	(tag) =	ssettag $0x1  }
0x1: {  	s0 =	rddreg [dreg:$0x0]  }
0x2: {  	s1 =	rddreg [dreg:$0x1]  }
0x3: {  	s2 =	rddreg [dreg:$0x2]  }
0x4: {  	s4 =	srdreg.scid;
	s11 =	stileid.u32  }
0x5: {  	s3 =	simm.s32 $0x0;
	s31 =	simm.s32 $0x1;
	s5 =	smul.u32 $0x2800, s11  }
0x6: {  	s28 =	simm.s32 $0xC;
	s6 =	sand.u32 $0x1, s4;
	s13 =	smul.u32 $0x50000, s11  }
0x7: {  	s29 =	simm.s32 $0xD;
	s30 =	simm.s32 $0xE;
	s7 =	smul.u32 $0x28000, s6  }
0x8: {  	[smem:$0x7FF] =	sst s3;
	s4 =	sadd.s32 $0xB400, s0;
	s8 =	sadd.s32 $0x1600, s0  }
0x9: {  	_ =	strace $0x8000004A;
	s5 =	sadd.s32 s5, s7;
	s7 =	sshrl.u32 s13, $0x2  }
0xa: {  	s14 =	ssub.s32 $0x2, s6;
	s0 =	sadd.s32 s5, s0;
	s5 =	sadd.s32 s7, s2  }
0xb: {  	s10 =	sshll.u32 s6, $0x4;
	s6 =	smul.u32 $0x27100, s6;
	s16 =	sadd.s32 $0x2800, s5  }
0xc: {  	s9 =	sshrl.u32 s14, $0x1;
	s17 =	sadd.s32 $0x5000, s5;
	[dreg:$0x4] =	wrdreg s16  }
0xd: {  	s10 =	sor.u32 s11, s10;
	s18 =	sadd.s32 $0x7800, s5;
	[dreg:$0x5] =	wrdreg s17  }
0xe: {  	s11 =	smul.u32 $0x2710, s11;
	s19 =	sadd.s32 $0xA000, s5;
	[dreg:$0x6] =	wrdreg s18  }
0xf: {  	s9 =	ssub.s32 s14, s9;
	s20 =	sadd.s32 $0xC800, s5;
	[dreg:$0x7] =	wrdreg s19  }
0x10: {  	s15 =	smul.u32 $0x2710, s10;
	s21 =	sadd.s32 $0xF000, s5;
	[dreg:$0x8] =	wrdreg s20  }
0x11: {  	s6 =	sadd.s32 s11, s6;
	s22 =	sadd.s32 $0x11800, s5;
	[dreg:$0x9] =	wrdreg s21  }
0x12: {  	s7 =	sshrl.u32 s15, $0x3;
	s6 =	sadd.s32 $0xF0, s6;
	[dreg:$0xa] =	wrdreg s22  }
0x13: {  	s23 =	sadd.s32 $0xA, s7;
	s12 =	sadd.s32 s8, s7;
	s24 =	sadd.s32 s1, s7  }
0x14: {  	s7 =	sadd.s32 $0x14, s7;
	s19 =	sadd.s32 $0x33400, s0;
	s20 =	smax.u32 s9, $0x1  }
0x15: {  	s26 =	sshrl.u32 s6, $0x3;
	s0 =	simm.s32 $0x50;
	[dreg:$0xb] =	wrdreg s12  }
.Ltmp0:
0x16: {  	s6 =	simm.s32 $0x0;
	[dreg:$0xc] =	wrdreg s24;
	(pc) =	sbr.rel .LBB2_1-.Ltmp0, $4  }
0x17: {  	s25 =	sadd.s32 s8, s23;
	s16 =	sadd.s32 s1, s23;
	s17 =	sadd.s32 s8, s7  }
0x18: {  	s18 =	sadd.s32 s1, s7;
	s11 =	sadd.s32 s26, s1;
	s10 =	sadd.s32 s26, s8  }
0x19: {  	s23 =	simm.s32 $0x600;
	s24 =	simm.s32 $0xF;
	s26 =	simm.s32 $0x100  }
0x1a: {  	v0 =	vimm.f32 $0.0e+00;
	s1 =	simm.s32 $0x2;
	[dreg:$0xd] =	wrdreg s25;
	s25 =	simm.s32 $0xB  }
.LBB2_10:
0x1b: {  	_ =	swait.ge [sflag:s28], $0x2800  }
0x1c: {  	[sflag:s28] =	ssyncset.done $0x0  }
0x1d: {  	[sflag:s28] =	ssyncadd.s32 $0xFFFFD800  }
0x1e: {  	_ =	swait.ge [sflag:s29], $0x2800  }
0x1f: {  	[sflag:s29] =	ssyncset.done $0x0  }
0x20: {  	[sflag:s29] =	ssyncadd.s32 $0xFFFFD800  }
0x21: {  	_ =	swait.ge [sflag:s30], $0x2800  }
0x22: {  	[sflag:s30] =	ssyncset.done $0x0  }
0x23: {  	[sflag:s30] =	ssyncadd.s32 $0xFFFFD800  }
0x24: {  	s7 =	stileid.u32;
	_ =	swait.ge [sflag:s25], $0x2800  }
0x25: {  	s8 =	sshrl.u32 s5, $0x3;
	s6 =	sadd.s32 $0x1, s6;
	[sflag:s25] =	ssyncset.done $0x0  }
0x26: {  	s7 =	sshll.u32 s7, $0x6;
	p0 =	sne.s32 s6, s20;
	[sflag:s25] =	ssyncadd.s32 $0xFFFFD800  }
.Ltmp1:
0x27: {  	s7 =	sor.u32 $0x1C0F, s7;
	[bflag:$0x0] =	sbarrier.arrive $0xFFFF;
	(pc) =	sbr.rel @!p0 .LBB2_11-.Ltmp1, $4  }
0x28: {  	[hbm:s19], [sflag:s7] =	dma.local [spmem:s8], $0x2800  }
0x29: {  	_ =	swait.ge [sflag:s24], $0x2800  }
0x2a: {  	[sflag:s24] =	ssyncset.done $0x0  }
0x2b: {  	[sflag:s24] =	ssyncadd.s32 $0xFFFFD800  }
.LBB2_1:
0x2c: {  	s7 =	simm.s32 $0x0;
	s8 =	simm.s32 $0x200  }
.LBB2_2:
0x2d: {  	p0 =	sne.s32 s8, $0x9E00;
	[tilespmem:s7+$0x670] =	vst v0  }
0x2e: {  	[tilespmem:s7+$0x600] =	vst v0  }
0x2f: {  	[tilespmem:s7+$0x610] =	vst v0  }
.Ltmp2:
0x30: {  	[tilespmem:s7+$0x620] =	vst v0;
	(pc) =	sbr.rel @p0 .LBB2_2-.Ltmp2, $4  }
0x31: {  	[tilespmem:s7+$0x630] =	vst v0  }
0x32: {  	[tilespmem:s7+$0x640] =	vst v0  }
0x33: {  	[tilespmem:s7+$0x650] =	vst v0  }
0x34: {  	[tilespmem:s7+$0x660] =	vst v0;
	s7 =	sshra.s32 s8, $0x2;
	s8 =	sadd.s32 $0x200, s8  }
0x35: {  	[tilespmem:s7+$0x670] =	vst v0  }
0x36: {  	[tilespmem:s7+$0x600] =	vst v0  }
0x37: {  	[tilespmem:s7+$0x610] =	vst v0  }
0x38: {  	[tilespmem:s7+$0x620] =	vst v0  }
0x39: {  	[tilespmem:s7+$0x630] =	vst v0  }
0x3a: {  	[tilespmem:s7+$0x640] =	vst v0  }
0x3b: {  	[tilespmem:s7+$0x650] =	vst v0  }
0x3c: {  	[tilespmem:s7+$0x660] =	vst v0  }
0x3d: {  	[spmem:s5] =	stream.linear.scatter [tilespmem:s23], [sflag:$0xF], $0x2800, $0x38;
	[tilespmem:$0x1E600] =	vst v63  }
0x3e: {  	_ =	swait.ge [sflag:s24], $0x2800  }
0x3f: {  	[sflag:s24] =	ssyncset.done $0x0  }
0x40: {  	s13 =	rddreg [dreg:$0x4];
	[sflag:s24] =	ssyncadd.s32 $0xFFFFD800  }
0x41: {  	[spmem:s13] =	stream.linear.scatter [tilespmem:s23], [sflag:$0xF], $0x2800, $0x38;
	[tilespmem:$0x1E600] =	vst v63  }
0x42: {  	_ =	swait.ge [sflag:s24], $0x2800  }
0x43: {  	[sflag:s24] =	ssyncset.done $0x0  }
0x44: {  	s14 =	rddreg [dreg:$0x5];
	[sflag:s24] =	ssyncadd.s32 $0xFFFFD800  }
0x45: {  	[spmem:s14] =	stream.linear.scatter [tilespmem:s23], [sflag:$0xF], $0x2800, $0x38;
	[tilespmem:$0x1E600] =	vst v63  }
0x46: {  	_ =	swait.ge [sflag:s24], $0x2800  }
0x47: {  	[sflag:s24] =	ssyncset.done $0x0  }
0x48: {  	s15 =	rddreg [dreg:$0x6];
	[sflag:s24] =	ssyncadd.s32 $0xFFFFD800  }
0x49: {  	[spmem:s15] =	stream.linear.scatter [tilespmem:s23], [sflag:$0xF], $0x2800, $0x38;
	[tilespmem:$0x1E600] =	vst v63  }
0x4a: {  	_ =	swait.ge [sflag:s24], $0x2800  }
0x4b: {  	[sflag:s24] =	ssyncset.done $0x0  }
0x4c: {  	s21 =	rddreg [dreg:$0x7];
	[sflag:s24] =	ssyncadd.s32 $0xFFFFD800  }
0x4d: {  	[spmem:s21] =	stream.linear.scatter [tilespmem:s23], [sflag:$0xF], $0x2800, $0x38;
	[tilespmem:$0x1E600] =	vst v63  }
0x4e: {  	_ =	swait.ge [sflag:s24], $0x2800  }
0x4f: {  	[sflag:s24] =	ssyncset.done $0x0  }
0x50: {  	s22 =	rddreg [dreg:$0x8];
	[sflag:s24] =	ssyncadd.s32 $0xFFFFD800  }
0x51: {  	[spmem:s22] =	stream.linear.scatter [tilespmem:s23], [sflag:$0xF], $0x2800, $0x38;
	[tilespmem:$0x1E600] =	vst v63  }
0x52: {  	_ =	swait.ge [sflag:s24], $0x2800  }
0x53: {  	[sflag:s24] =	ssyncset.done $0x0  }
0x54: {  	s8 =	rddreg [dreg:$0x9];
	[sflag:s24] =	ssyncadd.s32 $0xFFFFD800  }
0x55: {  	[spmem:s8] =	stream.linear.scatter [tilespmem:s23], [sflag:$0xF], $0x2800, $0x38;
	[tilespmem:$0x1E600] =	vst v63  }
0x56: {  	_ =	swait.ge [sflag:s24], $0x2800  }
0x57: {  	[sflag:s24] =	ssyncset.done $0x0  }
0x58: {  	s9 =	rddreg [dreg:$0xa];
	[sflag:s24] =	ssyncadd.s32 $0xFFFFD800  }
0x59: {  	[spmem:s9] =	stream.linear.scatter [tilespmem:s23], [sflag:$0xF], $0x2800, $0x38;
	[tilespmem:$0x1E600] =	vst v63  }
0x5a: {  	_ =	swait.ge [sflag:s24], $0x2800  }
0x5b: {  	[sflag:s24] =	ssyncset.done $0x0  }
0x5c: {  	[sflag:s24] =	ssyncadd.s32 $0xFFFFD800  }
0x5d: {  	[bflag:$0x0] =	sbarrier.arrive $0xFFFF  }
0x5e: {  	s7 =	simm.s32 $0x0;
	s8 =	rddreg [dreg:$0xb]  }
0x5f: {  	[tilespmem:s7], [sflag:$0x1] =	stream.linear.gather [hbm4b:s8+s7], $0x50, $0x38;
	[tilespmem:$0x1E600] =	vst v63  }
0x60: {  	s9 =	simm.s32 $0x80;
	s12 =	rddreg [dreg:$0xc]  }
0x61: {  	[tilespmem:s9], [sflag:$0x1] =	stream.linear.gather [hbm4b:s12+s7], $0x50, $0x38;
	[tilespmem:$0x1E600] =	vst v63  }
0x62: {  	s13 =	rddreg [dreg:$0xd]  }
0x63: {  	[tilespmem:s26], [sflag:$0x2] =	stream.linear.gather [hbm4b:s13+s7], $0x50, $0x38;
	[tilespmem:$0x1E600] =	vst v63  }
0x64: {  	s14 =	simm.s32 $0x180  }
0x65: {  	[tilespmem:s14], [sflag:$0x2] =	stream.linear.gather [hbm4b:s16+s7], $0x50, $0x38;
	[tilespmem:$0x1E600] =	vst v63  }
0x66: {  	s15 =	simm.s32 $0x200  }
0x67: {  	[tilespmem:s15], [sflag:$0x3] =	stream.linear.gather [hbm4b:s17+s7], $0x50, $0x38;
	[tilespmem:$0x1E600] =	vst v63  }
0x68: {  	s21 =	simm.s32 $0x280  }
0x69: {  	[tilespmem:s21], [sflag:$0x3] =	stream.linear.gather [hbm4b:s18+s7], $0x50, $0x38;
	[tilespmem:$0x1E600] =	vst v63  }
0x6a: {  	_ =	swait.ge [sflag:s31], $0x50  }
0x6b: {  	[sflag:s31] =	ssyncset.done $0x0  }
0x6c: {  	[sflag:s31] =	ssyncadd.s32 $0xFFFFFFB0  }
0x6d: {  	_ =	swait.ge [sflag:s31], $0x50  }
0x6e: {  	[sflag:s31] =	ssyncset.done $0x0  }
0x6f: {  	[sflag:s31] =	ssyncadd.s32 $0xFFFFFFB0  }
0x70: {  	[tilespmem:s23], [sflag:$0x7] =	stream.indirect.gather [hbm4b:s4+s0], $0x80, s7, s0, $0xb8;
	[tilespmem:$0x1E600] =	vst v63  }
0x71: {  	_ =	swait.ge [sflag:s1], $0x50  }
0x72: {  	[sflag:s1] =	ssyncset.done $0x0  }
0x73: {  	[sflag:s1] =	ssyncadd.s32 $0xFFFFFFB0  }
.Ltmp3:
0x74: {  	_ =	swait.ge [sflag:s1], $0x50;
	(pc) =	sbr.rel .LBB2_4-.Ltmp3, $4  }
0x75: {  	[sflag:s1] =	ssyncset.done $0x0  }
0x76: {  	s22 =	simm.s32 $0x2E00;
	s8 =	simm.s32 $0x5600;
	[sflag:s1] =	ssyncadd.s32 $0xFFFFFFB0  }
0x77: {  	[tilespmem:s22], [sflag:$0x8] =	stream.indirect.gather [hbm4b:s4+s0], $0x80, s26, s0, $0xb8;
	[tilespmem:$0x1E600] =	vst v63  }
0x78: {  	s9 =	simm.s32 $0x9;
	s21 =	smov.u32 s11;
	s22 =	smov.u32 s10  }
.LBB2_6:
0x79: {  	[tilespmem:s8], [sflag:s9] =	stream.indirect.gather [hbm4b:s4+s0], $0x80, s14, s0, $0xb8;
	[tilespmem:$0x1E600] =	vst v63  }
.LBB2_8:
0x7a: {  	s12 =	sadd.s32 $0x3, s7  }
0x7b: {  	s13 =	smul.u32 $0xAB, s12;
	_ =	sdelay $0x1  }
0x7c: {  	s13 =	sshrl.u32 s13, $0xA  }
0x7d: {  	s13 =	sand.u32 $0x3F, s13  }
0x7e: {  	s13 =	smul.u32 $0x6, s13;
	_ =	sdelay $0x1  }
0x7f: {  	s12 =	ssub.s32 s12, s13  }
0x80: {  	s12 =	sand.u32 $0xFF, s12  }
0x81: {  	s15 =	sadd.s32 $0x1, s12;
	s12 =	sshll.u32 s12, $0x8  }
0x82: {  	[tilespmem:s12], [sflag:s15] =	stream.linear.gather [hbm4b:s22+s3], $0x50, $0x38;
	[tilespmem:$0x1E600] =	vst v63  }
0x83: {  	s12 =	sor.u32 $0x80, s12  }
0x84: {  	[tilespmem:s12], [sflag:s15] =	stream.linear.gather [hbm4b:s21+s3], $0x50, $0x38;
	[tilespmem:$0x1E600] =	vst v63  }
.LBB2_9:
0x85: {  	s7 =	sadd.s32 $0x1, s7  }
0x86: {  	p0 =	sne.s32 s7, $0x7D  }
.Ltmp4:
0x87: {  	_ = 	snop;
	(pc) =	sbr.rel @!p0 .LBB2_10-.Ltmp4, $3  }
0x88: {  	_ =	sdelay $0x1  }
0x89: {  	s21 =	sadd.s32 $0xA, s21  }
0x8a: {  	s22 =	sadd.s32 $0xA, s22;
	s8 =	sadd.s32 $0x2800, s8;
	s9 =	sadd.s32 $0x1, s9  }
.LBB2_4:
0x8b: {  	s12 =	smul.u32 $0xAB, s7;
	_ =	sdelay $0x1  }
0x8c: {  	s12 =	sshrl.u32 s12, $0xA  }
0x8d: {  	s13 =	sand.u32 $0x3F, s12  }
0x8e: {  	s12 =	sand.u32 $0x3, s7;
	s13 =	smul.u32 $0x6, s13  }
0x8f: {  	p0 =	sgt.u32 s7, $0x7A;
	s14 =	smul.u32 $0xA000, s12  }
.Ltmp5:
0x90: {  	s15 =	sadd.s32 $0x7, s12;
	s13 =	ssub.s32 s7, s13;
	(pc) =	sbr.rel @p0 .LBB2_9-.Ltmp5, $4  }
0x91: {  	_ =	swait.ge [sflag:s15], $0x2800;
	s14 =	sshrl.u32 s14, $0x2;
	s13 =	sand.u32 $0xFF, s13  }
0x92: {  	[sflag:s15] =	ssyncset.done $0x0;
	s14 =	sor.u32 $0x600, s14;
	s13 =	sshll.u32 s13, $0x8  }
0x93: {  	[sflag:s15] =	ssyncadd.s32 $0xFFFFD800;
	s15 =	sadd.s32 $0xB, s12;
	s13 =	sor.u32 $0x80, s13  }
0x94: {  	[spmem:s2] =	stream.indirect.scatter.add.f32 [tilespmem:s14], [sflag:s15], $0x80, s13, s0, $0xb8;
	[tilespmem:$0x1E600] =	vst v63  }
0x95: {  	s13 =	sadd.s32 $0x2, s7  }
0x96: {  	s14 =	smul.u32 $0xAB, s13;
	_ =	sdelay $0x1  }
0x97: {  	s14 =	sshrl.u32 s14, $0xA  }
0x98: {  	s14 =	sand.u32 $0x3F, s14  }
0x99: {  	s14 =	smul.u32 $0x6, s14;
	_ =	sdelay $0x1  }
0x9a: {  	s14 =	ssub.s32 s13, s14  }
0x9b: {  	s14 =	sand.u32 $0xFF, s14  }
0x9c: {  	s15 =	sadd.s32 $0x1, s14  }
0x9d: {  	p0 =	sgt.u32 s7, $0x1;
	_ =	swait.ge [sflag:s15], $0x50  }
.Ltmp6:
0x9e: {  	[sflag:s15] =	ssyncset.done $0x0;
	(pc) =	sbr.rel @!p0 .LBB2_6-.Ltmp6, $4  }
0x9f: {  	[sflag:s15] =	ssyncadd.s32 $0xFFFFFFB0  }
0xa0: {  	_ =	swait.ge [sflag:s15], $0x50  }
0xa1: {  	[sflag:s15] =	ssyncset.done $0x0  }
0xa2: {  	s14 =	sshll.u32 s14, $0x8;
	[sflag:s15] =	ssyncadd.s32 $0xFFFFFFB0  }
0xa3: {  	s13 =	sand.u32 $0x3, s13  }
0xa4: {  	s12 =	sxor.u32 $0x2, s12;
	p0 =	seq.s32 s7, $0x7A;
	s15 =	smul.u32 $0xA000, s13  }
.Ltmp7:
0xa5: {  	s12 =	sadd.s32 $0xB, s12;
	(pc) =	sbr.rel @p0 .LBB2_9-.Ltmp7, $4  }
.Ltmp8:
0xa6: {  	_ =	swait.ge [sflag:s12], $0x2800;
	(pc) =	sbr.rel @!p0 .LBB2_8-.Ltmp8, $4  }
0xa7: {  	[sflag:s12] =	ssyncset.done $0x0;
	s15 =	sshrl.u32 s15, $0x2  }
0xa8: {  	s13 =	sadd.s32 $0x7, s13;
	[sflag:s12] =	ssyncadd.s32 $0xFFFFD800;
	s15 =	sor.u32 $0x600, s15  }
0xa9: {  	[tilespmem:s15], [sflag:s13] =	stream.indirect.gather [hbm4b:s4+s0], $0x80, s14, s0, $0xb8;
	[tilespmem:$0x1E600] =	vst v63  }
0xaa: {  	_ = 	snop  }
.LBB2_11:
0xab: {  	_ =	sfence.sel $0x180000  }
0xac: {  	[bflag:$0x0] =	sbarrier.arrive $0xFFFF  }
0xad: {  	_ =	strace $0x9000004A  }
0xae: {  	s0 =	stileid.u32;
	[bflag:$0x2] =	sbarrier.arrive $0xFFFF  }
0xaf: {  	p0 =	sne.s32 s0, $0x0;
	s0 =	rddreg [dreg:$0x3]  }
0xb0: {  	s0 =	sadd.s32 @!p0 $0x100000, s0  }
0xb1: {  	[sflag:s0] =	ssyncadd.tile.s32 @!p0 $0x1;
	_ =	shalt  }
.Lfunc_end2:
_tile_overlayer_lowered:
.L_overlay_start_2:
0xb2: {  	(tag) =	ssettag $0x2  }
0xb3: {  	s0 =	rddreg [dreg:$0x0];
	s2 =	stileid.u32  }
0xb4: {  	s1 =	rddreg [dreg:$0x1];
	p0 =	sne.s32 s2, $0x0  }
0xb5: {  	s3 =	rddreg [dreg:$0x2];
	[bflag:$0x3] =	sbarrier.arrive $0xFFFF;
	s2 =	simm.s32 @!p0 $0x1C0F  }
0xb6: {  	[timem:s3], [sflag:s2] =	dma.local @!p0 [hbm:s0], s1  }
0xb7: {  	s0 =	simm.s32 @!p0 $0xF  }
0xb8: {  	_ =	swait.ge @!p0 [sflag:s0], s1  }
0xb9: {  	s1 =	ssub.s32 @!p0 $0x0, s1;
	[sflag:s0] =	ssyncset.done @!p0 $0x0  }
0xba: {  	[sflag:s0] =	ssyncadd.s32 @!p0 s1  }
0xbb: {  	[bflag:$0x3] =	sbarrier.arrive $0xFFFF  }
0xbc: {  	_ =	shalt  }

// kernel: kernel.8.cloned.1.call-start
scs
__scs_entry_jumppad:
0x0: {  	(pc) =	sbr.rel $0x88, $3  }
0x1: {  	(tag) =	ssettag $0x0;
	lr =	simm.s32 $0x1  }
0x2: {  	[smem:$0x3F99] =	sst lr;
	_ =	strace $0xD0000000  }
0x3: {  	_ = 	snop  }
0x4: {  	_ = 	snop  }
0x5: {  	_ = 	snop  }
0x6: {  	_ = 	snop  }
0x7: {  	_ = 	snop  }
__scs_overlays_trampoline_lowered:
0x8: {  	[smem:$0x3FA8] =	sst s0  }
0x9: {  	[smem:$0x3FA9] =	sst s1  }
0xa: {  	[smem:$0x3FAA] =	sst s2  }
0xb: {  	[smem:$0x3FAB] =	sst s3  }
0xc: {  	[smem:$0x3FAC] =	sst s4  }
0xd: {  	[smem:$0x3FAD] =	sst s5  }
0xe: {  	[smem:$0x3FAE] =	sst s6  }
0xf: {  	[smem:$0x3FAF] =	sst s7  }
0x10: {  	[smem:$0x3FB0] =	sst s8  }
0x11: {  	[smem:$0x3FB1] =	sst s9;
	s0 =	simm.s32 @!p0 $0x0  }
0x12: {  	s1 =	sld [smem:$0x3F97];
	s0 =	simm.s32 @p0 $0x1  }
0x13: {  	[smem:$0x3FB2] =	sst s0;
	s0 =	simm.s32 @!p1 $0x0  }
0x14: {  	s2 =	sld [smem:$0x3F96];
	s0 =	simm.s32 @p1 $0x1  }
0x15: {  	[smem:$0x3FB3] =	sst s0;
	s0 =	simm.s32 @!p2 $0x0  }
0x16: {  	s3 =	sld [smem:$0x3FDB];
	s0 =	simm.s32 @p2 $0x1  }
0x17: {  	s4 =	simm.s32 $0x1BF5;
	[smem:$0x3FB5] =	sst s0  }
0x18: {  	s0 =	sld [smem:$0x3F98];
	_ =	swait.ge [sflag:s4], $0x0  }
0x19: {  	s7 =	sld [smem:$0x3F99]  }
0x1a: {  	s8 =	sadd.s32 $0xFFFFE003, lr  }
0x1b: {  	s9 =	sadd.s32 $0xFFFFFEF7, lr;
	s5 =	simm.s32 $0xFFFFFFFF;
	p2 =	slt.u32 s8, $0xFFFFF086  }
0x1c: {  	p1 =	slt.u32 s9, $0xF7A;
	s5 =	simm.s32 @!p2 $0x0  }
0x1d: {  	s5 =	simm.s32 @p1 $0x1;
	p0 =	seq.s32 s7, s2  }
0x1e: {  	s7 =	smul.u32 @!p0 $0xF7A, s2;
	p2 =	seq.s32 @!p0 s5, $0x0  }
0x1f: {  	s9 =	smul.u32 $0xF7A, s1;
	s8 =	simm.s32 @!p0 $0x1BF5;
	p2 =	por !p2, p0  }
0x20: {  	[sflag:s8] =	ssyncset.s32 @!p0 $0xFFFFF086;
	s6 =	sadd.s32 @!p0 s3, s7;
	s7 =	simm.s32 @!p0 $0x108  }
0x21: {  	s3 =	sadd.s32 s3, s9;
	s6 =	sadd.s32 @!p0 $0x88, s6;
	s7 =	simm.s32 @p2 $0x1082  }
0x22: {  	[simem:s7], [sflag:s8] =	dma.local @!p0 [hbm:s6], $0xF7A  }
0x23: {  	s9 =	sor.u32 $0xD0000000, s2;
	s6 =	simm.s32 $0x108;
	_ =	swait.ge @!p0 [sflag:s8], $0x0  }
0x24: {  	s3 =	sadd.s32 $0x88, s3;
	s6 =	simm.s32 @!p1 $0x1082;
	[sflag:s4] =	ssyncset.s32 $0xFFFFF086  }
0x25: {  	[simem:s6], [sflag:s4] =	dma.local [hbm:s3], $0xF7A  }
0x26: {  	[smem:$0x3F99] =	sst s1;
	(tag) =	ssettag s2;
	_ =	strace s9  }
0x27: {  	s1 =	sld [smem:$0x3FA9]  }
0x28: {  	s2 =	sld [smem:$0x3FAA]  }
0x29: {  	s4 =	sld [smem:$0x3FAC]  }
0x2a: {  	p0 =	seq.s32 s5, $0x0;
	s5 =	sld [smem:$0x3FAD]  }
0x2b: {  	s6 =	sld [smem:$0x3FAE]  }
0x2c: {  	s7 =	sld [smem:$0x3FAF]  }
0x2d: {  	s3 =	simm.s32 $0x108;
	s8 =	sld [smem:$0x3FB0]  }
0x2e: {  	s3 =	simm.s32 @!p0 $0x1082;
	s9 =	sld [smem:$0x3FB1]  }
0x2f: {  	lr =	sadd.s32 s0, s3;
	s0 =	sld [smem:$0x3FA8]  }
0x30: {  	s3 =	sld [smem:$0x3FAB]  }
0x31: {  	[smem:$0x3FB4] =	sst s10  }
0x32: {  	s10 =	sld [smem:$0x3FB2];
	_ =	sdelay $0x3  }
0x33: {  	p0 =	seq.s32 s10, $0x1;
	s10 =	sld [smem:$0x3FB4];
	_ =	sdelay $0x3  }
0x34: {  	[smem:$0x3FB4] =	sst s10  }
0x35: {  	s10 =	sld [smem:$0x3FB3];
	_ =	sdelay $0x3  }
0x36: {  	p1 =	seq.s32 s10, $0x1;
	s10 =	sld [smem:$0x3FB4];
	_ =	sdelay $0x3  }
0x37: {  	[smem:$0x3FB4] =	sst s10  }
0x38: {  	s10 =	sld [smem:$0x3FB5]  }
0x39: {  	_ = 	snop;
	(pc) =	sbr.ind lr, $3  }
0x3a: {  	_ = 	snop  }
0x3b: {  	_ = 	snop  }
0x3c: {  	p2 =	seq.s32 s10, $0x1;
	s10 =	sld [smem:$0x3FB4]  }
0x3d: {  	_ =	shalt  }
0x3e: {  	_ =	shalt  }
0x3f: {  	_ =	shalt  }
0x40: {  	_ =	shalt  }
0x41: {  	_ =	shalt  }
0x42: {  	_ =	shalt  }
0x43: {  	_ =	shalt  }
0x44: {  	_ =	shalt  }
0x45: {  	_ =	shalt  }
0x46: {  	_ =	shalt  }
0x47: {  	_ =	shalt  }
0x48: {  	_ =	shalt  }
0x49: {  	_ =	shalt  }
0x4a: {  	_ =	shalt  }
0x4b: {  	_ =	shalt  }
0x4c: {  	_ =	shalt  }
0x4d: {  	_ =	shalt  }
0x4e: {  	_ =	shalt  }
0x4f: {  	_ =	shalt  }
0x50: {  	_ =	shalt  }
0x51: {  	_ =	shalt  }
0x52: {  	_ =	shalt  }
0x53: {  	_ =	shalt  }
0x54: {  	_ =	shalt  }
0x55: {  	_ =	shalt  }
0x56: {  	_ =	shalt  }
0x57: {  	_ =	shalt  }
0x58: {  	_ =	shalt  }
0x59: {  	_ =	shalt  }
0x5a: {  	_ =	shalt  }
0x5b: {  	_ =	shalt  }
0x5c: {  	_ =	shalt  }
0x5d: {  	_ =	shalt  }
0x5e: {  	_ =	shalt  }
0x5f: {  	_ =	shalt  }
0x60: {  	_ =	shalt  }
0x61: {  	_ =	shalt  }
0x62: {  	_ =	shalt  }
0x63: {  	_ =	shalt  }
0x64: {  	_ =	shalt  }
0x65: {  	_ =	shalt  }
0x66: {  	_ =	shalt  }
0x67: {  	_ =	shalt  }
0x68: {  	_ =	shalt  }
0x69: {  	_ =	shalt  }
0x6a: {  	_ =	shalt  }
0x6b: {  	_ =	shalt  }
0x6c: {  	_ =	shalt  }
0x6d: {  	_ =	shalt  }
0x6e: {  	_ =	shalt  }
0x6f: {  	_ =	shalt  }
0x70: {  	_ =	shalt  }
0x71: {  	_ =	shalt  }
0x72: {  	_ =	shalt  }
0x73: {  	_ =	shalt  }
0x74: {  	_ =	shalt  }
0x75: {  	_ =	shalt  }
0x76: {  	_ =	shalt  }
0x77: {  	_ =	shalt  }
0x78: {  	_ =	shalt  }
0x79: {  	_ =	shalt  }
0x7a: {  	_ =	shalt  }
0x7b: {  	_ =	shalt  }
0x7c: {  	_ =	shalt  }
0x7d: {  	_ =	shalt  }
0x7e: {  	_ =	shalt  }
0x7f: {  	_ =	shalt  }
0x80: {  	_ =	shalt  }
0x81: {  	_ =	shalt  }
0x82: {  	_ =	shalt  }
0x83: {  	_ =	shalt  }
0x84: {  	_ =	shalt  }
0x85: {  	_ =	shalt  }
0x86: {  	_ =	shalt  }
0x87: {  	_ =	shalt  }
.Lfunc_end0:
.L_simem_size_0:
called_computation_lowered:
.L_overlay_start_0:
0x88: {  	s2 =	sld [smem:$0x3FD9]  }
0x89: {  	s3 =	sld [smem:$0x3FFE];
	_ =	sdelay $0x1  }
0x8a: {  	s1 =	srdreg.scid  }
0x8b: {  	s0 =	sand.u32 $0x1, s1  }
0x8c: {  	s17 =	sshll.u32 s0, $0xA;
	s2 =	sadd.s32 s3, s2  }
0x8d: {  	s2 =	sadd.s32 s2, s17  }
0x8e: {  	[smem:$0x3FC0] =	sst s2  }
0x8f: {  	_ = 	snop  }
0x90: {  	s2 =	sld [smem:$0x3FD0];
	(tm) =	ssettm $0x1  }
0x91: {  	s18 =	sld [smem:$0x3FFB];
	_ =	sdelay $0x3  }
0x92: {  	_ =	strace s18  }
0x93: {  	s3 =	sld [smem:$0x3FFC];
	_ =	sdelay $0x3  }
0x94: {  	_ =	strace s3  }
0x95: {  	s3 =	sld [smem:$0x3FFD];
	_ =	sdelay $0x3  }
0x96: {  	_ =	strace s3  }
0x97: {  	_ =	strace $0x8FFFFFFF  }
0x98: {  	s19 =	sld [smem:$0x3FDB];
	_ =	sdelay $0x1  }
0x99: {  	s4 =	simm.s32 $_scs_section_size  }
0x9a: {  	s5 =	simm.s32 $_size__tile_overlayer_lowered;
	s6 =	simm.s32 $_tile_overlayer_lowered  }
0x9b: {  	s22 =	simm.s32 $0x1BFF;
	s21 =	sshll.u32 s6, $0x1;
	s3 =	sadd.s32 s4, s19  }
0x9c: {  	s7 =	simm.s32 $0x0;
	s20 =	sshll.u32 s5, $0x1;
	s5 =	sadd.s32 s21, s3  }
0x9d: {  	[timem:s7], [sflag:s22] =	dma.local [hbm:s5], s20  }
0x9e: {  	_ =	swait.ge [sflag:s22], s20  }
0x9f: {  	s4 =	ssub.s32 $0x0, s20;
	[sflag:s22] =	ssyncset.done $0x0  }
0xa0: {  	[sflag:s22] =	ssyncadd.s32 s4;
	_ =	sdelay $0x1  }
0xa1: {  	s23 =	simm.s32 $0x1B8B  }
0xa2: {  	_ =	swait.ge [sflag:s23], $0x1  }
0xa3: {  	[sflag:s23] =	ssyncset.done $0x0  }
0xa4: {  	s25 =	simm.s32 $0x1B8E;
	s24 =	sld [smem:$0x3FFE];
	[sflag:s23] =	ssyncadd.s32 $0xFFFFFFFF  }
0xa5: {  	s26 =	simm.s32 $execute0_lowered;
	[smem:$0x3FD2] =	sst s25  }
0xa6: {  	s5 =	sshll.u32 s26, $0x1;
	_ =	strace $0x80000046;
	[dreg:$0x1] =	wrdreg $0xFFFFFFFF  }
0xa7: {  	s28 =	simm.s32 $_size_execute0_lowered;
	s3 =	sadd.s32 s3, s5;
	[dreg:$0x0] =	wrdreg $0x0  }
0xa8: {  	s5 =	sshll.u32 s28, $0x1;
	[dreg:$0x2] =	wrdreg s3  }
0xa9: {  	[dreg:$0x3] =	wrdreg s5  }
0xaa: {  	[dreg:$0x4] =	wrdreg $0xC0  }
0xab: {  	_ =	task [dreg:s7], $0x5FFFF  }
0xac: {  	[dreg:$0x1] =	wrdreg $0xFFFFFFFF  }
0xad: {  	[dreg:$0x0] =	wrdreg $0x60  }
0xae: {  	[dreg:$0x2] =	wrdreg s24  }
0xaf: {  	[dreg:$0x3] =	wrdreg s2  }
0xb0: {  	[dreg:$0x4] =	wrdreg $0xA6000  }
0xb1: {  	[dreg:$0x5] =	wrdreg $0x9  }
0xb2: {  	_ =	task.clear_ibuf [dreg:s7], $0x6FFFF;
	_ =	strace $0x90000046  }
0xb3: {  	s29 =	simm.s32 $0x9;
	_ =	strace $0x80000048  }
0xb4: {  	_ =	swait.ge [sflag:s29], $0x1  }
0xb5: {  	[sflag:s29] =	ssyncadd.s32 $0xFFFFFFFF  }
0xb6: {  	_ =	strace $0x90000048  }
0xb7: {  	_ =	sfence  }
0xb8: {  	s30 =	sld [smem:$0x0];
	_ =	sdelay $0x2  }
0xb9: {  	s31 =	sshll.u32 s1, $0xD;
	s1 =	sshrl.u32 s1, $0x2  }
0xba: {  	s3 =	sand.u32 $0x4000, s31;
	s1 =	sadd.s32 s1, s30  }
0xbb: {  	s0 =	sor.u32 s3, s0;
	s1 =	sshll.u32 s1, $0x11  }
0xbc: {  	s0 =	sor.u32 s1, s0  }
0xbd: {  	s0 =	sadd.s32 $0x8F2B, s0  }
0xbe: {  	[sflag:s0] =	ssyncadd.remote.s32 $0x1  }
0xbf: {  	_ =	sfence.sel $0xFFFF  }
0xc0: {  	[dreg:$0x0] =	wrdreg $0xFFFFFFFF;
	(pc) =	sbr.abs _section_cstart, $3  }
0xc1: {  	[dreg:$0x1] =	wrdreg $0xFFFFFFFF  }
0xc2: {  	_ =	task.clear_ibuf [dreg:s7], $0x2FFFF;
	_ =	strace $0x9FFFFFFF  }
0xc3: {  	(tm) =	ssettm $0x7FFFFFFF  }
tec
execute0_lowered:
.L_overlay_start_1:
0x0: {  	(tag) =	ssettag $0x1  }
0x1: {  	s0 =	rddreg [dreg:$0x0]  }
0x2: {  	s1 =	rddreg [dreg:$0x1]  }
0x3: {  	s2 =	rddreg [dreg:$0x2]  }
0x4: {  	s4 =	srdreg.scid;
	s11 =	stileid.u32  }
0x5: {  	s3 =	simm.s32 $0x0;
	s31 =	simm.s32 $0x1;
	s5 =	smul.u32 $0x2800, s11  }
0x6: {  	s28 =	simm.s32 $0xC;
	s6 =	sand.u32 $0x1, s4;
	s13 =	smul.u32 $0x50000, s11  }
0x7: {  	s29 =	simm.s32 $0xD;
	s30 =	simm.s32 $0xE;
	s7 =	smul.u32 $0x28000, s6  }
0x8: {  	[smem:$0x7FF] =	sst s3;
	s4 =	sadd.s32 $0xB400, s0;
	s8 =	sadd.s32 $0x1600, s0  }
0x9: {  	_ =	strace $0x80000047;
	s5 =	sadd.s32 s5, s7;
	s7 =	sshrl.u32 s13, $0x2  }
0xa: {  	s14 =	ssub.s32 $0x2, s6;
	s0 =	sadd.s32 s5, s0;
	s5 =	sadd.s32 s7, s2  }
0xb: {  	s10 =	sshll.u32 s6, $0x4;
	s6 =	smul.u32 $0x27100, s6;
	s16 =	sadd.s32 $0x2800, s5  }
0xc: {  	s9 =	sshrl.u32 s14, $0x1;
	s17 =	sadd.s32 $0x5000, s5;
	[dreg:$0x4] =	wrdreg s16  }
0xd: {  	s10 =	sor.u32 s11, s10;
	s18 =	sadd.s32 $0x7800, s5;
	[dreg:$0x5] =	wrdreg s17  }
0xe: {  	s11 =	smul.u32 $0x2710, s11;
	s19 =	sadd.s32 $0xA000, s5;
	[dreg:$0x6] =	wrdreg s18  }
0xf: {  	s9 =	ssub.s32 s14, s9;
	s20 =	sadd.s32 $0xC800, s5;
	[dreg:$0x7] =	wrdreg s19  }
0x10: {  	s15 =	smul.u32 $0x2710, s10;
	s21 =	sadd.s32 $0xF000, s5;
	[dreg:$0x8] =	wrdreg s20  }
0x11: {  	s6 =	sadd.s32 s11, s6;
	s22 =	sadd.s32 $0x11800, s5;
	[dreg:$0x9] =	wrdreg s21  }
0x12: {  	s7 =	sshrl.u32 s15, $0x3;
	s6 =	sadd.s32 $0xF0, s6;
	[dreg:$0xa] =	wrdreg s22  }
0x13: {  	s23 =	sadd.s32 $0xA, s7;
	s12 =	sadd.s32 s8, s7;
	s24 =	sadd.s32 s1, s7  }
0x14: {  	s7 =	sadd.s32 $0x14, s7;
	s19 =	sadd.s32 $0x33400, s0;
	s20 =	smax.u32 s9, $0x1  }
0x15: {  	s26 =	sshrl.u32 s6, $0x3;
	s0 =	simm.s32 $0x50;
	[dreg:$0xb] =	wrdreg s12  }
.Ltmp0:
0x16: {  	s6 =	simm.s32 $0x0;
	[dreg:$0xc] =	wrdreg s24;
	(pc) =	sbr.rel .LBB2_1-.Ltmp0, $4  }
0x17: {  	s25 =	sadd.s32 s8, s23;
	s16 =	sadd.s32 s1, s23;
	s17 =	sadd.s32 s8, s7  }
0x18: {  	s18 =	sadd.s32 s1, s7;
	s11 =	sadd.s32 s26, s1;
	s10 =	sadd.s32 s26, s8  }
0x19: {  	s23 =	simm.s32 $0x600;
	s24 =	simm.s32 $0xF;
	s26 =	simm.s32 $0x100  }
0x1a: {  	v0 =	vimm.f32 $0.0e+00;
	s1 =	simm.s32 $0x2;
	[dreg:$0xd] =	wrdreg s25;
	s25 =	simm.s32 $0xB  }
.LBB2_10:
0x1b: {  	_ =	swait.ge [sflag:s28], $0x2800  }
0x1c: {  	[sflag:s28] =	ssyncset.done $0x0  }
0x1d: {  	[sflag:s28] =	ssyncadd.s32 $0xFFFFD800  }
0x1e: {  	_ =	swait.ge [sflag:s29], $0x2800  }
0x1f: {  	[sflag:s29] =	ssyncset.done $0x0  }
0x20: {  	[sflag:s29] =	ssyncadd.s32 $0xFFFFD800  }
0x21: {  	_ =	swait.ge [sflag:s30], $0x2800  }
0x22: {  	[sflag:s30] =	ssyncset.done $0x0  }
0x23: {  	[sflag:s30] =	ssyncadd.s32 $0xFFFFD800  }
0x24: {  	s7 =	stileid.u32;
	_ =	swait.ge [sflag:s25], $0x2800  }
0x25: {  	s8 =	sshrl.u32 s5, $0x3;
	s6 =	sadd.s32 $0x1, s6;
	[sflag:s25] =	ssyncset.done $0x0  }
0x26: {  	s7 =	sshll.u32 s7, $0x6;
	p0 =	sne.s32 s6, s20;
	[sflag:s25] =	ssyncadd.s32 $0xFFFFD800  }
.Ltmp1:
0x27: {  	s7 =	sor.u32 $0x1C0F, s7;
	[bflag:$0x0] =	sbarrier.arrive $0xFFFF;
	(pc) =	sbr.rel @!p0 .LBB2_11-.Ltmp1, $4  }
0x28: {  	[hbm:s19], [sflag:s7] =	dma.local [spmem:s8], $0x2800  }
0x29: {  	_ =	swait.ge [sflag:s24], $0x2800  }
0x2a: {  	[sflag:s24] =	ssyncset.done $0x0  }
0x2b: {  	[sflag:s24] =	ssyncadd.s32 $0xFFFFD800  }
.LBB2_1:
0x2c: {  	s7 =	simm.s32 $0x0;
	s8 =	simm.s32 $0x200  }
.LBB2_2:
0x2d: {  	p0 =	sne.s32 s8, $0x9E00;
	[tilespmem:s7+$0x670] =	vst v0  }
0x2e: {  	[tilespmem:s7+$0x600] =	vst v0  }
0x2f: {  	[tilespmem:s7+$0x610] =	vst v0  }
.Ltmp2:
0x30: {  	[tilespmem:s7+$0x620] =	vst v0;
	(pc) =	sbr.rel @p0 .LBB2_2-.Ltmp2, $4  }
0x31: {  	[tilespmem:s7+$0x630] =	vst v0  }
0x32: {  	[tilespmem:s7+$0x640] =	vst v0  }
0x33: {  	[tilespmem:s7+$0x650] =	vst v0  }
0x34: {  	[tilespmem:s7+$0x660] =	vst v0;
	s7 =	sshra.s32 s8, $0x2;
	s8 =	sadd.s32 $0x200, s8  }
0x35: {  	[tilespmem:s7+$0x670] =	vst v0  }
0x36: {  	[tilespmem:s7+$0x600] =	vst v0  }
0x37: {  	[tilespmem:s7+$0x610] =	vst v0  }
0x38: {  	[tilespmem:s7+$0x620] =	vst v0  }
0x39: {  	[tilespmem:s7+$0x630] =	vst v0  }
0x3a: {  	[tilespmem:s7+$0x640] =	vst v0  }
0x3b: {  	[tilespmem:s7+$0x650] =	vst v0  }
0x3c: {  	[tilespmem:s7+$0x660] =	vst v0  }
0x3d: {  	[spmem:s5] =	stream.linear.scatter [tilespmem:s23], [sflag:$0xF], $0x2800, $0x38;
	[tilespmem:$0x1E600] =	vst v63  }
0x3e: {  	_ =	swait.ge [sflag:s24], $0x2800  }
0x3f: {  	[sflag:s24] =	ssyncset.done $0x0  }
0x40: {  	s13 =	rddreg [dreg:$0x4];
	[sflag:s24] =	ssyncadd.s32 $0xFFFFD800  }
0x41: {  	[spmem:s13] =	stream.linear.scatter [tilespmem:s23], [sflag:$0xF], $0x2800, $0x38;
	[tilespmem:$0x1E600] =	vst v63  }
0x42: {  	_ =	swait.ge [sflag:s24], $0x2800  }
0x43: {  	[sflag:s24] =	ssyncset.done $0x0  }
0x44: {  	s14 =	rddreg [dreg:$0x5];
	[sflag:s24] =	ssyncadd.s32 $0xFFFFD800  }
0x45: {  	[spmem:s14] =	stream.linear.scatter [tilespmem:s23], [sflag:$0xF], $0x2800, $0x38;
	[tilespmem:$0x1E600] =	vst v63  }
0x46: {  	_ =	swait.ge [sflag:s24], $0x2800  }
0x47: {  	[sflag:s24] =	ssyncset.done $0x0  }
0x48: {  	s15 =	rddreg [dreg:$0x6];
	[sflag:s24] =	ssyncadd.s32 $0xFFFFD800  }
0x49: {  	[spmem:s15] =	stream.linear.scatter [tilespmem:s23], [sflag:$0xF], $0x2800, $0x38;
	[tilespmem:$0x1E600] =	vst v63  }
0x4a: {  	_ =	swait.ge [sflag:s24], $0x2800  }
0x4b: {  	[sflag:s24] =	ssyncset.done $0x0  }
0x4c: {  	s21 =	rddreg [dreg:$0x7];
	[sflag:s24] =	ssyncadd.s32 $0xFFFFD800  }
0x4d: {  	[spmem:s21] =	stream.linear.scatter [tilespmem:s23], [sflag:$0xF], $0x2800, $0x38;
	[tilespmem:$0x1E600] =	vst v63  }
0x4e: {  	_ =	swait.ge [sflag:s24], $0x2800  }
0x4f: {  	[sflag:s24] =	ssyncset.done $0x0  }
0x50: {  	s22 =	rddreg [dreg:$0x8];
	[sflag:s24] =	ssyncadd.s32 $0xFFFFD800  }
0x51: {  	[spmem:s22] =	stream.linear.scatter [tilespmem:s23], [sflag:$0xF], $0x2800, $0x38;
	[tilespmem:$0x1E600] =	vst v63  }
0x52: {  	_ =	swait.ge [sflag:s24], $0x2800  }
0x53: {  	[sflag:s24] =	ssyncset.done $0x0  }
0x54: {  	s8 =	rddreg [dreg:$0x9];
	[sflag:s24] =	ssyncadd.s32 $0xFFFFD800  }
0x55: {  	[spmem:s8] =	stream.linear.scatter [tilespmem:s23], [sflag:$0xF], $0x2800, $0x38;
	[tilespmem:$0x1E600] =	vst v63  }
0x56: {  	_ =	swait.ge [sflag:s24], $0x2800  }
0x57: {  	[sflag:s24] =	ssyncset.done $0x0  }
0x58: {  	s9 =	rddreg [dreg:$0xa];
	[sflag:s24] =	ssyncadd.s32 $0xFFFFD800  }
0x59: {  	[spmem:s9] =	stream.linear.scatter [tilespmem:s23], [sflag:$0xF], $0x2800, $0x38;
	[tilespmem:$0x1E600] =	vst v63  }
0x5a: {  	_ =	swait.ge [sflag:s24], $0x2800  }
0x5b: {  	[sflag:s24] =	ssyncset.done $0x0  }
0x5c: {  	[sflag:s24] =	ssyncadd.s32 $0xFFFFD800  }
0x5d: {  	[bflag:$0x0] =	sbarrier.arrive $0xFFFF  }
0x5e: {  	s7 =	simm.s32 $0x0;
	s8 =	rddreg [dreg:$0xb]  }
0x5f: {  	[tilespmem:s7], [sflag:$0x1] =	stream.linear.gather [hbm4b:s8+s7], $0x50, $0x38;
	[tilespmem:$0x1E600] =	vst v63  }
0x60: {  	s9 =	simm.s32 $0x80;
	s12 =	rddreg [dreg:$0xc]  }
0x61: {  	[tilespmem:s9], [sflag:$0x1] =	stream.linear.gather [hbm4b:s12+s7], $0x50, $0x38;
	[tilespmem:$0x1E600] =	vst v63  }
0x62: {  	s13 =	rddreg [dreg:$0xd]  }
0x63: {  	[tilespmem:s26], [sflag:$0x2] =	stream.linear.gather [hbm4b:s13+s7], $0x50, $0x38;
	[tilespmem:$0x1E600] =	vst v63  }
0x64: {  	s14 =	simm.s32 $0x180  }
0x65: {  	[tilespmem:s14], [sflag:$0x2] =	stream.linear.gather [hbm4b:s16+s7], $0x50, $0x38;
	[tilespmem:$0x1E600] =	vst v63  }
0x66: {  	s15 =	simm.s32 $0x200  }
0x67: {  	[tilespmem:s15], [sflag:$0x3] =	stream.linear.gather [hbm4b:s17+s7], $0x50, $0x38;
	[tilespmem:$0x1E600] =	vst v63  }
0x68: {  	s21 =	simm.s32 $0x280  }
0x69: {  	[tilespmem:s21], [sflag:$0x3] =	stream.linear.gather [hbm4b:s18+s7], $0x50, $0x38;
	[tilespmem:$0x1E600] =	vst v63  }
0x6a: {  	_ =	swait.ge [sflag:s31], $0x50  }
0x6b: {  	[sflag:s31] =	ssyncset.done $0x0  }
0x6c: {  	[sflag:s31] =	ssyncadd.s32 $0xFFFFFFB0  }
0x6d: {  	_ =	swait.ge [sflag:s31], $0x50  }
0x6e: {  	[sflag:s31] =	ssyncset.done $0x0  }
0x6f: {  	[sflag:s31] =	ssyncadd.s32 $0xFFFFFFB0  }
0x70: {  	[tilespmem:s23], [sflag:$0x7] =	stream.indirect.gather [hbm4b:s4+s0], $0x80, s7, s0, $0xb8;
	[tilespmem:$0x1E600] =	vst v63  }
0x71: {  	_ =	swait.ge [sflag:s1], $0x50  }
0x72: {  	[sflag:s1] =	ssyncset.done $0x0  }
0x73: {  	[sflag:s1] =	ssyncadd.s32 $0xFFFFFFB0  }
.Ltmp3:
0x74: {  	_ =	swait.ge [sflag:s1], $0x50;
	(pc) =	sbr.rel .LBB2_4-.Ltmp3, $4  }
0x75: {  	[sflag:s1] =	ssyncset.done $0x0  }
0x76: {  	s22 =	simm.s32 $0x2E00;
	s8 =	simm.s32 $0x5600;
	[sflag:s1] =	ssyncadd.s32 $0xFFFFFFB0  }
0x77: {  	[tilespmem:s22], [sflag:$0x8] =	stream.indirect.gather [hbm4b:s4+s0], $0x80, s26, s0, $0xb8;
	[tilespmem:$0x1E600] =	vst v63  }
0x78: {  	s9 =	simm.s32 $0x9;
	s21 =	smov.u32 s11;
	s22 =	smov.u32 s10  }
.LBB2_6:
0x79: {  	[tilespmem:s8], [sflag:s9] =	stream.indirect.gather [hbm4b:s4+s0], $0x80, s14, s0, $0xb8;
	[tilespmem:$0x1E600] =	vst v63  }
.LBB2_8:
0x7a: {  	s12 =	sadd.s32 $0x3, s7  }
0x7b: {  	s13 =	smul.u32 $0xAB, s12;
	_ =	sdelay $0x1  }
0x7c: {  	s13 =	sshrl.u32 s13, $0xA  }
0x7d: {  	s13 =	sand.u32 $0x3F, s13  }
0x7e: {  	s13 =	smul.u32 $0x6, s13;
	_ =	sdelay $0x1  }
0x7f: {  	s12 =	ssub.s32 s12, s13  }
0x80: {  	s12 =	sand.u32 $0xFF, s12  }
0x81: {  	s15 =	sadd.s32 $0x1, s12;
	s12 =	sshll.u32 s12, $0x8  }
0x82: {  	[tilespmem:s12], [sflag:s15] =	stream.linear.gather [hbm4b:s22+s3], $0x50, $0x38;
	[tilespmem:$0x1E600] =	vst v63  }
0x83: {  	s12 =	sor.u32 $0x80, s12  }
0x84: {  	[tilespmem:s12], [sflag:s15] =	stream.linear.gather [hbm4b:s21+s3], $0x50, $0x38;
	[tilespmem:$0x1E600] =	vst v63  }
.LBB2_9:
0x85: {  	s7 =	sadd.s32 $0x1, s7  }
0x86: {  	p0 =	sne.s32 s7, $0x7D  }
.Ltmp4:
0x87: {  	_ = 	snop;
	(pc) =	sbr.rel @!p0 .LBB2_10-.Ltmp4, $3  }
0x88: {  	_ =	sdelay $0x1  }
0x89: {  	s21 =	sadd.s32 $0xA, s21  }
0x8a: {  	s22 =	sadd.s32 $0xA, s22;
	s8 =	sadd.s32 $0x2800, s8;
	s9 =	sadd.s32 $0x1, s9  }
.LBB2_4:
0x8b: {  	s12 =	smul.u32 $0xAB, s7;
	_ =	sdelay $0x1  }
0x8c: {  	s12 =	sshrl.u32 s12, $0xA  }
0x8d: {  	s13 =	sand.u32 $0x3F, s12  }
0x8e: {  	s12 =	sand.u32 $0x3, s7;
	s13 =	smul.u32 $0x6, s13  }
0x8f: {  	p0 =	sgt.u32 s7, $0x7A;
	s14 =	smul.u32 $0xA000, s12  }
.Ltmp5:
0x90: {  	s15 =	sadd.s32 $0x7, s12;
	s13 =	ssub.s32 s7, s13;
	(pc) =	sbr.rel @p0 .LBB2_9-.Ltmp5, $4  }
0x91: {  	_ =	swait.ge [sflag:s15], $0x2800;
	s14 =	sshrl.u32 s14, $0x2;
	s13 =	sand.u32 $0xFF, s13  }
0x92: {  	[sflag:s15] =	ssyncset.done $0x0;
	s14 =	sor.u32 $0x600, s14;
	s13 =	sshll.u32 s13, $0x8  }
0x93: {  	[sflag:s15] =	ssyncadd.s32 $0xFFFFD800;
	s15 =	sadd.s32 $0xB, s12;
	s13 =	sor.u32 $0x80, s13  }
0x94: {  	[spmem:s2] =	stream.indirect.scatter.add.f32 [tilespmem:s14], [sflag:s15], $0x80, s13, s0, $0xb8;
	[tilespmem:$0x1E600] =	vst v63  }
0x95: {  	s13 =	sadd.s32 $0x2, s7  }
0x96: {  	s14 =	smul.u32 $0xAB, s13;
	_ =	sdelay $0x1  }
0x97: {  	s14 =	sshrl.u32 s14, $0xA  }
0x98: {  	s14 =	sand.u32 $0x3F, s14  }
0x99: {  	s14 =	smul.u32 $0x6, s14;
	_ =	sdelay $0x1  }
0x9a: {  	s14 =	ssub.s32 s13, s14  }
0x9b: {  	s14 =	sand.u32 $0xFF, s14  }
0x9c: {  	s15 =	sadd.s32 $0x1, s14  }
0x9d: {  	p0 =	sgt.u32 s7, $0x1;
	_ =	swait.ge [sflag:s15], $0x50  }
.Ltmp6:
0x9e: {  	[sflag:s15] =	ssyncset.done $0x0;
	(pc) =	sbr.rel @!p0 .LBB2_6-.Ltmp6, $4  }
0x9f: {  	[sflag:s15] =	ssyncadd.s32 $0xFFFFFFB0  }
0xa0: {  	_ =	swait.ge [sflag:s15], $0x50  }
0xa1: {  	[sflag:s15] =	ssyncset.done $0x0  }
0xa2: {  	s14 =	sshll.u32 s14, $0x8;
	[sflag:s15] =	ssyncadd.s32 $0xFFFFFFB0  }
0xa3: {  	s13 =	sand.u32 $0x3, s13  }
0xa4: {  	s12 =	sxor.u32 $0x2, s12;
	p0 =	seq.s32 s7, $0x7A;
	s15 =	smul.u32 $0xA000, s13  }
.Ltmp7:
0xa5: {  	s12 =	sadd.s32 $0xB, s12;
	(pc) =	sbr.rel @p0 .LBB2_9-.Ltmp7, $4  }
.Ltmp8:
0xa6: {  	_ =	swait.ge [sflag:s12], $0x2800;
	(pc) =	sbr.rel @!p0 .LBB2_8-.Ltmp8, $4  }
0xa7: {  	[sflag:s12] =	ssyncset.done $0x0;
	s15 =	sshrl.u32 s15, $0x2  }
0xa8: {  	s13 =	sadd.s32 $0x7, s13;
	[sflag:s12] =	ssyncadd.s32 $0xFFFFD800;
	s15 =	sor.u32 $0x600, s15  }
0xa9: {  	[tilespmem:s15], [sflag:s13] =	stream.indirect.gather [hbm4b:s4+s0], $0x80, s14, s0, $0xb8;
	[tilespmem:$0x1E600] =	vst v63  }
0xaa: {  	_ = 	snop  }
.LBB2_11:
0xab: {  	_ =	sfence.sel $0x180000  }
0xac: {  	[bflag:$0x0] =	sbarrier.arrive $0xFFFF  }
0xad: {  	_ =	strace $0x90000047  }
0xae: {  	s0 =	stileid.u32;
	[bflag:$0x2] =	sbarrier.arrive $0xFFFF  }
0xaf: {  	p0 =	sne.s32 s0, $0x0;
	s0 =	rddreg [dreg:$0x3]  }
0xb0: {  	s0 =	sadd.s32 @!p0 $0x100000, s0  }
0xb1: {  	[sflag:s0] =	ssyncadd.tile.s32 @!p0 $0x1;
	_ =	shalt  }
.Lfunc_end2:
_tile_overlayer_lowered:
.L_overlay_start_2:
0xb2: {  	(tag) =	ssettag $0x2  }
0xb3: {  	s0 =	rddreg [dreg:$0x0];
	s2 =	stileid.u32  }
0xb4: {  	s1 =	rddreg [dreg:$0x1];
	p0 =	sne.s32 s2, $0x0  }
0xb5: {  	s3 =	rddreg [dreg:$0x2];
	[bflag:$0x3] =	sbarrier.arrive $0xFFFF;
	s2 =	simm.s32 @!p0 $0x1C0F  }
0xb6: {  	[timem:s3], [sflag:s2] =	dma.local @!p0 [hbm:s0], s1  }
0xb7: {  	s0 =	simm.s32 @!p0 $0xF  }
0xb8: {  	_ =	swait.ge @!p0 [sflag:s0], s1  }
0xb9: {  	s1 =	ssub.s32 @!p0 $0x0, s1;
	[sflag:s0] =	ssyncset.done @!p0 $0x0  }
0xba: {  	[sflag:s0] =	ssyncadd.s32 @!p0 s1  }
0xbb: {  	[bflag:$0x3] =	sbarrier.arrive $0xFFFF  }
0xbc: {  	_ =	shalt  }

</sc_bundles>
